<compile_context>
chip_gen: v7x
topology: tpu7x:2x2x1
jax: 0.10.2.dev20260603
libtpu: 0.0.44.dev20260713+nightly
codegen_flags: <defaults>
</compile_context>

<pallas_src>
import functools

import dataclasses
import functools

import numpy as np

import jax
import jax.numpy as jnp
from jax import lax
from jax.experimental import pallas as pl
from jax.experimental.pallas import tpu as pltpu
from jax.experimental.pallas import tpu_sc as plsc

N = 10000
D_IN = 64
RATIO = 0.125
M = int(N * RATIO)
R = 0.1
K = 128
BOTTLENECK = 256


def _leaky(x):
    return jnp.where(x > 0, x, 0.2 * x)


_FPS_ROWS = 80


def _fps_kernel(px_ref, py_ref, pz_ref, o_ref, d_ref):
    px = px_ref[...]
    py = py_ref[...]
    pz = pz_ref[...]
    rows, lanes = px.shape
    iota = jax.lax.broadcasted_iota(jnp.int32, (rows, lanes), 0) * lanes + \
        jax.lax.broadcasted_iota(jnp.int32, (rows, lanes), 1)
    pad = iota >= N
    intmax = jnp.int32(2**31 - 1)

    def extract(oh, v):
        return jnp.sum(jnp.where(oh, v, 0.0))

    def dist_to(nxt):
        oh = iota == nxt
        ex = px - extract(oh, px)
        ey = py - extract(oh, py)
        ez = pz - extract(oh, pz)
        return ex * ex + ey * ey + ez * ez

    o_ref[0] = 0
    d = jnp.where(pad, -1.0, dist_to(jnp.int32(0)))
    d_ref[...] = d

    def body(i, _):
        d = d_ref[...]
        mx = jnp.max(d)
        nxt = jnp.min(jnp.where(d == mx, iota, intmax))
        o_ref[i] = nxt
        d_ref[...] = jnp.minimum(d, dist_to(nxt))
        return ()

    jax.lax.fori_loop(1, M, body, (), unroll=False)


def _fps(pos, m):
    npad = _FPS_ROWS * 128
    posp = jnp.pad(pos, ((0, npad - pos.shape[0]), (0, 0)))
    px = posp[:, 0].reshape(_FPS_ROWS, 128)
    py = posp[:, 1].reshape(_FPS_ROWS, 128)
    pz = posp[:, 2].reshape(_FPS_ROWS, 128)
    return pl.pallas_call(
        _fps_kernel,
        out_shape=jax.ShapeDtypeStruct((m,), jnp.int32),
        out_specs=pl.BlockSpec(memory_space=pltpu.SMEM),
        scratch_shapes=[pltpu.VMEM((_FPS_ROWS, 128), jnp.float32)],
    )(px, py, pz)


def _mlp_kernel(xg_ref, rel_ref, vm_ref, cw4_ref,
                w1a_ref, w1b_ref, b1_ref, w2_ref, b2_ref, w3_ref, b3_ref,
                w4a_ref, w5_ref, b5_ref, mean_ref, std_ref):
    f32 = jnp.float32
    bf = jnp.bfloat16
    h1 = _leaky(jnp.dot(xg_ref[...], w1a_ref[...].astype(bf),
                        preferred_element_type=f32)
                + jnp.dot(rel_ref[...].astype(bf), w1b_ref[...].astype(bf),
                          preferred_element_type=f32)
                + b1_ref[...])
    h2 = _leaky(jnp.dot(h1.astype(bf), w2_ref[...].astype(bf),
                        preferred_element_type=f32) + b2_ref[...])
    z3 = jnp.dot(h2.astype(bf), w3_ref[...].astype(bf),
                 preferred_element_type=f32) + b3_ref[...]
    z3 = jnp.where(vm_ref[...] > 0, z3, -1e30)
    agg = _leaky(jnp.max(z3.reshape(64, 128, 512), axis=1))
    g = _leaky(jnp.dot(agg.astype(bf), w4a_ref[...].astype(bf),
                       preferred_element_type=f32) + cw4_ref[...])
    out = jnp.dot(g.astype(bf), w5_ref[...].astype(bf),
                  preferred_element_type=f32) + b5_ref[...]
    mean_ref[...] = out[:, :256]
    std_ref[...] = jnp.exp(0.5 * out[:, 256:])


def _mlp(xg, rel4, vm, cw4, W1a, W1b4, b1, W2, b2, W3, b3, W4a, W5, b5):
    mp = cw4.shape[0]
    grid = mp // 64
    full = lambda shape: pl.BlockSpec(shape, lambda i: (0, 0))
    mean, std = pl.pallas_call(
        _mlp_kernel,
        grid=(grid,),
        in_specs=[
            pl.BlockSpec((8192, 64), lambda i: (i, 0)),
            pl.BlockSpec((8192, 4), lambda i: (i, 0)),
            pl.BlockSpec((8192, 1), lambda i: (i, 0)),
            pl.BlockSpec((64, 512), lambda i: (i, 0)),
            full((64, 64)), full((4, 64)), full((1, 64)),
            full((64, 128)), full((1, 128)),
            full((128, 512)), full((1, 512)),
            full((512, 512)), full((512, 512)), full((1, 512)),
        ],
        out_specs=[
            pl.BlockSpec((64, 256), lambda i: (i, 0)),
            pl.BlockSpec((64, 256), lambda i: (i, 0)),
        ],
        out_shape=[
            jax.ShapeDtypeStruct((mp, 256), jnp.float32),
            jax.ShapeDtypeStruct((mp, 256), jnp.float32),
        ],
    )(xg, rel4, vm, cw4, W1a, W1b4, b1, W2, b2, W3, b3, W4a, W5, b5)
    return mean, std


_NPAD = 10240
_NGRP = 640
_PERM = (16 * (np.arange(_NPAD) % _NGRP) + np.arange(_NPAD) // _NGRP).astype(np.int32)


def _d2_kernel(c2_ref, pt_ref, sc_ref, sp_ref, o_ref):
    o_ref[...] = (sc_ref[...] + sp_ref[...]) - jnp.dot(
        c2_ref[...], pt_ref[...], preferred_element_type=jnp.float32)


def _d2_matrix(centers, pos):
    posp = jnp.pad(pos, ((0, _NPAD - pos.shape[0]), (0, 0)))
    pos_tp = posp.T[:, _PERM]
    s_p = jnp.pad(jnp.sum(pos ** 2, axis=1), (0, _NPAD - pos.shape[0]),
                  constant_values=1e30)[_PERM][None, :]
    s_c = jnp.sum(centers ** 2, axis=1)[:, None]
    c2 = 2.0 * centers
    nb = 8
    blk = _NPAD // nb
    return pl.pallas_call(
        _d2_kernel,
        grid=(nb,),
        in_specs=[
            pl.BlockSpec((M, 3), lambda i: (0, 0)),
            pl.BlockSpec((3, blk), lambda i: (0, i)),
            pl.BlockSpec((M, 1), lambda i: (0, 0)),
            pl.BlockSpec((1, blk), lambda i: (0, i)),
        ],
        out_specs=pl.BlockSpec((M, blk), lambda i: (0, i)),
        out_shape=jax.ShapeDtypeStruct((M, _NPAD), jnp.float32),
    )(c2, pos_tp, s_c, s_p)


def _sc_search_kernel(d2_hbm, xi_hbm, yi_hbm, gi_hbm, cnt_hbm,
                      row_v, cm_v, cm2_v, oxi_v, oyi_v, ogi_v, cnt_v, sem):
    wid = lax.axis_index("s") * 2 + lax.axis_index("c")
    start = wid * 40
    count = jnp.maximum(0, jnp.minimum(40, M - start))
    it = jnp.arange(16, dtype=jnp.int32)
    BIG = jnp.float32(3.0e38)
    R2 = jnp.float32(0.01)

    def find_min():
        acc = cm2_v[pl.ds(0, 16)]
        acc = jnp.minimum(acc, cm2_v[pl.ds(16, 16)])
        acc = jnp.minimum(acc, cm2_v[pl.ds(32, 16)])
        gmin = jnp.min(acc)
        iacc = jnp.full((16,), 10000, jnp.int32)
        for t in range(3):
            ch = cm2_v[pl.ds(t * 16, 16)]
            iacc = jnp.minimum(iacc, jnp.where(ch == gmin, it + t * 16, 10000))
        jc = jnp.min(iacc)
        ch = cm_v[pl.ds(jc * 16, 16)]
        jl = jnp.min(jnp.where(ch == gmin, it, 16))
        return gmin, jc * 16 + jl

    def one_center(ci, _):
        c = start + ci
        pltpu.async_copy(d2_hbm.at[c], row_v, sem).wait()

        def cm_chunk(jc, _):
            acc = row_v[pl.ds(jc * 16, 16)]
            for l in range(1, 16):
                acc = jnp.minimum(acc, row_v[pl.ds(l * _NGRP + jc * 16, 16)])
            cm_v[pl.ds(jc * 16, 16)] = acc
            return 0

        lax.fori_loop(0, 40, cm_chunk, 0)
        for t in range(3):
            cm2_v[pl.ds(t * 16, 16)] = jnp.full((16,), BIG, jnp.float32)

        def cm2_chunk(jc, _):
            m = jnp.min(cm_v[pl.ds(jc * 16, 16)])
            plsc.store_scatter(cm2_v, [jnp.full((16,), jc, jnp.int32)],
                               jnp.full((16,), m, jnp.float32), mask=it == 0)
            return 0

        lax.fori_loop(0, 40, cm2_chunk, 0)
        for t in range(8):
            oxi_v[pl.ds(t * 16, 16)] = jnp.full((16,), -1, jnp.int32)
            oyi_v[pl.ds(t * 16, 16)] = jnp.full((16,), -1, jnp.int32)
            ogi_v[pl.ds(t * 16, 16)] = jnp.zeros((16,), jnp.int32)

        gmin0, j0 = find_min()

        def cond(st):
            s, gmin, _ = st
            return jnp.logical_and(s < 128, gmin <= R2)

        def body(st):
            s, gmin, j = st
            qidx = it * _NGRP + j
            v16 = plsc.load_gather(row_v, [qidx])
            lst = jnp.min(jnp.where(v16 == gmin, it, 16))
            p = j * 16 + lst
            off = (s // 16) * 16
            msk = it == (s % 16)
            oxi_v[pl.ds(off, 16)] = jnp.where(msk, p, oxi_v[pl.ds(off, 16)])
            oyi_v[pl.ds(off, 16)] = jnp.where(msk, c, oyi_v[pl.ds(off, 16)])
            ogi_v[pl.ds(off, 16)] = jnp.where(msk, p, ogi_v[pl.ds(off, 16)])
            plsc.store_scatter(row_v, [qidx],
                               jnp.full((16,), BIG, jnp.float32), mask=it == lst)
            nm = jnp.min(jnp.where(it == lst, BIG, v16))
            plsc.store_scatter(cm_v, [jnp.full((16,), j, jnp.int32)],
                               jnp.full((16,), nm, jnp.float32), mask=it == 0)
            jc = j // 16
            nm2 = jnp.min(cm_v[pl.ds(jc * 16, 16)])
            plsc.store_scatter(cm2_v, [jnp.full((16,), jc, jnp.int32)],
                               jnp.full((16,), nm2, jnp.float32), mask=it == 0)
            g2, j2 = find_min()
            return s + 1, g2, j2

        s_fin, _, _ = lax.while_loop(cond, body, (jnp.int32(0), gmin0, j0))
        cnt_v[...] = jnp.where(it == 0, s_fin, 0)
        pltpu.sync_copy(oxi_v, xi_hbm.at[c])
        pltpu.sync_copy(oyi_v, yi_hbm.at[c])
        pltpu.sync_copy(ogi_v, gi_hbm.at[c])
        pltpu.sync_copy(cnt_v, cnt_hbm.at[c])
        return 0

    lax.fori_loop(0, count, one_center, 0)


def _sc_search(d2):
    cp = pltpu.CompilerParams()
    if "needs_layout_passes" in pltpu.CompilerParams.__dataclass_fields__:
        cp = dataclasses.replace(cp, needs_layout_passes=False)
    f = pl.kernel(
        _sc_search_kernel,
        mesh=plsc.VectorSubcoreMesh(core_axis_name="c", subcore_axis_name="s"),
        out_type=[
            jax.ShapeDtypeStruct((M, 128), jnp.int32),
            jax.ShapeDtypeStruct((M, 128), jnp.int32),
            jax.ShapeDtypeStruct((M, 128), jnp.int32),
            jax.ShapeDtypeStruct((M, 16), jnp.int32),
        ],
        scratch_types=[
            pltpu.VMEM((_NPAD,), jnp.float32),
            pltpu.VMEM((_NGRP,), jnp.float32),
            pltpu.VMEM((48,), jnp.float32),
            pltpu.VMEM((128,), jnp.int32),
            pltpu.VMEM((128,), jnp.int32),
            pltpu.VMEM((128,), jnp.int32),
            pltpu.VMEM((16,), jnp.int32),
            pltpu.SemaphoreType.DMA,
        ],
        compiler_params=cp,
    )
    return f(d2)


def kernel(x, pos, batch, W1, b1, W2, b2, W3, b3, W4, b4, W5, b5):
    idx = _fps(pos, M)
    centers = pos[idx]
    d2p = _d2_matrix(centers, pos)
    xi, yi, gi, _cntv = _sc_search(d2p)
    MP = 1280
    gi_p = jnp.pad(gi, ((0, MP - M), (0, 0)))
    xi_p = jnp.pad(xi, ((0, MP - M), (0, 0)), constant_values=-1)
    cen_p = jnp.pad(centers, ((0, MP - M), (0, 0)))
    xg = x.astype(jnp.bfloat16)[gi_p].reshape(MP * K, D_IN)
    rel4 = jnp.pad((pos[gi_p] - cen_p[:, None, :]).reshape(MP * K, 3),
                   ((0, 0), (0, 1)))
    vm = (xi_p >= 0).astype(jnp.float32).reshape(MP * K, 1)
    cw4 = cen_p @ W4[D_IN * 8:] + b4
    W1a = W1[:D_IN]
    W1b4 = jnp.pad(W1[D_IN:], ((0, 1), (0, 0)))
    mean_p, std_p = _mlp(xg, rel4, vm, cw4, W1a, W1b4, b1[None, :],
                         W2, b2[None, :], W3, b3[None, :],
                         W4[:D_IN * 8], W5, b5[None, :])
    mean = mean_p[:M]
    std = std_p[:M]
    x_idx = xi.reshape(-1)
    y_idx = yi.reshape(-1)
    return (mean, std, x_idx, y_idx)

# --- scband reference (transcript-rebuilt; emitter-appended) ---
"""Pipeline reference for scband-encoder-30253749633670 (READ-ONLY COPY).

The authoritative reference and input builder live on the scoring server;
editing this copy changes nothing except your own understanding.
"""

import jax, jax.numpy as jnp
import numpy as np

N = 10000
D_IN = 64
RATIO = 0.125
M = int(N * RATIO)
R = 0.1
K = 128
BOTTLENECK = 256


def _leaky(x):
    return jnp.where(x > 0, x, 0.2 * x)


def _fps(pos, m):
    # farthest point sampling, deterministic start at index 0
    pos = jax.lax.stop_gradient(pos)
    d = jnp.sum((pos - pos[0]) ** 2, axis=1)
    idxs = jnp.zeros((m,), dtype=jnp.int32)

    def body(i, carry):
        d, idxs = carry
        nxt = jnp.argmax(d).astype(jnp.int32)
        idxs = idxs.at[i].set(nxt)
        d = jnp.minimum(d, jnp.sum((pos - pos[nxt]) ** 2, axis=1))
        return (d, idxs)

    d, idxs = jax.lax.fori_loop(1, m, body, (d, idxs))
    return idxs


def setup_inputs(seed: int = 0):
    key = jax.random.key(seed)
    ks = jax.random.split(key, 8)

    def lin(k, fan_in, fan_out):
        return jax.random.normal(k, (fan_in, fan_out), dtype=jnp.float32) / np.sqrt(fan_in)

    return {
        "x": jax.random.normal(ks[0], (N, D_IN), dtype=jnp.float32),
        "pos": jax.random.uniform(ks[1], (N, 3), dtype=jnp.float32),
        "batch": jnp.zeros((N,), dtype=jnp.int32),
        "W1": lin(ks[2], D_IN + 3, 64), "b1": jnp.zeros((64,), jnp.float32),
        "W2": lin(ks[3], 64, 128), "b2": jnp.zeros((128,), jnp.float32),
        "W3": lin(ks[4], 128, 512), "b3": jnp.zeros((512,), jnp.float32),
        "W4": lin(ks[5], 512 + 3, 512), "b4": jnp.zeros((512,), jnp.float32),
        "W5": lin(ks[6], 512, 2 * BOTTLENECK), "b5": jnp.zeros((2 * BOTTLENECK,), jnp.float32),
    }


def _forward(x, pos, W1, b1, W2, b2, W3, b3, W4, b4, W5, b5):
    idx = _fps(pos, M)
    centers = pos[idx]  # [M, 3]
    # squared distances [M, N] via norms (avoids [M, N, 3] blowup)
    d2 = (jnp.sum(centers ** 2, axis=1)[:, None]
          + jnp.sum(pos ** 2, axis=1)[None, :]
          - 2.0 * centers @ pos.T)
    neg = jnp.where(d2 <= R * R, -d2, -1e30)
    vals, nbr = jax.lax.top_k(neg, K)  # [M, K] nearest-within-radius
    valid = vals > -1e29
    xj = x[nbr]                                  # gather [M, K, 64]
    rel = pos[nbr] - centers[:, None, :]         # [M, K, 3]
    feat = jnp.concatenate([xj, rel], axis=-1)   # [M, K, 67]
    h = _leaky(feat @ W1 + b1)
    h = _leaky(h @ W2 + b2)
    h = _leaky(h @ W3 + b3)                      # [M, K, 512]
    h = jnp.where(valid[:, :, None], h, -1e30)
    agg = jnp.max(h, axis=1)                     # PointConv max aggregation
    g = _leaky(jnp.concatenate([agg, centers], axis=-1) @ W4 + b4)
    out = g @ W5 + b5                            # [M, 2*bottleneck]
    mean, logvar = jnp.split(out, 2, axis=-1)
    std = jnp.exp(0.5 * logvar)
    return mean, std, nbr, valid


def reference(x, pos, batch, W1, b1, W2, b2, W3, b3, W4, b4, W5, b5):
    mean, std, nbr, valid = _forward(x, pos, W1, b1, W2, b2, W3, b3, W4, b4, W5, b5)
    x_idx = jnp.where(valid, nbr, -1).reshape(-1)
    y_idx = jnp.where(valid, jnp.broadcast_to(jnp.arange(M, dtype=nbr.dtype)[:, None], nbr.shape), -1).reshape(-1)
    return (mean, std, x_idx, y_idx)

if __name__ == "__main__":
    import jax
    _d = setup_inputs()
    print(jax.jit(kernel)(*tuple(_d.values())))

</pallas_src>

<mosaic_0001>
#map = affine_map<(d0, d1) -> (0, 0)>
module attributes {stable_mosaic.version = 14 : i64} {
  func.func @_sc_search_kernel(%arg0: i32, %arg1: i32, %arg2: memref<1250x10240xf32, #tpu.memory_space<hbm>>, %arg3: memref<1250x128xi32, #tpu.memory_space<hbm>>, %arg4: memref<1250x128xi32, #tpu.memory_space<hbm>>, %arg5: memref<1250x128xi32, #tpu.memory_space<hbm>>, %arg6: memref<1250x16xi32, #tpu.memory_space<hbm>>, %arg7: memref<10240xf32, #tpu.memory_space<vmem>>, %arg8: memref<640xf32, #tpu.memory_space<vmem>>, %arg9: memref<48xf32, #tpu.memory_space<vmem>>, %arg10: memref<128xi32, #tpu.memory_space<vmem>>, %arg11: memref<128xi32, #tpu.memory_space<vmem>>, %arg12: memref<128xi32, #tpu.memory_space<vmem>>, %arg13: memref<16xi32, #tpu.memory_space<vmem>>, %arg14: memref<!tpu.dma_semaphore, #tpu.memory_space<semaphore_mem>>) attributes {dimension_semantics = [#tpu.dimension_semantics<core_parallel>, #tpu.dimension_semantics<subcore_parallel>], iteration_bounds = array<i64: 2, 16>, scalar_prefetch = 0 : i64, scratch_operands = 8 : i64, tpu.core_type = #tpu.core_type<sc_vector_subcore>, window_params = [{transform_indices = #map}, {transform_indices = #map}, {transform_indices = #map}, {transform_indices = #map}, {transform_indices = #map}]} {
    %mul3A = arith.constant 2 : i32
    %mul3A_0 = arith.muli %arg1, %mul3A : i32
    %add3A = arith.addi %mul3A_0, %arg0 : i32
    %mul3A_1 = arith.constant 40 : i32
    %mul3A_2 = arith.muli %add3A, %mul3A_1 : i32
    %sub3A = arith.constant 1250 : i32
    %sub3A_3 = arith.subi %sub3A, %mul3A_2 : i32
    %min3A = arith.constant 40 : i32
    %min3A_4 = arith.minsi %min3A, %sub3A_3 : i32
    %max3A = arith.constant 0 : i32
    %max3A_5 = arith.maxsi %max3A, %min3A_4 : i32
    %iota3A = tpu.iota {dimensions = array<i32: 0>} : vector<16xi32>
    %while3A = arith.constant 3.000000e+38 : f32
    %while3A_6 = arith.constant 0.00999999977 : f32
    %while3A_7 = arith.constant 0 : i32
    %while3A_8 = arith.constant 0 : i32
    %while3A_9 = arith.subi %max3A_5, %while3A_7 : i32
    %while3A_10 = arith.addi %while3A_7, %while3A_9 : i32
    %while3A_11 = arith.constant 1 : i32
    %while3A_12 = arith.divsi %while3A_9, %while3A_11 : i32
    %while3A_13 = arith.muli %while3A_12, %while3A_11 : i32
    %while3A_14 = arith.addi %while3A_7, %while3A_13 : i32
    %while3A_15 = arith.constant 1 : i32
    %while3A_16 = scf.for %while3A_19 = %while3A_7 to %while3A_14 step %while3A_15 iter_args(%while3A_20 = %while3A_8) -> (i32)  : i32 {
      %add3A_21 = arith.addi %mul3A_2, %while3A_19 : i32
      %dma_start3A = arith.constant 0 : i32
      %dma_start3A_22 = tpu.memref_slice %arg2[%add3A_21, %dma_start3A] : memref<1250x10240xf32, #tpu.memory_space<hbm>> -> memref<1x10240xf32, #tpu.memory_space<hbm>>
      %dma_start3A_23 = tpu.memref_squeeze %dma_start3A_22 : memref<1x10240xf32, #tpu.memory_space<hbm>> -> memref<10240xf32, #tpu.memory_space<hbm>>
      %dma_start3A_24 = arith.constant 0 : i32
      %dma_start3A_25 = tpu.memref_slice %arg2[%add3A_21, %dma_start3A_24] : memref<1250x10240xf32, #tpu.memory_space<hbm>> -> memref<1x10240xf32, #tpu.memory_space<hbm>>
      %dma_start3A_26 = tpu.memref_squeeze %dma_start3A_25 : memref<1x10240xf32, #tpu.memory_space<hbm>> -> memref<10240xf32, #tpu.memory_space<hbm>>
      tpu.enqueue_dma source(%dma_start3A_26 : memref<10240xf32, #tpu.memory_space<hbm>>) target(%arg7 : memref<10240xf32, #tpu.memory_space<vmem>>) target_semaphore(%arg14 : memref<!tpu.dma_semaphore, #tpu.memory_space<semaphore_mem>>)
      %dma_wait3A = arith.constant 0 : i32
      %dma_wait3A_27 = tpu.memref_slice %arg2[%add3A_21, %dma_wait3A] : memref<1250x10240xf32, #tpu.memory_space<hbm>> -> memref<1x10240xf32, #tpu.memory_space<hbm>>
      %dma_wait3A_28 = tpu.memref_squeeze %dma_wait3A_27 : memref<1x10240xf32, #tpu.memory_space<hbm>> -> memref<10240xf32, #tpu.memory_space<hbm>>
      %dma_wait3A_29 = arith.constant 0 : i32
      %dma_wait3A_30 = tpu.memref_slice %arg2[%add3A_21, %dma_wait3A_29] : memref<1250x10240xf32, #tpu.memory_space<hbm>> -> memref<1x10240xf32, #tpu.memory_space<hbm>>
      %dma_wait3A_31 = tpu.memref_squeeze %dma_wait3A_30 : memref<1x10240xf32, #tpu.memory_space<hbm>> -> memref<10240xf32, #tpu.memory_space<hbm>>
      tpu.wait_dma2 semaphore(%arg14 : memref<!tpu.dma_semaphore, #tpu.memory_space<semaphore_mem>>) src(%dma_wait3A_31 : memref<10240xf32, #tpu.memory_space<hbm>>) dst(%arg7 : memref<10240xf32, #tpu.memory_space<vmem>>)
      %scan3A = arith.constant 0 : i32
      %scan3A_32 = arith.constant 0 : i32
      %scan3A_33 = arith.constant 40 : i32
      %scan3A_34 = arith.addi %scan3A_32, %scan3A_33 : i32
      %scan3A_35 = arith.constant 1 : i32
      %scan3A_36 = scf.for %scan3A_230 = %scan3A_32 to %scan3A_34 step %scan3A_35 iter_args(%scan3A_231 = %scan3A) -> (i32)  : i32 {
        %mul3A_232 = arith.constant 16 : i32
        %mul3A_233 = arith.muli %scan3A_230, %mul3A_232 : i32
        %get3A_234 = arith.index_cast %mul3A_233 : i32 to index
        %get3A_235 = tpu.vector_load %arg7[%get3A_234] {strides = array<i32>} : memref<10240xf32, #tpu.memory_space<vmem>>, vector<16xf32>,
        %mul3A_236 = arith.constant 16 : i32
        %mul3A_237 = arith.muli %scan3A_230, %mul3A_236 : i32
        %add3A_238 = arith.constant 640 : i32
        %add3A_239 = arith.addi %add3A_238, %mul3A_237 : i32
        %get3A_240 = arith.index_cast %add3A_239 : i32 to index
        %get3A_241 = tpu.vector_load %arg7[%get3A_240] {strides = array<i32>} : memref<10240xf32, #tpu.memory_space<vmem>>, vector<16xf32>,
        %min3A_242 = arith.minimumf %get3A_235, %get3A_241 : vector<16xf32>
        %mul3A_243 = arith.constant 16 : i32
        %mul3A_244 = arith.muli %scan3A_230, %mul3A_243 : i32
        %add3A_245 = arith.constant 1280 : i32
        %add3A_246 = arith.addi %add3A_245, %mul3A_244 : i32
        %get3A_247 = arith.index_cast %add3A_246 : i32 to index
        %get3A_248 = tpu.vector_load %arg7[%get3A_247] {strides = array<i32>} : memref<10240xf32, #tpu.memory_space<vmem>>, vector<16xf32>,
        %min3A_249 = arith.minimumf %min3A_242, %get3A_248 : vector<16xf32>
        %mul3A_250 = arith.constant 16 : i32
        %mul3A_251 = arith.muli %scan3A_230, %mul3A_250 : i32
        %add3A_252 = arith.constant 1920 : i32
        %add3A_253 = arith.addi %add3A_252, %mul3A_251 : i32
        %get3A_254 = arith.index_cast %add3A_253 : i32 to index
        %get3A_255 = tpu.vector_load %arg7[%get3A_254] {strides = array<i32>} : memref<10240xf32, #tpu.memory_space<vmem>>, vector<16xf32>,
        %min3A_256 = arith.minimumf %min3A_249, %get3A_255 : vector<16xf32>
        %mul3A_257 = arith.constant 16 : i32
        %mul3A_258 = arith.muli %scan3A_230, %mul3A_257 : i32
        %add3A_259 = arith.constant 2560 : i32
        %add3A_260 = arith.addi %add3A_259, %mul3A_258 : i32
        %get3A_261 = arith.index_cast %add3A_260 : i32 to index
        %get3A_262 = tpu.vector_load %arg7[%get3A_261] {strides = array<i32>} : memref<10240xf32, #tpu.memory_space<vmem>>, vector<16xf32>,
        %min3A_263 = arith.minimumf %min3A_256, %get3A_262 : vector<16xf32>
        %mul3A_264 = arith.constant 16 : i32
        %mul3A_265 = arith.muli %scan3A_230, %mul3A_264 : i32
        %add3A_266 = arith.constant 3200 : i32
        %add3A_267 = arith.addi %add3A_266, %mul3A_265 : i32
        %get3A_268 = arith.index_cast %add3A_267 : i32 to index
        %get3A_269 = tpu.vector_load %arg7[%get3A_268] {strides = array<i32>} : memref<10240xf32, #tpu.memory_space<vmem>>, vector<16xf32>,
        %min3A_270 = arith.minimumf %min3A_263, %get3A_269 : vector<16xf32>
        %mul3A_271 = arith.constant 16 : i32
        %mul3A_272 = arith.muli %scan3A_230, %mul3A_271 : i32
        %add3A_273 = arith.constant 3840 : i32
        %add3A_274 = arith.addi %add3A_273, %mul3A_272 : i32
        %get3A_275 = arith.index_cast %add3A_274 : i32 to index
        %get3A_276 = tpu.vector_load %arg7[%get3A_275] {strides = array<i32>} : memref<10240xf32, #tpu.memory_space<vmem>>, vector<16xf32>,
        %min3A_277 = arith.minimumf %min3A_270, %get3A_276 : vector<16xf32>
        %mul3A_278 = arith.constant 16 : i32
        %mul3A_279 = arith.muli %scan3A_230, %mul3A_278 : i32
        %add3A_280 = arith.constant 4480 : i32
        %add3A_281 = arith.addi %add3A_280, %mul3A_279 : i32
        %get3A_282 = arith.index_cast %add3A_281 : i32 to index
        %get3A_283 = tpu.vector_load %arg7[%get3A_282] {strides = array<i32>} : memref<10240xf32, #tpu.memory_space<vmem>>, vector<16xf32>,
        %min3A_284 = arith.minimumf %min3A_277, %get3A_283 : vector<16xf32>
        %mul3A_285 = arith.constant 16 : i32
        %mul3A_286 = arith.muli %scan3A_230, %mul3A_285 : i32
        %add3A_287 = arith.constant 5120 : i32
        %add3A_288 = arith.addi %add3A_287, %mul3A_286 : i32
        %get3A_289 = arith.index_cast %add3A_288 : i32 to index
        %get3A_290 = tpu.vector_load %arg7[%get3A_289] {strides = array<i32>} : memref<10240xf32, #tpu.memory_space<vmem>>, vector<16xf32>,
        %min3A_291 = arith.minimumf %min3A_284, %get3A_290 : vector<16xf32>
        %mul3A_292 = arith.constant 16 : i32
        %mul3A_293 = arith.muli %scan3A_230, %mul3A_292 : i32
        %add3A_294 = arith.constant 5760 : i32
        %add3A_295 = arith.addi %add3A_294, %mul3A_293 : i32
        %get3A_296 = arith.index_cast %add3A_295 : i32 to index
        %get3A_297 = tpu.vector_load %arg7[%get3A_296] {strides = array<i32>} : memref<10240xf32, #tpu.memory_space<vmem>>, vector<16xf32>,
        %min3A_298 = arith.minimumf %min3A_291, %get3A_297 : vector<16xf32>
        %mul3A_299 = arith.constant 16 : i32
        %mul3A_300 = arith.muli %scan3A_230, %mul3A_299 : i32
        %add3A_301 = arith.constant 6400 : i32
        %add3A_302 = arith.addi %add3A_301, %mul3A_300 : i32
        %get3A_303 = arith.index_cast %add3A_302 : i32 to index
        %get3A_304 = tpu.vector_load %arg7[%get3A_303] {strides = array<i32>} : memref<10240xf32, #tpu.memory_space<vmem>>, vector<16xf32>,
        %min3A_305 = arith.minimumf %min3A_298, %get3A_304 : vector<16xf32>
        %mul3A_306 = arith.constant 16 : i32
        %mul3A_307 = arith.muli %scan3A_230, %mul3A_306 : i32
        %add3A_308 = arith.constant 7040 : i32
        %add3A_309 = arith.addi %add3A_308, %mul3A_307 : i32
        %get3A_310 = arith.index_cast %add3A_309 : i32 to index
        %get3A_311 = tpu.vector_load %arg7[%get3A_310] {strides = array<i32>} : memref<10240xf32, #tpu.memory_space<vmem>>, vector<16xf32>,
        %min3A_312 = arith.minimumf %min3A_305, %get3A_311 : vector<16xf32>
        %mul3A_313 = arith.constant 16 : i32
        %mul3A_314 = arith.muli %scan3A_230, %mul3A_313 : i32
        %add3A_315 = arith.constant 7680 : i32
        %add3A_316 = arith.addi %add3A_315, %mul3A_314 : i32
        %get3A_317 = arith.index_cast %add3A_316 : i32 to index
        %get3A_318 = tpu.vector_load %arg7[%get3A_317] {strides = array<i32>} : memref<10240xf32, #tpu.memory_space<vmem>>, vector<16xf32>,
        %min3A_319 = arith.minimumf %min3A_312, %get3A_318 : vector<16xf32>
        %mul3A_320 = arith.constant 16 : i32
        %mul3A_321 = arith.muli %scan3A_230, %mul3A_320 : i32
        %add3A_322 = arith.constant 8320 : i32
        %add3A_323 = arith.addi %add3A_322, %mul3A_321 : i32
        %get3A_324 = arith.index_cast %add3A_323 : i32 to index
        %get3A_325 = tpu.vector_load %arg7[%get3A_324] {strides = array<i32>} : memref<10240xf32, #tpu.memory_space<vmem>>, vector<16xf32>,
        %min3A_326 = arith.minimumf %min3A_319, %get3A_325 : vector<16xf32>
        %mul3A_327 = arith.constant 16 : i32
        %mul3A_328 = arith.muli %scan3A_230, %mul3A_327 : i32
        %add3A_329 = arith.constant 8960 : i32
        %add3A_330 = arith.addi %add3A_329, %mul3A_328 : i32
        %get3A_331 = arith.index_cast %add3A_330 : i32 to index
        %get3A_332 = tpu.vector_load %arg7[%get3A_331] {strides = array<i32>} : memref<10240xf32, #tpu.memory_space<vmem>>, vector<16xf32>,
        %min3A_333 = arith.minimumf %min3A_326, %get3A_332 : vector<16xf32>
        %mul3A_334 = arith.constant 16 : i32
        %mul3A_335 = arith.muli %scan3A_230, %mul3A_334 : i32
        %add3A_336 = arith.constant 9600 : i32
        %add3A_337 = arith.addi %add3A_336, %mul3A_335 : i32
        %get3A_338 = arith.index_cast %add3A_337 : i32 to index
        %get3A_339 = tpu.vector_load %arg7[%get3A_338] {strides = array<i32>} : memref<10240xf32, #tpu.memory_space<vmem>>, vector<16xf32>,
        %min3A_340 = arith.minimumf %min3A_333, %get3A_339 : vector<16xf32>
        %mul3A_341 = arith.constant 16 : i32
        %mul3A_342 = arith.muli %scan3A_230, %mul3A_341 : i32
        %swap3A_343 = arith.index_cast %mul3A_342 : i32 to index
        %swap3A_344 = tpu.vector_load %arg8[%swap3A_343] {strides = array<i32>} : memref<640xf32, #tpu.memory_space<vmem>>, vector<16xf32>,
        tpu.vector_store %arg8[%swap3A_343], %min3A_340 {strides = array<i32>} : memref<640xf32, #tpu.memory_space<vmem>>, vector<16xf32>,
        %scan3A_345 = arith.constant 0 : i32
        scf.yield %scan3A_345 : i32
      }
      %scan3A_37 = arith.constant 40 : i32
      %broadcast_in_dim3A = vector.broadcast %while3A : f32 to vector<16xf32>
      %swap3A = arith.constant 0 : index
      %swap3A_38 = tpu.vector_load %arg9[%swap3A] {strides = array<i32>} : memref<48xf32, #tpu.memory_space<vmem>>, vector<16xf32>,
      tpu.vector_store %arg9[%swap3A], %broadcast_in_dim3A {strides = array<i32>} : memref<48xf32, #tpu.memory_space<vmem>>, vector<16xf32>,
      %broadcast_in_dim3A_39 = vector.broadcast %while3A : f32 to vector<16xf32>
      %swap3A_40 = arith.constant 16 : index
      %swap3A_41 = tpu.vector_load %arg9[%swap3A_40] {strides = array<i32>} : memref<48xf32, #tpu.memory_space<vmem>>, vector<16xf32>,
      tpu.vector_store %arg9[%swap3A_40], %broadcast_in_dim3A_39 {strides = array<i32>} : memref<48xf32, #tpu.memory_space<vmem>>, vector<16xf32>,
      %broadcast_in_dim3A_42 = vector.broadcast %while3A : f32 to vector<16xf32>
      %swap3A_43 = arith.constant 32 : index
      %swap3A_44 = tpu.vector_load %arg9[%swap3A_43] {strides = array<i32>} : memref<48xf32, #tpu.memory_space<vmem>>, vector<16xf32>,
      tpu.vector_store %arg9[%swap3A_43], %broadcast_in_dim3A_42 {strides = array<i32>} : memref<48xf32, #tpu.memory_space<vmem>>, vector<16xf32>,
      %scan3A_45 = arith.constant 0 : i32
      %scan3A_46 = arith.constant 0 : i32
      %scan3A_47 = arith.constant 40 : i32
      %scan3A_48 = arith.addi %scan3A_46, %scan3A_47 : i32
      %scan3A_49 = arith.constant 1 : i32
      %scan3A_50 = scf.for %scan3A_230 = %scan3A_46 to %scan3A_48 step %scan3A_49 iter_args(%scan3A_231 = %scan3A_45) -> (i32)  : i32 {
        %mul3A_232 = arith.constant 16 : i32
        %mul3A_233 = arith.muli %scan3A_230, %mul3A_232 : i32
        %get3A_234 = arith.index_cast %mul3A_233 : i32 to index
        %get3A_235 = tpu.vector_load %arg8[%get3A_234] {strides = array<i32>} : memref<640xf32, #tpu.memory_space<vmem>>, vector<16xf32>,
        %reduce_min3A_236 = arith.constant true
        %reduce_min3A_237 = vector.broadcast %reduce_min3A_236 : i1 to vector<16xi1>
        %reduce_min3A_238 = tpu.scan <min>, %get3A_235 masked %reduce_min3A_237 : vector<16xf32>, vector<16xi1> -> vector<16xf32>
        %reduce_min3A_239 = vector.extract %reduce_min3A_238[15] : f32 from vector<16xf32>
        %broadcast_in_dim3A_240 = vector.broadcast %scan3A_230 : i32 to vector<16xi32>
        %broadcast_in_dim3A_241 = vector.broadcast %reduce_min3A_239 : f32 to vector<16xf32>
        %eq3A_242 = arith.constant 0 : i32
        %eq3A_243 = vector.broadcast %eq3A_242 : i32 to vector<16xi32>
        %eq3A_244 = arith.cmpi eq, %iota3A, %eq3A_243 : vector<16xi32>
        tpu.vector_store_idx %arg9[%broadcast_in_dim3A_240], %broadcast_in_dim3A_241 masked %eq3A_244 : memref<48xf32, #tpu.memory_space<vmem>>[vector<16xi32>], vector<16xf32>, vector<16xi1>
        %scan3A_245 = arith.constant 0 : i32
        scf.yield %scan3A_245 : i32
      }
      %scan3A_51 = arith.constant 40 : i32
      %broadcast_in_dim3A_52 = arith.constant -1 : i32
      %broadcast_in_dim3A_53 = vector.broadcast %broadcast_in_dim3A_52 : i32 to vector<16xi32>
      %swap3A_54 = arith.constant 0 : index
      %swap3A_55 = tpu.vector_load %arg10[%swap3A_54] {strides = array<i32>} : memref<128xi32, #tpu.memory_space<vmem>>, vector<16xi32>,
      tpu.vector_store %arg10[%swap3A_54], %broadcast_in_dim3A_53 {strides = array<i32>} : memref<128xi32, #tpu.memory_space<vmem>>, vector<16xi32>,
      %broadcast_in_dim3A_56 = arith.constant -1 : i32
      %broadcast_in_dim3A_57 = vector.broadcast %broadcast_in_dim3A_56 : i32 to vector<16xi32>
      %swap3A_58 = arith.constant 0 : index
      %swap3A_59 = tpu.vector_load %arg11[%swap3A_58] {strides = array<i32>} : memref<128xi32, #tpu.memory_space<vmem>>, vector<16xi32>,
      tpu.vector_store %arg11[%swap3A_58], %broadcast_in_dim3A_57 {strides = array<i32>} : memref<128xi32, #tpu.memory_space<vmem>>, vector<16xi32>,
      %broadcast_in_dim3A_60 = arith.constant 0 : i32
      %broadcast_in_dim3A_61 = vector.broadcast %broadcast_in_dim3A_60 : i32 to vector<16xi32>
      %swap3A_62 = arith.constant 0 : index
      %swap3A_63 = tpu.vector_load %arg12[%swap3A_62] {strides = array<i32>} : memref<128xi32, #tpu.memory_space<vmem>>, vector<16xi32>,
      tpu.vector_store %arg12[%swap3A_62], %broadcast_in_dim3A_61 {strides = array<i32>} : memref<128xi32, #tpu.memory_space<vmem>>, vector<16xi32>,
      %broadcast_in_dim3A_64 = arith.constant -1 : i32
      %broadcast_in_dim3A_65 = vector.broadcast %broadcast_in_dim3A_64 : i32 to vector<16xi32>
      %swap3A_66 = arith.constant 16 : index
      %swap3A_67 = tpu.vector_load %arg10[%swap3A_66] {strides = array<i32>} : memref<128xi32, #tpu.memory_space<vmem>>, vector<16xi32>,
      tpu.vector_store %arg10[%swap3A_66], %broadcast_in_dim3A_65 {strides = array<i32>} : memref<128xi32, #tpu.memory_space<vmem>>, vector<16xi32>,
      %broadcast_in_dim3A_68 = arith.constant -1 : i32
      %broadcast_in_dim3A_69 = vector.broadcast %broadcast_in_dim3A_68 : i32 to vector<16xi32>
      %swap3A_70 = arith.constant 16 : index
      %swap3A_71 = tpu.vector_load %arg11[%swap3A_70] {strides = array<i32>} : memref<128xi32, #tpu.memory_space<vmem>>, vector<16xi32>,
      tpu.vector_store %arg11[%swap3A_70], %broadcast_in_dim3A_69 {strides = array<i32>} : memref<128xi32, #tpu.memory_space<vmem>>, vector<16xi32>,
      %broadcast_in_dim3A_72 = arith.constant 0 : i32
      %broadcast_in_dim3A_73 = vector.broadcast %broadcast_in_dim3A_72 : i32 to vector<16xi32>
      %swap3A_74 = arith.constant 16 : index
      %swap3A_75 = tpu.vector_load %arg12[%swap3A_74] {strides = array<i32>} : memref<128xi32, #tpu.memory_space<vmem>>, vector<16xi32>,
      tpu.vector_store %arg12[%swap3A_74], %broadcast_in_dim3A_73 {strides = array<i32>} : memref<128xi32, #tpu.memory_space<vmem>>, vector<16xi32>,
      %broadcast_in_dim3A_76 = arith.constant -1 : i32
      %broadcast_in_dim3A_77 = vector.broadcast %broadcast_in_dim3A_76 : i32 to vector<16xi32>
      %swap3A_78 = arith.constant 32 : index
      %swap3A_79 = tpu.vector_load %arg10[%swap3A_78] {strides = array<i32>} : memref<128xi32, #tpu.memory_space<vmem>>, vector<16xi32>,
      tpu.vector_store %arg10[%swap3A_78], %broadcast_in_dim3A_77 {strides = array<i32>} : memref<128xi32, #tpu.memory_space<vmem>>, vector<16xi32>,
      %broadcast_in_dim3A_80 = arith.constant -1 : i32
      %broadcast_in_dim3A_81 = vector.broadcast %broadcast_in_dim3A_80 : i32 to vector<16xi32>
      %swap3A_82 = arith.constant 32 : index
      %swap3A_83 = tpu.vector_load %arg11[%swap3A_82] {strides = array<i32>} : memref<128xi32, #tpu.memory_space<vmem>>, vector<16xi32>,
      tpu.vector_store %arg11[%swap3A_82], %broadcast_in_dim3A_81 {strides = array<i32>} : memref<128xi32, #tpu.memory_space<vmem>>, vector<16xi32>,
      %broadcast_in_dim3A_84 = arith.constant 0 : i32
      %broadcast_in_dim3A_85 = vector.broadcast %broadcast_in_dim3A_84 : i32 to vector<16xi32>
      %swap3A_86 = arith.constant 32 : index
      %swap3A_87 = tpu.vector_load %arg12[%swap3A_86] {strides = array<i32>} : memref<128xi32, #tpu.memory_space<vmem>>, vector<16xi32>,
      tpu.vector_store %arg12[%swap3A_86], %broadcast_in_dim3A_85 {strides = array<i32>} : memref<128xi32, #tpu.memory_space<vmem>>, vector<16xi32>,
      %broadcast_in_dim3A_88 = arith.constant -1 : i32
      %broadcast_in_dim3A_89 = vector.broadcast %broadcast_in_dim3A_88 : i32 to vector<16xi32>
      %swap3A_90 = arith.constant 48 : index
      %swap3A_91 = tpu.vector_load %arg10[%swap3A_90] {strides = array<i32>} : memref<128xi32, #tpu.memory_space<vmem>>, vector<16xi32>,
      tpu.vector_store %arg10[%swap3A_90], %broadcast_in_dim3A_89 {strides = array<i32>} : memref<128xi32, #tpu.memory_space<vmem>>, vector<16xi32>,
      %broadcast_in_dim3A_92 = arith.constant -1 : i32
      %broadcast_in_dim3A_93 = vector.broadcast %broadcast_in_dim3A_92 : i32 to vector<16xi32>
      %swap3A_94 = arith.constant 48 : index
      %swap3A_95 = tpu.vector_load %arg11[%swap3A_94] {strides = array<i32>} : memref<128xi32, #tpu.memory_space<vmem>>, vector<16xi32>,
      tpu.vector_store %arg11[%swap3A_94], %broadcast_in_dim3A_93 {strides = array<i32>} : memref<128xi32, #tpu.memory_space<vmem>>, vector<16xi32>,
      %broadcast_in_dim3A_96 = arith.constant 0 : i32
      %broadcast_in_dim3A_97 = vector.broadcast %broadcast_in_dim3A_96 : i32 to vector<16xi32>
      %swap3A_98 = arith.constant 48 : index
      %swap3A_99 = tpu.vector_load %arg12[%swap3A_98] {strides = array<i32>} : memref<128xi32, #tpu.memory_space<vmem>>, vector<16xi32>,
      tpu.vector_store %arg12[%swap3A_98], %broadcast_in_dim3A_97 {strides = array<i32>} : memref<128xi32, #tpu.memory_space<vmem>>, vector<16xi32>,
      %broadcast_in_dim3A_100 = arith.constant -1 : i32
      %broadcast_in_dim3A_101 = vector.broadcast %broadcast_in_dim3A_100 : i32 to vector<16xi32>
      %swap3A_102 = arith.constant 64 : index
      %swap3A_103 = tpu.vector_load %arg10[%swap3A_102] {strides = array<i32>} : memref<128xi32, #tpu.memory_space<vmem>>, vector<16xi32>,
      tpu.vector_store %arg10[%swap3A_102], %broadcast_in_dim3A_101 {strides = array<i32>} : memref<128xi32, #tpu.memory_space<vmem>>, vector<16xi32>,
      %broadcast_in_dim3A_104 = arith.constant -1 : i32
      %broadcast_in_dim3A_105 = vector.broadcast %broadcast_in_dim3A_104 : i32 to vector<16xi32>
      %swap3A_106 = arith.constant 64 : index
      %swap3A_107 = tpu.vector_load %arg11[%swap3A_106] {strides = array<i32>} : memref<128xi32, #tpu.memory_space<vmem>>, vector<16xi32>,
      tpu.vector_store %arg11[%swap3A_106], %broadcast_in_dim3A_105 {strides = array<i32>} : memref<128xi32, #tpu.memory_space<vmem>>, vector<16xi32>,
      %broadcast_in_dim3A_108 = arith.constant 0 : i32
      %broadcast_in_dim3A_109 = vector.broadcast %broadcast_in_dim3A_108 : i32 to vector<16xi32>
      %swap3A_110 = arith.constant 64 : index
      %swap3A_111 = tpu.vector_load %arg12[%swap3A_110] {strides = array<i32>} : memref<128xi32, #tpu.memory_space<vmem>>, vector<16xi32>,
      tpu.vector_store %arg12[%swap3A_110], %broadcast_in_dim3A_109 {strides = array<i32>} : memref<128xi32, #tpu.memory_space<vmem>>, vector<16xi32>,
      %broadcast_in_dim3A_112 = arith.constant -1 : i32
      %broadcast_in_dim3A_113 = vector.broadcast %broadcast_in_dim3A_112 : i32 to vector<16xi32>
      %swap3A_114 = arith.constant 80 : index
      %swap3A_115 = tpu.vector_load %arg10[%swap3A_114] {strides = array<i32>} : memref<128xi32, #tpu.memory_space<vmem>>, vector<16xi32>,
      tpu.vector_store %arg10[%swap3A_114], %broadcast_in_dim3A_113 {strides = array<i32>} : memref<128xi32, #tpu.memory_space<vmem>>, vector<16xi32>,
      %broadcast_in_dim3A_116 = arith.constant -1 : i32
      %broadcast_in_dim3A_117 = vector.broadcast %broadcast_in_dim3A_116 : i32 to vector<16xi32>
      %swap3A_118 = arith.constant 80 : index
      %swap3A_119 = tpu.vector_load %arg11[%swap3A_118] {strides = array<i32>} : memref<128xi32, #tpu.memory_space<vmem>>, vector<16xi32>,
      tpu.vector_store %arg11[%swap3A_118], %broadcast_in_dim3A_117 {strides = array<i32>} : memref<128xi32, #tpu.memory_space<vmem>>, vector<16xi32>,
      %broadcast_in_dim3A_120 = arith.constant 0 : i32
      %broadcast_in_dim3A_121 = vector.broadcast %broadcast_in_dim3A_120 : i32 to vector<16xi32>
      %swap3A_122 = arith.constant 80 : index
      %swap3A_123 = tpu.vector_load %arg12[%swap3A_122] {strides = array<i32>} : memref<128xi32, #tpu.memory_space<vmem>>, vector<16xi32>,
      tpu.vector_store %arg12[%swap3A_122], %broadcast_in_dim3A_121 {strides = array<i32>} : memref<128xi32, #tpu.memory_space<vmem>>, vector<16xi32>,
      %broadcast_in_dim3A_124 = arith.constant -1 : i32
      %broadcast_in_dim3A_125 = vector.broadcast %broadcast_in_dim3A_124 : i32 to vector<16xi32>
      %swap3A_126 = arith.constant 96 : index
      %swap3A_127 = tpu.vector_load %arg10[%swap3A_126] {strides = array<i32>} : memref<128xi32, #tpu.memory_space<vmem>>, vector<16xi32>,
      tpu.vector_store %arg10[%swap3A_126], %broadcast_in_dim3A_125 {strides = array<i32>} : memref<128xi32, #tpu.memory_space<vmem>>, vector<16xi32>,
      %broadcast_in_dim3A_128 = arith.constant -1 : i32
      %broadcast_in_dim3A_129 = vector.broadcast %broadcast_in_dim3A_128 : i32 to vector<16xi32>
      %swap3A_130 = arith.constant 96 : index
      %swap3A_131 = tpu.vector_load %arg11[%swap3A_130] {strides = array<i32>} : memref<128xi32, #tpu.memory_space<vmem>>, vector<16xi32>,
      tpu.vector_store %arg11[%swap3A_130], %broadcast_in_dim3A_129 {strides = array<i32>} : memref<128xi32, #tpu.memory_space<vmem>>, vector<16xi32>,
      %broadcast_in_dim3A_132 = arith.constant 0 : i32
      %broadcast_in_dim3A_133 = vector.broadcast %broadcast_in_dim3A_132 : i32 to vector<16xi32>
      %swap3A_134 = arith.constant 96 : index
      %swap3A_135 = tpu.vector_load %arg12[%swap3A_134] {strides = array<i32>} : memref<128xi32, #tpu.memory_space<vmem>>, vector<16xi32>,
      tpu.vector_store %arg12[%swap3A_134], %broadcast_in_dim3A_133 {strides = array<i32>} : memref<128xi32, #tpu.memory_space<vmem>>, vector<16xi32>,
      %broadcast_in_dim3A_136 = arith.constant -1 : i32
      %broadcast_in_dim3A_137 = vector.broadcast %broadcast_in_dim3A_136 : i32 to vector<16xi32>
      %swap3A_138 = arith.constant 112 : index
      %swap3A_139 = tpu.vector_load %arg10[%swap3A_138] {strides = array<i32>} : memref<128xi32, #tpu.memory_space<vmem>>, vector<16xi32>,
      tpu.vector_store %arg10[%swap3A_138], %broadcast_in_dim3A_137 {strides = array<i32>} : memref<128xi32, #tpu.memory_space<vmem>>, vector<16xi32>,
      %broadcast_in_dim3A_140 = arith.constant -1 : i32
      %broadcast_in_dim3A_141 = vector.broadcast %broadcast_in_dim3A_140 : i32 to vector<16xi32>
      %swap3A_142 = arith.constant 112 : index
      %swap3A_143 = tpu.vector_load %arg11[%swap3A_142] {strides = array<i32>} : memref<128xi32, #tpu.memory_space<vmem>>, vector<16xi32>,
      tpu.vector_store %arg11[%swap3A_142], %broadcast_in_dim3A_141 {strides = array<i32>} : memref<128xi32, #tpu.memory_space<vmem>>, vector<16xi32>,
      %broadcast_in_dim3A_144 = arith.constant 0 : i32
      %broadcast_in_dim3A_145 = vector.broadcast %broadcast_in_dim3A_144 : i32 to vector<16xi32>
      %swap3A_146 = arith.constant 112 : index
      %swap3A_147 = tpu.vector_load %arg12[%swap3A_146] {strides = array<i32>} : memref<128xi32, #tpu.memory_space<vmem>>, vector<16xi32>,
      tpu.vector_store %arg12[%swap3A_146], %broadcast_in_dim3A_145 {strides = array<i32>} : memref<128xi32, #tpu.memory_space<vmem>>, vector<16xi32>,
      %get3A = arith.constant 0 : index
      %get3A_148 = tpu.vector_load %arg9[%get3A] {strides = array<i32>} : memref<48xf32, #tpu.memory_space<vmem>>, vector<16xf32>,
      %get3A_149 = arith.constant 16 : index
      %get3A_150 = tpu.vector_load %arg9[%get3A_149] {strides = array<i32>} : memref<48xf32, #tpu.memory_space<vmem>>, vector<16xf32>,
      %min3A_151 = arith.minimumf %get3A_148, %get3A_150 : vector<16xf32>
      %get3A_152 = arith.constant 32 : index
      %get3A_153 = tpu.vector_load %arg9[%get3A_152] {strides = array<i32>} : memref<48xf32, #tpu.memory_space<vmem>>, vector<16xf32>,
      %min3A_154 = arith.minimumf %min3A_151, %get3A_153 : vector<16xf32>
      %reduce_min3A = arith.constant true
      %reduce_min3A_155 = vector.broadcast %reduce_min3A : i1 to vector<16xi1>
      %reduce_min3A_156 = tpu.scan <min>, %min3A_154 masked %reduce_min3A_155 : vector<16xf32>, vector<16xi1> -> vector<16xf32>
      %reduce_min3A_157 = vector.extract %reduce_min3A_156[15] : f32 from vector<16xf32>
      %broadcast_in_dim3A_158 = arith.constant 10000 : i32
      %broadcast_in_dim3A_159 = vector.broadcast %broadcast_in_dim3A_158 : i32 to vector<16xi32>
      %get3A_160 = arith.constant 0 : index
      %get3A_161 = tpu.vector_load %arg9[%get3A_160] {strides = array<i32>} : memref<48xf32, #tpu.memory_space<vmem>>, vector<16xf32>,
      %eq3A = vector.broadcast %reduce_min3A_157 : f32 to vector<16xf32>
      %eq3A_162 = arith.cmpf oeq, %get3A_161, %eq3A : vector<16xf32>
      %add3A_163 = arith.constant 0 : i32
      %add3A_164 = vector.broadcast %add3A_163 : i32 to vector<16xi32>
      %add3A_165 = arith.addi %iota3A, %add3A_164 : vector<16xi32>
      %jit3A = arith.constant 10000 : i32
      %broadcast_in_dim3A_166 = vector.broadcast %jit3A : i32 to vector<16xi32>
      %select_n3A = arith.select %eq3A_162, %add3A_165, %broadcast_in_dim3A_166 : vector<16xi1>, vector<16xi32>
      %min3A_167 = arith.minsi %broadcast_in_dim3A_159, %select_n3A : vector<16xi32>
      %get3A_168 = arith.constant 16 : index
      %get3A_169 = tpu.vector_load %arg9[%get3A_168] {strides = array<i32>} : memref<48xf32, #tpu.memory_space<vmem>>, vector<16xf32>,
      %eq3A_170 = vector.broadcast %reduce_min3A_157 : f32 to vector<16xf32>
      %eq3A_171 = arith.cmpf oeq, %get3A_169, %eq3A_170 : vector<16xf32>
      %add3A_172 = arith.constant 16 : i32
      %add3A_173 = vector.broadcast %add3A_172 : i32 to vector<16xi32>
      %add3A_174 = arith.addi %iota3A, %add3A_173 : vector<16xi32>
      %jit3A_175 = arith.constant 10000 : i32
      %broadcast_in_dim3A_176 = vector.broadcast %jit3A_175 : i32 to vector<16xi32>
      %select_n3A_177 = arith.select %eq3A_171, %add3A_174, %broadcast_in_dim3A_176 : vector<16xi1>, vector<16xi32>
      %min3A_178 = arith.minsi %min3A_167, %select_n3A_177 : vector<16xi32>
      %get3A_179 = arith.constant 32 : index
      %get3A_180 = tpu.vector_load %arg9[%get3A_179] {strides = array<i32>} : memref<48xf32, #tpu.memory_space<vmem>>, vector<16xf32>,
      %eq3A_181 = vector.broadcast %reduce_min3A_157 : f32 to vector<16xf32>
      %eq3A_182 = arith.cmpf oeq, %get3A_180, %eq3A_181 : vector<16xf32>
      %add3A_183 = arith.constant 32 : i32
      %add3A_184 = vector.broadcast %add3A_183 : i32 to vector<16xi32>
      %add3A_185 = arith.addi %iota3A, %add3A_184 : vector<16xi32>
      %jit3A_186 = arith.constant 10000 : i32
      %broadcast_in_dim3A_187 = vector.broadcast %jit3A_186 : i32 to vector<16xi32>
      %select_n3A_188 = arith.select %eq3A_182, %add3A_185, %broadcast_in_dim3A_187 : vector<16xi1>, vector<16xi32>
      %min3A_189 = arith.minsi %min3A_178, %select_n3A_188 : vector<16xi32>
      %reduce_min3A_190 = arith.constant true
      %reduce_min3A_191 = vector.broadcast %reduce_min3A_190 : i1 to vector<16xi1>
      %reduce_min3A_192 = arith.constant -2147483648 : i32
      %reduce_min3A_193 = vector.broadcast %reduce_min3A_192 : i32 to vector<16xi32>
      %reduce_min3A_194 = arith.xori %min3A_189, %reduce_min3A_193 : vector<16xi32>
      %reduce_min3A_195 = tpu.scan <min>, %reduce_min3A_194 masked %reduce_min3A_191 : vector<16xi32>, vector<16xi1> -> vector<16xi32>
      %reduce_min3A_196 = arith.xori %reduce_min3A_195, %reduce_min3A_193 : vector<16xi32>
      %reduce_min3A_197 = vector.extract %reduce_min3A_196[15] : i32 from vector<16xi32>
      %mul3A_198 = arith.constant 16 : i32
      %mul3A_199 = arith.muli %reduce_min3A_197, %mul3A_198 : i32
      %get3A_200 = arith.index_cast %mul3A_199 : i32 to index
      %get3A_201 = tpu.vector_load %arg8[%get3A_200] {strides = array<i32>} : memref<640xf32, #tpu.memory_space<vmem>>, vector<16xf32>,
      %eq3A_202 = vector.broadcast %reduce_min3A_157 : f32 to vector<16xf32>
      %eq3A_203 = arith.cmpf oeq, %get3A_201, %eq3A_202 : vector<16xf32>
      %jit3A_204 = arith.constant 16 : i32
      %broadcast_in_dim3A_205 = vector.broadcast %jit3A_204 : i32 to vector<16xi32>
      %select_n3A_206 = arith.select %eq3A_203, %iota3A, %broadcast_in_dim3A_205 : vector<16xi1>, vector<16xi32>
      %reduce_min3A_207 = arith.constant true
      %reduce_min3A_208 = vector.broadcast %reduce_min3A_207 : i1 to vector<16xi1>
      %reduce_min3A_209 = arith.constant -2147483648 : i32
      %reduce_min3A_210 = vector.broadcast %reduce_min3A_209 : i32 to vector<16xi32>
      %reduce_min3A_211 = arith.xori %select_n3A_206, %reduce_min3A_210 : vector<16xi32>
      %reduce_min3A_212 = tpu.scan <min>, %reduce_min3A_211 masked %reduce_min3A_208 : vector<16xi32>, vector<16xi1> -> vector<16xi32>
      %reduce_min3A_213 = arith.xori %reduce_min3A_212, %reduce_min3A_210 : vector<16xi32>
      %reduce_min3A_214 = vector.extract %reduce_min3A_213[15] : i32 from vector<16xi32>
      %mul3A_215 = arith.constant 16 : i32
      %mul3A_216 = arith.muli %reduce_min3A_197, %mul3A_215 : i32
      %add3A_217 = arith.addi %mul3A_216, %reduce_min3A_214 : i32
      %while3A_218 = arith.constant 0 : i32
      %while3A_219:3 = scf.while (%while3A_230 = %while3A_218, %while3A_231 = %reduce_min3A_157, %while3A_232 = %add3A_217) : (i32, f32, i32) -> (i32, f32, i32) {
        %lt3A = arith.constant 128 : i32
        %lt3A_233 = arith.cmpi slt, %while3A_230, %lt3A : i32
        %le3A = arith.cmpf ole, %while3A_231, %while3A_6 : f32
        %and3A = arith.andi %lt3A_233, %le3A : i1
        scf.condition(%and3A) %while3A_230, %while3A_231, %while3A_232 : i32, f32, i32
      } do {
      ^bb0(%while3A_230: i32, %while3A_231: f32, %while3A_232: i32):
        %mul3A_233 = arith.constant 640 : i32
        %mul3A_234 = vector.broadcast %mul3A_233 : i32 to vector<16xi32>
        %mul3A_235 = arith.muli %iota3A, %mul3A_234 : vector<16xi32>
        %add3A_236 = vector.broadcast %while3A_232 : i32 to vector<16xi32>
        %add3A_237 = arith.addi %mul3A_235, %add3A_236 : vector<16xi32>
        %gather3A = tpu.vector_load_idx %arg7[%add3A_237] : memref<10240xf32, #tpu.memory_space<vmem>>[vector<16xi32>], vector<16xf32>,
        %eq3A_238 = vector.broadcast %while3A_231 : f32 to vector<16xf32>
        %eq3A_239 = arith.cmpf oeq, %gather3A, %eq3A_238 : vector<16xf32>
        %jit3A_240 = arith.constant 16 : i32
        %broadcast_in_dim3A_241 = vector.broadcast %jit3A_240 : i32 to vector<16xi32>
        %select_n3A_242 = arith.select %eq3A_239, %iota3A, %broadcast_in_dim3A_241 : vector<16xi1>, vector<16xi32>
        %reduce_min3A_243 = arith.constant true
        %reduce_min3A_244 = vector.broadcast %reduce_min3A_243 : i1 to vector<16xi1>
        %reduce_min3A_245 = arith.constant -2147483648 : i32
        %reduce_min3A_246 = vector.broadcast %reduce_min3A_245 : i32 to vector<16xi32>
        %reduce_min3A_247 = arith.xori %select_n3A_242, %reduce_min3A_246 : vector<16xi32>
        %reduce_min3A_248 = tpu.scan <min>, %reduce_min3A_247 masked %reduce_min3A_244 : vector<16xi32>, vector<16xi1> -> vector<16xi32>
        %reduce_min3A_249 = arith.xori %reduce_min3A_248, %reduce_min3A_246 : vector<16xi32>
        %reduce_min3A_250 = vector.extract %reduce_min3A_249[15] : i32 from vector<16xi32>
        %mul3A_251 = arith.constant 16 : i32
        %mul3A_252 = arith.muli %while3A_232, %mul3A_251 : i32
        %add3A_253 = arith.addi %mul3A_252, %reduce_min3A_250 : i32
        %jit3A_254 = arith.constant 16 : i32
        %div3A = arith.divsi %while3A_230, %jit3A_254 : i32
        %sign3A = arith.constant 0 : i32
        %sign3A_255 = arith.cmpi sgt, %while3A_230, %sign3A : i32
        %sign3A_256 = arith.extui %sign3A_255 : i1 to i32
        %sign3A_257 = arith.constant 0 : i32
        %sign3A_258 = arith.cmpi slt, %while3A_230, %sign3A_257 : i32
        %sign3A_259 = arith.extui %sign3A_258 : i1 to i32
        %sign3A_260 = arith.subi %sign3A_256, %sign3A_259 : i32
        %sign3A_261 = arith.constant 0 : i32
        %sign3A_262 = arith.cmpi sgt, %jit3A_254, %sign3A_261 : i32
        %sign3A_263 = arith.extui %sign3A_262 : i1 to i32
        %sign3A_264 = arith.constant 0 : i32
        %sign3A_265 = arith.cmpi slt, %jit3A_254, %sign3A_264 : i32
        %sign3A_266 = arith.extui %sign3A_265 : i1 to i32
        %sign3A_267 = arith.subi %sign3A_263, %sign3A_266 : i32
        %ne3A = arith.cmpi ne, %sign3A_260, %sign3A_267 : i32
        %rem3A = arith.remsi %while3A_230, %jit3A_254 : i32
        %ne3A_268 = arith.constant 0 : i32
        %ne3A_269 = arith.cmpi ne, %rem3A, %ne3A_268 : i32
        %and3A = arith.andi %ne3A, %ne3A_269 : i1
        %sub3A_270 = arith.constant 1 : i32
        %sub3A_271 = arith.subi %div3A, %sub3A_270 : i32
        %select_n3A_272 = arith.select %and3A, %sub3A_271, %div3A : i32
        %mul3A_273 = arith.constant 16 : i32
        %mul3A_274 = arith.muli %select_n3A_272, %mul3A_273 : i32
        %jit3A_275 = arith.constant 16 : i32
        %eq3A_276 = arith.constant 0 : i32
        %eq3A_277 = arith.cmpi eq, %jit3A_275, %eq3A_276 : i32
        %jit3A_278 = arith.constant 1 : i32
        %select_n3A_279 = arith.select %eq3A_277, %jit3A_278, %jit3A_275 : i32
        %rem3A_280 = arith.remsi %while3A_230, %select_n3A_279 : i32
        %ne3A_281 = arith.constant 0 : i32
        %ne3A_282 = arith.cmpi ne, %rem3A_280, %ne3A_281 : i32
        %lt3A = arith.constant 0 : i32
        %lt3A_283 = arith.cmpi slt, %rem3A_280, %lt3A : i32
        %lt3A_284 = arith.constant 0 : i32
        %lt3A_285 = arith.cmpi slt, %select_n3A_279, %lt3A_284 : i32
        %ne3A_286 = arith.xori %lt3A_283, %lt3A_285 : i1
        %and3A_287 = arith.andi %ne3A_286, %ne3A_282 : i1
        %add3A_288 = arith.addi %rem3A_280, %select_n3A_279 : i32
        %select_n3A_289 = arith.select %and3A_287, %add3A_288, %rem3A_280 : i32
        %eq3A_290 = vector.broadcast %select_n3A_289 : i32 to vector<16xi32>
        %eq3A_291 = arith.cmpi eq, %iota3A, %eq3A_290 : vector<16xi32>
        %get3A_292 = arith.index_cast %mul3A_274 : i32 to index
        %get3A_293 = tpu.vector_load %arg10[%get3A_292] {strides = array<i32>} : memref<128xi32, #tpu.memory_space<vmem>>, vector<16xi32>,
        %broadcast_in_dim3A_294 = vector.broadcast %add3A_253 : i32 to vector<16xi32>
        %select_n3A_295 = arith.select %eq3A_291, %broadcast_in_dim3A_294, %get3A_293 : vector<16xi1>, vector<16xi32>
        %swap3A_296 = arith.index_cast %mul3A_274 : i32 to index
        %swap3A_297 = tpu.vector_load %arg10[%swap3A_296] {strides = array<i32>} : memref<128xi32, #tpu.memory_space<vmem>>, vector<16xi32>,
        tpu.vector_store %arg10[%swap3A_296], %select_n3A_295 {strides = array<i32>} : memref<128xi32, #tpu.memory_space<vmem>>, vector<16xi32>,
        %get3A_298 = arith.index_cast %mul3A_274 : i32 to index
        %get3A_299 = tpu.vector_load %arg11[%get3A_298] {strides = array<i32>} : memref<128xi32, #tpu.memory_space<vmem>>, vector<16xi32>,
        %broadcast_in_dim3A_300 = vector.broadcast %add3A_21 : i32 to vector<16xi32>
        %select_n3A_301 = arith.select %eq3A_291, %broadcast_in_dim3A_300, %get3A_299 : vector<16xi1>, vector<16xi32>
        %swap3A_302 = arith.index_cast %mul3A_274 : i32 to index
        %swap3A_303 = tpu.vector_load %arg11[%swap3A_302] {strides = array<i32>} : memref<128xi32, #tpu.memory_space<vmem>>, vector<16xi32>,
        tpu.vector_store %arg11[%swap3A_302], %select_n3A_301 {strides = array<i32>} : memref<128xi32, #tpu.memory_space<vmem>>, vector<16xi32>,
        %get3A_304 = arith.index_cast %mul3A_274 : i32 to index
        %get3A_305 = tpu.vector_load %arg12[%get3A_304] {strides = array<i32>} : memref<128xi32, #tpu.memory_space<vmem>>, vector<16xi32>,
        %broadcast_in_dim3A_306 = vector.broadcast %add3A_253 : i32 to vector<16xi32>
        %select_n3A_307 = arith.select %eq3A_291, %broadcast_in_dim3A_306, %get3A_305 : vector<16xi1>, vector<16xi32>
        %swap3A_308 = arith.index_cast %mul3A_274 : i32 to index
        %swap3A_309 = tpu.vector_load %arg12[%swap3A_308] {strides = array<i32>} : memref<128xi32, #tpu.memory_space<vmem>>, vector<16xi32>,
        tpu.vector_store %arg12[%swap3A_308], %select_n3A_307 {strides = array<i32>} : memref<128xi32, #tpu.memory_space<vmem>>, vector<16xi32>,
        %broadcast_in_dim3A_310 = vector.broadcast %while3A : f32 to vector<16xf32>
        %eq3A_311 = vector.broadcast %reduce_min3A_250 : i32 to vector<16xi32>
        %eq3A_312 = arith.cmpi eq, %iota3A, %eq3A_311 : vector<16xi32>
        tpu.vector_store_idx %arg7[%add3A_237], %broadcast_in_dim3A_310 masked %eq3A_312 : memref<10240xf32, #tpu.memory_space<vmem>>[vector<16xi32>], vector<16xf32>, vector<16xi1>
        %eq3A_313 = vector.broadcast %reduce_min3A_250 : i32 to vector<16xi32>
        %eq3A_314 = arith.cmpi eq, %iota3A, %eq3A_313 : vector<16xi32>
        %broadcast_in_dim3A_315 = vector.broadcast %while3A : f32 to vector<16xf32>
        %select_n3A_316 = arith.select %eq3A_314, %broadcast_in_dim3A_315, %gather3A : vector<16xi1>, vector<16xf32>
        %reduce_min3A_317 = arith.constant true
        %reduce_min3A_318 = vector.broadcast %reduce_min3A_317 : i1 to vector<16xi1>
        %reduce_min3A_319 = tpu.scan <min>, %select_n3A_316 masked %reduce_min3A_318 : vector<16xf32>, vector<16xi1> -> vector<16xf32>
        %reduce_min3A_320 = vector.extract %reduce_min3A_319[15] : f32 from vector<16xf32>
        %broadcast_in_dim3A_321 = vector.broadcast %while3A_232 : i32 to vector<16xi32>
        %broadcast_in_dim3A_322 = vector.broadcast %reduce_min3A_320 : f32 to vector<16xf32>
        %eq3A_323 = arith.constant 0 : i32
        %eq3A_324 = vector.broadcast %eq3A_323 : i32 to vector<16xi32>
        %eq3A_325 = arith.cmpi eq, %iota3A, %eq3A_324 : vector<16xi32>
        tpu.vector_store_idx %arg8[%broadcast_in_dim3A_321], %broadcast_in_dim3A_322 masked %eq3A_325 : memref<640xf32, #tpu.memory_space<vmem>>[vector<16xi32>], vector<16xf32>, vector<16xi1>
        %jit3A_326 = arith.constant 16 : i32
        %div3A_327 = arith.divsi %while3A_232, %jit3A_326 : i32
        %sign3A_328 = arith.constant 0 : i32
        %sign3A_329 = arith.cmpi sgt, %while3A_232, %sign3A_328 : i32
        %sign3A_330 = arith.extui %sign3A_329 : i1 to i32
        %sign3A_331 = arith.constant 0 : i32
        %sign3A_332 = arith.cmpi slt, %while3A_232, %sign3A_331 : i32
        %sign3A_333 = arith.extui %sign3A_332 : i1 to i32
        %sign3A_334 = arith.subi %sign3A_330, %sign3A_333 : i32
        %sign3A_335 = arith.constant 0 : i32
        %sign3A_336 = arith.cmpi sgt, %jit3A_326, %sign3A_335 : i32
        %sign3A_337 = arith.extui %sign3A_336 : i1 to i32
        %sign3A_338 = arith.constant 0 : i32
        %sign3A_339 = arith.cmpi slt, %jit3A_326, %sign3A_338 : i32
        %sign3A_340 = arith.extui %sign3A_339 : i1 to i32
        %sign3A_341 = arith.subi %sign3A_337, %sign3A_340 : i32
        %ne3A_342 = arith.cmpi ne, %sign3A_334, %sign3A_341 : i32
        %rem3A_343 = arith.remsi %while3A_232, %jit3A_326 : i32
        %ne3A_344 = arith.constant 0 : i32
        %ne3A_345 = arith.cmpi ne, %rem3A_343, %ne3A_344 : i32
        %and3A_346 = arith.andi %ne3A_342, %ne3A_345 : i1
        %sub3A_347 = arith.constant 1 : i32
        %sub3A_348 = arith.subi %div3A_327, %sub3A_347 : i32
        %select_n3A_349 = arith.select %and3A_346, %sub3A_348, %div3A_327 : i32
        %mul3A_350 = arith.constant 16 : i32
        %mul3A_351 = arith.muli %select_n3A_349, %mul3A_350 : i32
        %get3A_352 = arith.index_cast %mul3A_351 : i32 to index
        %get3A_353 = tpu.vector_load %arg8[%get3A_352] {strides = array<i32>} : memref<640xf32, #tpu.memory_space<vmem>>, vector<16xf32>,
        %reduce_min3A_354 = arith.constant true
        %reduce_min3A_355 = vector.broadcast %reduce_min3A_354 : i1 to vector<16xi1>
        %reduce_min3A_356 = tpu.scan <min>, %get3A_353 masked %reduce_min3A_355 : vector<16xf32>, vector<16xi1> -> vector<16xf32>
        %reduce_min3A_357 = vector.extract %reduce_min3A_356[15] : f32 from vector<16xf32>
        %broadcast_in_dim3A_358 = vector.broadcast %select_n3A_349 : i32 to vector<16xi32>
        %broadcast_in_dim3A_359 = vector.broadcast %reduce_min3A_357 : f32 to vector<16xf32>
        %eq3A_360 = arith.constant 0 : i32
        %eq3A_361 = vector.broadcast %eq3A_360 : i32 to vector<16xi32>
        %eq3A_362 = arith.cmpi eq, %iota3A, %eq3A_361 : vector<16xi32>
        tpu.vector_store_idx %arg9[%broadcast_in_dim3A_358], %broadcast_in_dim3A_359 masked %eq3A_362 : memref<48xf32, #tpu.memory_space<vmem>>[vector<16xi32>], vector<16xf32>, vector<16xi1>
        %get3A_363 = arith.constant 0 : index
        %get3A_364 = tpu.vector_load %arg9[%get3A_363] {strides = array<i32>} : memref<48xf32, #tpu.memory_space<vmem>>, vector<16xf32>,
        %get3A_365 = arith.constant 16 : index
        %get3A_366 = tpu.vector_load %arg9[%get3A_365] {strides = array<i32>} : memref<48xf32, #tpu.memory_space<vmem>>, vector<16xf32>,
        %min3A_367 = arith.minimumf %get3A_364, %get3A_366 : vector<16xf32>
        %get3A_368 = arith.constant 32 : index
        %get3A_369 = tpu.vector_load %arg9[%get3A_368] {strides = array<i32>} : memref<48xf32, #tpu.memory_space<vmem>>, vector<16xf32>,
        %min3A_370 = arith.minimumf %min3A_367, %get3A_369 : vector<16xf32>
        %reduce_min3A_371 = arith.constant true
        %reduce_min3A_372 = vector.broadcast %reduce_min3A_371 : i1 to vector<16xi1>
        %reduce_min3A_373 = tpu.scan <min>, %min3A_370 masked %reduce_min3A_372 : vector<16xf32>, vector<16xi1> -> vector<16xf32>
        %reduce_min3A_374 = vector.extract %reduce_min3A_373[15] : f32 from vector<16xf32>
        %broadcast_in_dim3A_375 = arith.constant 10000 : i32
        %broadcast_in_dim3A_376 = vector.broadcast %broadcast_in_dim3A_375 : i32 to vector<16xi32>
        %get3A_377 = arith.constant 0 : index
        %get3A_378 = tpu.vector_load %arg9[%get3A_377] {strides = array<i32>} : memref<48xf32, #tpu.memory_space<vmem>>, vector<16xf32>,
        %eq3A_379 = vector.broadcast %reduce_min3A_374 : f32 to vector<16xf32>
        %eq3A_380 = arith.cmpf oeq, %get3A_378, %eq3A_379 : vector<16xf32>
        %add3A_381 = arith.constant 0 : i32
        %add3A_382 = vector.broadcast %add3A_381 : i32 to vector<16xi32>
        %add3A_383 = arith.addi %iota3A, %add3A_382 : vector<16xi32>
        %jit3A_384 = arith.constant 10000 : i32
        %broadcast_in_dim3A_385 = vector.broadcast %jit3A_384 : i32 to vector<16xi32>
        %select_n3A_386 = arith.select %eq3A_380, %add3A_383, %broadcast_in_dim3A_385 : vector<16xi1>, vector<16xi32>
        %min3A_387 = arith.minsi %broadcast_in_dim3A_376, %select_n3A_386 : vector<16xi32>
        %get3A_388 = arith.constant 16 : index
        %get3A_389 = tpu.vector_load %arg9[%get3A_388] {strides = array<i32>} : memref<48xf32, #tpu.memory_space<vmem>>, vector<16xf32>,
        %eq3A_390 = vector.broadcast %reduce_min3A_374 : f32 to vector<16xf32>
        %eq3A_391 = arith.cmpf oeq, %get3A_389, %eq3A_390 : vector<16xf32>
        %add3A_392 = arith.constant 16 : i32
        %add3A_393 = vector.broadcast %add3A_392 : i32 to vector<16xi32>
        %add3A_394 = arith.addi %iota3A, %add3A_393 : vector<16xi32>
        %jit3A_395 = arith.constant 10000 : i32
        %broadcast_in_dim3A_396 = vector.broadcast %jit3A_395 : i32 to vector<16xi32>
        %select_n3A_397 = arith.select %eq3A_391, %add3A_394, %broadcast_in_dim3A_396 : vector<16xi1>, vector<16xi32>
        %min3A_398 = arith.minsi %min3A_387, %select_n3A_397 : vector<16xi32>
        %get3A_399 = arith.constant 32 : index
        %get3A_400 = tpu.vector_load %arg9[%get3A_399] {strides = array<i32>} : memref<48xf32, #tpu.memory_space<vmem>>, vector<16xf32>,
        %eq3A_401 = vector.broadcast %reduce_min3A_374 : f32 to vector<16xf32>
        %eq3A_402 = arith.cmpf oeq, %get3A_400, %eq3A_401 : vector<16xf32>
        %add3A_403 = arith.constant 32 : i32
        %add3A_404 = vector.broadcast %add3A_403 : i32 to vector<16xi32>
        %add3A_405 = arith.addi %iota3A, %add3A_404 : vector<16xi32>
        %jit3A_406 = arith.constant 10000 : i32
        %broadcast_in_dim3A_407 = vector.broadcast %jit3A_406 : i32 to vector<16xi32>
        %select_n3A_408 = arith.select %eq3A_402, %add3A_405, %broadcast_in_dim3A_407 : vector<16xi1>, vector<16xi32>
        %min3A_409 = arith.minsi %min3A_398, %select_n3A_408 : vector<16xi32>
        %reduce_min3A_410 = arith.constant true
        %reduce_min3A_411 = vector.broadcast %reduce_min3A_410 : i1 to vector<16xi1>
        %reduce_min3A_412 = arith.constant -2147483648 : i32
        %reduce_min3A_413 = vector.broadcast %reduce_min3A_412 : i32 to vector<16xi32>
        %reduce_min3A_414 = arith.xori %min3A_409, %reduce_min3A_413 : vector<16xi32>
        %reduce_min3A_415 = tpu.scan <min>, %reduce_min3A_414 masked %reduce_min3A_411 : vector<16xi32>, vector<16xi1> -> vector<16xi32>
        %reduce_min3A_416 = arith.xori %reduce_min3A_415, %reduce_min3A_413 : vector<16xi32>
        %reduce_min3A_417 = vector.extract %reduce_min3A_416[15] : i32 from vector<16xi32>
        %mul3A_418 = arith.constant 16 : i32
        %mul3A_419 = arith.muli %reduce_min3A_417, %mul3A_418 : i32
        %get3A_420 = arith.index_cast %mul3A_419 : i32 to index
        %get3A_421 = tpu.vector_load %arg8[%get3A_420] {strides = array<i32>} : memref<640xf32, #tpu.memory_space<vmem>>, vector<16xf32>,
        %eq3A_422 = vector.broadcast %reduce_min3A_374 : f32 to vector<16xf32>
        %eq3A_423 = arith.cmpf oeq, %get3A_421, %eq3A_422 : vector<16xf32>
        %jit3A_424 = arith.constant 16 : i32
        %broadcast_in_dim3A_425 = vector.broadcast %jit3A_424 : i32 to vector<16xi32>
        %select_n3A_426 = arith.select %eq3A_423, %iota3A, %broadcast_in_dim3A_425 : vector<16xi1>, vector<16xi32>
        %reduce_min3A_427 = arith.constant true
        %reduce_min3A_428 = vector.broadcast %reduce_min3A_427 : i1 to vector<16xi1>
        %reduce_min3A_429 = arith.constant -2147483648 : i32
        %reduce_min3A_430 = vector.broadcast %reduce_min3A_429 : i32 to vector<16xi32>
        %reduce_min3A_431 = arith.xori %select_n3A_426, %reduce_min3A_430 : vector<16xi32>
        %reduce_min3A_432 = tpu.scan <min>, %reduce_min3A_431 masked %reduce_min3A_428 : vector<16xi32>, vector<16xi1> -> vector<16xi32>
        %reduce_min3A_433 = arith.xori %reduce_min3A_432, %reduce_min3A_430 : vector<16xi32>
        %reduce_min3A_434 = vector.extract %reduce_min3A_433[15] : i32 from vector<16xi32>
        %mul3A_435 = arith.constant 16 : i32
        %mul3A_436 = arith.muli %reduce_min3A_417, %mul3A_435 : i32
        %add3A_437 = arith.addi %mul3A_436, %reduce_min3A_434 : i32
        %add3A_438 = arith.constant 1 : i32
        %add3A_439 = arith.addi %while3A_230, %add3A_438 : i32
        scf.yield %add3A_439, %reduce_min3A_374, %add3A_437 : i32, f32, i32
      }
      %eq3A_220 = arith.constant 0 : i32
      %eq3A_221 = vector.broadcast %eq3A_220 : i32 to vector<16xi32>
      %eq3A_222 = arith.cmpi eq, %iota3A, %eq3A_221 : vector<16xi32>
      %jit3A_223 = arith.constant 0 : i32
      %broadcast_in_dim3A_224 = vector.broadcast %while3A_219#0 : i32 to vector<16xi32>
      %broadcast_in_dim3A_225 = vector.broadcast %jit3A_223 : i32 to vector<16xi32>
      %select_n3A_226 = arith.select %eq3A_222, %broadcast_in_dim3A_224, %broadcast_in_dim3A_225 : vector<16xi1>, vector<16xi32>
      %swap3A_227 = arith.constant 0 : index
      %swap3A_228 = tpu.vector_load %arg13[%swap3A_227] {strides = array<i32>} : memref<16xi32, #tpu.memory_space<vmem>>, vector<16xi32>,
      tpu.vector_store %arg13[%swap3A_227], %select_n3A_226 {strides = array<i32>} : memref<16xi32, #tpu.memory_space<vmem>>, vector<16xi32>,
      "tpu.region"() ({
        %run_scoped3A = tpu.sem_alloc : memref<!tpu.dma_semaphore, #tpu.memory_space<semaphore_mem>>
        %dma_start3A_230 = arith.constant 0 : i32
        %dma_start3A_231 = tpu.memref_slice %arg3[%add3A_21, %dma_start3A_230] : memref<1250x128xi32, #tpu.memory_space<hbm>> -> memref<1x128xi32, #tpu.memory_space<hbm>>
        %dma_start3A_232 = tpu.memref_squeeze %dma_start3A_231 : memref<1x128xi32, #tpu.memory_space<hbm>> -> memref<128xi32, #tpu.memory_space<hbm>>
        %dma_start3A_233 = arith.constant 0 : i32
        %dma_start3A_234 = tpu.memref_slice %arg3[%add3A_21, %dma_start3A_233] : memref<1250x128xi32, #tpu.memory_space<hbm>> -> memref<1x128xi32, #tpu.memory_space<hbm>>
        %dma_start3A_235 = tpu.memref_squeeze %dma_start3A_234 : memref<1x128xi32, #tpu.memory_space<hbm>> -> memref<128xi32, #tpu.memory_space<hbm>>
        tpu.enqueue_dma source(%arg10 : memref<128xi32, #tpu.memory_space<vmem>>) target(%dma_start3A_235 : memref<128xi32, #tpu.memory_space<hbm>>) target_semaphore(%run_scoped3A : memref<!tpu.dma_semaphore, #tpu.memory_space<semaphore_mem>>)
        %dma_wait3A_236 = arith.constant 0 : i32
        %dma_wait3A_237 = tpu.memref_slice %arg3[%add3A_21, %dma_wait3A_236] : memref<1250x128xi32, #tpu.memory_space<hbm>> -> memref<1x128xi32, #tpu.memory_space<hbm>>
        %dma_wait3A_238 = tpu.memref_squeeze %dma_wait3A_237 : memref<1x128xi32, #tpu.memory_space<hbm>> -> memref<128xi32, #tpu.memory_space<hbm>>
        %dma_wait3A_239 = arith.constant 0 : i32
        %dma_wait3A_240 = tpu.memref_slice %arg3[%add3A_21, %dma_wait3A_239] : memref<1250x128xi32, #tpu.memory_space<hbm>> -> memref<1x128xi32, #tpu.memory_space<hbm>>
        %dma_wait3A_241 = tpu.memref_squeeze %dma_wait3A_240 : memref<1x128xi32, #tpu.memory_space<hbm>> -> memref<128xi32, #tpu.memory_space<hbm>>
        tpu.wait_dma2 semaphore(%run_scoped3A : memref<!tpu.dma_semaphore, #tpu.memory_space<semaphore_mem>>) src(%arg10 : memref<128xi32, #tpu.memory_space<vmem>>) dst(%dma_wait3A_241 : memref<128xi32, #tpu.memory_space<hbm>>)
        tpu.yield
      }) : () -> ()
      "tpu.region"() ({
        %run_scoped3A = tpu.sem_alloc : memref<!tpu.dma_semaphore, #tpu.memory_space<semaphore_mem>>
        %dma_start3A_230 = arith.constant 0 : i32
        %dma_start3A_231 = tpu.memref_slice %arg4[%add3A_21, %dma_start3A_230] : memref<1250x128xi32, #tpu.memory_space<hbm>> -> memref<1x128xi32, #tpu.memory_space<hbm>>
        %dma_start3A_232 = tpu.memref_squeeze %dma_start3A_231 : memref<1x128xi32, #tpu.memory_space<hbm>> -> memref<128xi32, #tpu.memory_space<hbm>>
        %dma_start3A_233 = arith.constant 0 : i32
        %dma_start3A_234 = tpu.memref_slice %arg4[%add3A_21, %dma_start3A_233] : memref<1250x128xi32, #tpu.memory_space<hbm>> -> memref<1x128xi32, #tpu.memory_space<hbm>>
        %dma_start3A_235 = tpu.memref_squeeze %dma_start3A_234 : memref<1x128xi32, #tpu.memory_space<hbm>> -> memref<128xi32, #tpu.memory_space<hbm>>
        tpu.enqueue_dma source(%arg11 : memref<128xi32, #tpu.memory_space<vmem>>) target(%dma_start3A_235 : memref<128xi32, #tpu.memory_space<hbm>>) target_semaphore(%run_scoped3A : memref<!tpu.dma_semaphore, #tpu.memory_space<semaphore_mem>>)
        %dma_wait3A_236 = arith.constant 0 : i32
        %dma_wait3A_237 = tpu.memref_slice %arg4[%add3A_21, %dma_wait3A_236] : memref<1250x128xi32, #tpu.memory_space<hbm>> -> memref<1x128xi32, #tpu.memory_space<hbm>>
        %dma_wait3A_238 = tpu.memref_squeeze %dma_wait3A_237 : memref<1x128xi32, #tpu.memory_space<hbm>> -> memref<128xi32, #tpu.memory_space<hbm>>
        %dma_wait3A_239 = arith.constant 0 : i32
        %dma_wait3A_240 = tpu.memref_slice %arg4[%add3A_21, %dma_wait3A_239] : memref<1250x128xi32, #tpu.memory_space<hbm>> -> memref<1x128xi32, #tpu.memory_space<hbm>>
        %dma_wait3A_241 = tpu.memref_squeeze %dma_wait3A_240 : memref<1x128xi32, #tpu.memory_space<hbm>> -> memref<128xi32, #tpu.memory_space<hbm>>
        tpu.wait_dma2 semaphore(%run_scoped3A : memref<!tpu.dma_semaphore, #tpu.memory_space<semaphore_mem>>) src(%arg11 : memref<128xi32, #tpu.memory_space<vmem>>) dst(%dma_wait3A_241 : memref<128xi32, #tpu.memory_space<hbm>>)
        tpu.yield
      }) : () -> ()
      "tpu.region"() ({
        %run_scoped3A = tpu.sem_alloc : memref<!tpu.dma_semaphore, #tpu.memory_space<semaphore_mem>>
        %dma_start3A_230 = arith.constant 0 : i32
        %dma_start3A_231 = tpu.memref_slice %arg5[%add3A_21, %dma_start3A_230] : memref<1250x128xi32, #tpu.memory_space<hbm>> -> memref<1x128xi32, #tpu.memory_space<hbm>>
        %dma_start3A_232 = tpu.memref_squeeze %dma_start3A_231 : memref<1x128xi32, #tpu.memory_space<hbm>> -> memref<128xi32, #tpu.memory_space<hbm>>
        %dma_start3A_233 = arith.constant 0 : i32
        %dma_start3A_234 = tpu.memref_slice %arg5[%add3A_21, %dma_start3A_233] : memref<1250x128xi32, #tpu.memory_space<hbm>> -> memref<1x128xi32, #tpu.memory_space<hbm>>
        %dma_start3A_235 = tpu.memref_squeeze %dma_start3A_234 : memref<1x128xi32, #tpu.memory_space<hbm>> -> memref<128xi32, #tpu.memory_space<hbm>>
        tpu.enqueue_dma source(%arg12 : memref<128xi32, #tpu.memory_space<vmem>>) target(%dma_start3A_235 : memref<128xi32, #tpu.memory_space<hbm>>) target_semaphore(%run_scoped3A : memref<!tpu.dma_semaphore, #tpu.memory_space<semaphore_mem>>)
        %dma_wait3A_236 = arith.constant 0 : i32
        %dma_wait3A_237 = tpu.memref_slice %arg5[%add3A_21, %dma_wait3A_236] : memref<1250x128xi32, #tpu.memory_space<hbm>> -> memref<1x128xi32, #tpu.memory_space<hbm>>
        %dma_wait3A_238 = tpu.memref_squeeze %dma_wait3A_237 : memref<1x128xi32, #tpu.memory_space<hbm>> -> memref<128xi32, #tpu.memory_space<hbm>>
        %dma_wait3A_239 = arith.constant 0 : i32
        %dma_wait3A_240 = tpu.memref_slice %arg5[%add3A_21, %dma_wait3A_239] : memref<1250x128xi32, #tpu.memory_space<hbm>> -> memref<1x128xi32, #tpu.memory_space<hbm>>
        %dma_wait3A_241 = tpu.memref_squeeze %dma_wait3A_240 : memref<1x128xi32, #tpu.memory_space<hbm>> -> memref<128xi32, #tpu.memory_space<hbm>>
        tpu.wait_dma2 semaphore(%run_scoped3A : memref<!tpu.dma_semaphore, #tpu.memory_space<semaphore_mem>>) src(%arg12 : memref<128xi32, #tpu.memory_space<vmem>>) dst(%dma_wait3A_241 : memref<128xi32, #tpu.memory_space<hbm>>)
        tpu.yield
      }) : () -> ()
      "tpu.region"() ({
        %run_scoped3A = tpu.sem_alloc : memref<!tpu.dma_semaphore, #tpu.memory_space<semaphore_mem>>
        %dma_start3A_230 = arith.constant 0 : i32
        %dma_start3A_231 = tpu.memref_slice %arg6[%add3A_21, %dma_start3A_230] : memref<1250x16xi32, #tpu.memory_space<hbm>> -> memref<1x16xi32, #tpu.memory_space<hbm>>
        %dma_start3A_232 = tpu.memref_squeeze %dma_start3A_231 : memref<1x16xi32, #tpu.memory_space<hbm>> -> memref<16xi32, #tpu.memory_space<hbm>>
        %dma_start3A_233 = arith.constant 0 : i32
        %dma_start3A_234 = tpu.memref_slice %arg6[%add3A_21, %dma_start3A_233] : memref<1250x16xi32, #tpu.memory_space<hbm>> -> memref<1x16xi32, #tpu.memory_space<hbm>>
        %dma_start3A_235 = tpu.memref_squeeze %dma_start3A_234 : memref<1x16xi32, #tpu.memory_space<hbm>> -> memref<16xi32, #tpu.memory_space<hbm>>
        tpu.enqueue_dma source(%arg13 : memref<16xi32, #tpu.memory_space<vmem>>) target(%dma_start3A_235 : memref<16xi32, #tpu.memory_space<hbm>>) target_semaphore(%run_scoped3A : memref<!tpu.dma_semaphore, #tpu.memory_space<semaphore_mem>>)
        %dma_wait3A_236 = arith.constant 0 : i32
        %dma_wait3A_237 = tpu.memref_slice %arg6[%add3A_21, %dma_wait3A_236] : memref<1250x16xi32, #tpu.memory_space<hbm>> -> memref<1x16xi32, #tpu.memory_space<hbm>>
        %dma_wait3A_238 = tpu.memref_squeeze %dma_wait3A_237 : memref<1x16xi32, #tpu.memory_space<hbm>> -> memref<16xi32, #tpu.memory_space<hbm>>
        %dma_wait3A_239 = arith.constant 0 : i32
        %dma_wait3A_240 = tpu.memref_slice %arg6[%add3A_21, %dma_wait3A_239] : memref<1250x16xi32, #tpu.memory_space<hbm>> -> memref<1x16xi32, #tpu.memory_space<hbm>>
        %dma_wait3A_241 = tpu.memref_squeeze %dma_wait3A_240 : memref<1x16xi32, #tpu.memory_space<hbm>> -> memref<16xi32, #tpu.memory_space<hbm>>
        tpu.wait_dma2 semaphore(%run_scoped3A : memref<!tpu.dma_semaphore, #tpu.memory_space<semaphore_mem>>) src(%arg13 : memref<16xi32, #tpu.memory_space<vmem>>) dst(%dma_wait3A_241 : memref<16xi32, #tpu.memory_space<hbm>>)
        tpu.yield
      }) : () -> ()
      %while3A_229 = arith.constant 0 : i32
      scf.yield %while3A_229 : i32
    }
    %while3A_17 = arith.constant 1 : i32
    %while3A_18 = scf.for %while3A_19 = %while3A_14 to %while3A_10 step %while3A_17 iter_args(%while3A_20 = %while3A_16) -> (i32)  : i32 {
      %add3A_21 = arith.addi %mul3A_2, %while3A_19 : i32
      %dma_start3A = arith.constant 0 : i32
      %dma_start3A_22 = tpu.memref_slice %arg2[%add3A_21, %dma_start3A] : memref<1250x10240xf32, #tpu.memory_space<hbm>> -> memref<1x10240xf32, #tpu.memory_space<hbm>>
      %dma_start3A_23 = tpu.memref_squeeze %dma_start3A_22 : memref<1x10240xf32, #tpu.memory_space<hbm>> -> memref<10240xf32, #tpu.memory_space<hbm>>
      %dma_start3A_24 = arith.constant 0 : i32
      %dma_start3A_25 = tpu.memref_slice %arg2[%add3A_21, %dma_start3A_24] : memref<1250x10240xf32, #tpu.memory_space<hbm>> -> memref<1x10240xf32, #tpu.memory_space<hbm>>
      %dma_start3A_26 = tpu.memref_squeeze %dma_start3A_25 : memref<1x10240xf32, #tpu.memory_space<hbm>> -> memref<10240xf32, #tpu.memory_space<hbm>>
      tpu.enqueue_dma source(%dma_start3A_26 : memref<10240xf32, #tpu.memory_space<hbm>>) target(%arg7 : memref<10240xf32, #tpu.memory_space<vmem>>) target_semaphore(%arg14 : memref<!tpu.dma_semaphore, #tpu.memory_space<semaphore_mem>>)
      %dma_wait3A = arith.constant 0 : i32
      %dma_wait3A_27 = tpu.memref_slice %arg2[%add3A_21, %dma_wait3A] : memref<1250x10240xf32, #tpu.memory_space<hbm>> -> memref<1x10240xf32, #tpu.memory_space<hbm>>
      %dma_wait3A_28 = tpu.memref_squeeze %dma_wait3A_27 : memref<1x10240xf32, #tpu.memory_space<hbm>> -> memref<10240xf32, #tpu.memory_space<hbm>>
      %dma_wait3A_29 = arith.constant 0 : i32
      %dma_wait3A_30 = tpu.memref_slice %arg2[%add3A_21, %dma_wait3A_29] : memref<1250x10240xf32, #tpu.memory_space<hbm>> -> memref<1x10240xf32, #tpu.memory_space<hbm>>
      %dma_wait3A_31 = tpu.memref_squeeze %dma_wait3A_30 : memref<1x10240xf32, #tpu.memory_space<hbm>> -> memref<10240xf32, #tpu.memory_space<hbm>>
      tpu.wait_dma2 semaphore(%arg14 : memref<!tpu.dma_semaphore, #tpu.memory_space<semaphore_mem>>) src(%dma_wait3A_31 : memref<10240xf32, #tpu.memory_space<hbm>>) dst(%arg7 : memref<10240xf32, #tpu.memory_space<vmem>>)
      %scan3A = arith.constant 0 : i32
      %scan3A_32 = arith.constant 0 : i32
      %scan3A_33 = arith.constant 40 : i32
      %scan3A_34 = arith.addi %scan3A_32, %scan3A_33 : i32
      %scan3A_35 = arith.constant 1 : i32
      %scan3A_36 = scf.for %scan3A_230 = %scan3A_32 to %scan3A_34 step %scan3A_35 iter_args(%scan3A_231 = %scan3A) -> (i32)  : i32 {
        %mul3A_232 = arith.constant 16 : i32
        %mul3A_233 = arith.muli %scan3A_230, %mul3A_232 : i32
        %get3A_234 = arith.index_cast %mul3A_233 : i32 to index
        %get3A_235 = tpu.vector_load %arg7[%get3A_234] {strides = array<i32>} : memref<10240xf32, #tpu.memory_space<vmem>>, vector<16xf32>,
        %mul3A_236 = arith.constant 16 : i32
        %mul3A_237 = arith.muli %scan3A_230, %mul3A_236 : i32
        %add3A_238 = arith.constant 640 : i32
        %add3A_239 = arith.addi %add3A_238, %mul3A_237 : i32
        %get3A_240 = arith.index_cast %add3A_239 : i32 to index
        %get3A_241 = tpu.vector_load %arg7[%get3A_240] {strides = array<i32>} : memref<10240xf32, #tpu.memory_space<vmem>>, vector<16xf32>,
        %min3A_242 = arith.minimumf %get3A_235, %get3A_241 : vector<16xf32>
        %mul3A_243 = arith.constant 16 : i32
        %mul3A_244 = arith.muli %scan3A_230, %mul3A_243 : i32
        %add3A_245 = arith.constant 1280 : i32
        %add3A_246 = arith.addi %add3A_245, %mul3A_244 : i32
        %get3A_247 = arith.index_cast %add3A_246 : i32 to index
        %get3A_248 = tpu.vector_load %arg7[%get3A_247] {strides = array<i32>} : memref<10240xf32, #tpu.memory_space<vmem>>, vector<16xf32>,
        %min3A_249 = arith.minimumf %min3A_242, %get3A_248 : vector<16xf32>
        %mul3A_250 = arith.constant 16 : i32
        %mul3A_251 = arith.muli %scan3A_230, %mul3A_250 : i32
        %add3A_252 = arith.constant 1920 : i32
        %add3A_253 = arith.addi %add3A_252, %mul3A_251 : i32
        %get3A_254 = arith.index_cast %add3A_253 : i32 to index
        %get3A_255 = tpu.vector_load %arg7[%get3A_254] {strides = array<i32>} : memref<10240xf32, #tpu.memory_space<vmem>>, vector<16xf32>,
        %min3A_256 = arith.minimumf %min3A_249, %get3A_255 : vector<16xf32>
        %mul3A_257 = arith.constant 16 : i32
        %mul3A_258 = arith.muli %scan3A_230, %mul3A_257 : i32
        %add3A_259 = arith.constant 2560 : i32
        %add3A_260 = arith.addi %add3A_259, %mul3A_258 : i32
        %get3A_261 = arith.index_cast %add3A_260 : i32 to index
        %get3A_262 = tpu.vector_load %arg7[%get3A_261] {strides = array<i32>} : memref<10240xf32, #tpu.memory_space<vmem>>, vector<16xf32>,
        %min3A_263 = arith.minimumf %min3A_256, %get3A_262 : vector<16xf32>
        %mul3A_264 = arith.constant 16 : i32
        %mul3A_265 = arith.muli %scan3A_230, %mul3A_264 : i32
        %add3A_266 = arith.constant 3200 : i32
        %add3A_267 = arith.addi %add3A_266, %mul3A_265 : i32
        %get3A_268 = arith.index_cast %add3A_267 : i32 to index
        %get3A_269 = tpu.vector_load %arg7[%get3A_268] {strides = array<i32>} : memref<10240xf32, #tpu.memory_space<vmem>>, vector<16xf32>,
        %min3A_270 = arith.minimumf %min3A_263, %get3A_269 : vector<16xf32>
        %mul3A_271 = arith.constant 16 : i32
        %mul3A_272 = arith.muli %scan3A_230, %mul3A_271 : i32
        %add3A_273 = arith.constant 3840 : i32
        %add3A_274 = arith.addi %add3A_273, %mul3A_272 : i32
        %get3A_275 = arith.index_cast %add3A_274 : i32 to index
        %get3A_276 = tpu.vector_load %arg7[%get3A_275] {strides = array<i32>} : memref<10240xf32, #tpu.memory_space<vmem>>, vector<16xf32>,
        %min3A_277 = arith.minimumf %min3A_270, %get3A_276 : vector<16xf32>
        %mul3A_278 = arith.constant 16 : i32
        %mul3A_279 = arith.muli %scan3A_230, %mul3A_278 : i32
        %add3A_280 = arith.constant 4480 : i32
        %add3A_281 = arith.addi %add3A_280, %mul3A_279 : i32
        %get3A_282 = arith.index_cast %add3A_281 : i32 to index
        %get3A_283 = tpu.vector_load %arg7[%get3A_282] {strides = array<i32>} : memref<10240xf32, #tpu.memory_space<vmem>>, vector<16xf32>,
        %min3A_284 = arith.minimumf %min3A_277, %get3A_283 : vector<16xf32>
        %mul3A_285 = arith.constant 16 : i32
        %mul3A_286 = arith.muli %scan3A_230, %mul3A_285 : i32
        %add3A_287 = arith.constant 5120 : i32
        %add3A_288 = arith.addi %add3A_287, %mul3A_286 : i32
        %get3A_289 = arith.index_cast %add3A_288 : i32 to index
        %get3A_290 = tpu.vector_load %arg7[%get3A_289] {strides = array<i32>} : memref<10240xf32, #tpu.memory_space<vmem>>, vector<16xf32>,
        %min3A_291 = arith.minimumf %min3A_284, %get3A_290 : vector<16xf32>
        %mul3A_292 = arith.constant 16 : i32
        %mul3A_293 = arith.muli %scan3A_230, %mul3A_292 : i32
        %add3A_294 = arith.constant 5760 : i32
        %add3A_295 = arith.addi %add3A_294, %mul3A_293 : i32
        %get3A_296 = arith.index_cast %add3A_295 : i32 to index
        %get3A_297 = tpu.vector_load %arg7[%get3A_296] {strides = array<i32>} : memref<10240xf32, #tpu.memory_space<vmem>>, vector<16xf32>,
        %min3A_298 = arith.minimumf %min3A_291, %get3A_297 : vector<16xf32>
        %mul3A_299 = arith.constant 16 : i32
        %mul3A_300 = arith.muli %scan3A_230, %mul3A_299 : i32
        %add3A_301 = arith.constant 6400 : i32
        %add3A_302 = arith.addi %add3A_301, %mul3A_300 : i32
        %get3A_303 = arith.index_cast %add3A_302 : i32 to index
        %get3A_304 = tpu.vector_load %arg7[%get3A_303] {strides = array<i32>} : memref<10240xf32, #tpu.memory_space<vmem>>, vector<16xf32>,
        %min3A_305 = arith.minimumf %min3A_298, %get3A_304 : vector<16xf32>
        %mul3A_306 = arith.constant 16 : i32
        %mul3A_307 = arith.muli %scan3A_230, %mul3A_306 : i32
        %add3A_308 = arith.constant 7040 : i32
        %add3A_309 = arith.addi %add3A_308, %mul3A_307 : i32
        %get3A_310 = arith.index_cast %add3A_309 : i32 to index
        %get3A_311 = tpu.vector_load %arg7[%get3A_310] {strides = array<i32>} : memref<10240xf32, #tpu.memory_space<vmem>>, vector<16xf32>,
        %min3A_312 = arith.minimumf %min3A_305, %get3A_311 : vector<16xf32>
        %mul3A_313 = arith.constant 16 : i32
        %mul3A_314 = arith.muli %scan3A_230, %mul3A_313 : i32
        %add3A_315 = arith.constant 7680 : i32
        %add3A_316 = arith.addi %add3A_315, %mul3A_314 : i32
        %get3A_317 = arith.index_cast %add3A_316 : i32 to index
        %get3A_318 = tpu.vector_load %arg7[%get3A_317] {strides = array<i32>} : memref<10240xf32, #tpu.memory_space<vmem>>, vector<16xf32>,
        %min3A_319 = arith.minimumf %min3A_312, %get3A_318 : vector<16xf32>
        %mul3A_320 = arith.constant 16 : i32
        %mul3A_321 = arith.muli %scan3A_230, %mul3A_320 : i32
        %add3A_322 = arith.constant 8320 : i32
        %add3A_323 = arith.addi %add3A_322, %mul3A_321 : i32
        %get3A_324 = arith.index_cast %add3A_323 : i32 to index
        %get3A_325 = tpu.vector_load %arg7[%get3A_324] {strides = array<i32>} : memref<10240xf32, #tpu.memory_space<vmem>>, vector<16xf32>,
        %min3A_326 = arith.minimumf %min3A_319, %get3A_325 : vector<16xf32>
        %mul3A_327 = arith.constant 16 : i32
        %mul3A_328 = arith.muli %scan3A_230, %mul3A_327 : i32
        %add3A_329 = arith.constant 8960 : i32
        %add3A_330 = arith.addi %add3A_329, %mul3A_328 : i32
        %get3A_331 = arith.index_cast %add3A_330 : i32 to index
        %get3A_332 = tpu.vector_load %arg7[%get3A_331] {strides = array<i32>} : memref<10240xf32, #tpu.memory_space<vmem>>, vector<16xf32>,
        %min3A_333 = arith.minimumf %min3A_326, %get3A_332 : vector<16xf32>
        %mul3A_334 = arith.constant 16 : i32
        %mul3A_335 = arith.muli %scan3A_230, %mul3A_334 : i32
        %add3A_336 = arith.constant 9600 : i32
        %add3A_337 = arith.addi %add3A_336, %mul3A_335 : i32
        %get3A_338 = arith.index_cast %add3A_337 : i32 to index
        %get3A_339 = tpu.vector_load %arg7[%get3A_338] {strides = array<i32>} : memref<10240xf32, #tpu.memory_space<vmem>>, vector<16xf32>,
        %min3A_340 = arith.minimumf %min3A_333, %get3A_339 : vector<16xf32>
        %mul3A_341 = arith.constant 16 : i32
        %mul3A_342 = arith.muli %scan3A_230, %mul3A_341 : i32
        %swap3A_343 = arith.index_cast %mul3A_342 : i32 to index
        %swap3A_344 = tpu.vector_load %arg8[%swap3A_343] {strides = array<i32>} : memref<640xf32, #tpu.memory_space<vmem>>, vector<16xf32>,
        tpu.vector_store %arg8[%swap3A_343], %min3A_340 {strides = array<i32>} : memref<640xf32, #tpu.memory_space<vmem>>, vector<16xf32>,
        %scan3A_345 = arith.constant 0 : i32
        scf.yield %scan3A_345 : i32
      }
      %scan3A_37 = arith.constant 40 : i32
      %broadcast_in_dim3A = vector.broadcast %while3A : f32 to vector<16xf32>
      %swap3A = arith.constant 0 : index
      %swap3A_38 = tpu.vector_load %arg9[%swap3A] {strides = array<i32>} : memref<48xf32, #tpu.memory_space<vmem>>, vector<16xf32>,
      tpu.vector_store %arg9[%swap3A], %broadcast_in_dim3A {strides = array<i32>} : memref<48xf32, #tpu.memory_space<vmem>>, vector<16xf32>,
      %broadcast_in_dim3A_39 = vector.broadcast %while3A : f32 to vector<16xf32>
      %swap3A_40 = arith.constant 16 : index
      %swap3A_41 = tpu.vector_load %arg9[%swap3A_40] {strides = array<i32>} : memref<48xf32, #tpu.memory_space<vmem>>, vector<16xf32>,
      tpu.vector_store %arg9[%swap3A_40], %broadcast_in_dim3A_39 {strides = array<i32>} : memref<48xf32, #tpu.memory_space<vmem>>, vector<16xf32>,
      %broadcast_in_dim3A_42 = vector.broadcast %while3A : f32 to vector<16xf32>
      %swap3A_43 = arith.constant 32 : index
      %swap3A_44 = tpu.vector_load %arg9[%swap3A_43] {strides = array<i32>} : memref<48xf32, #tpu.memory_space<vmem>>, vector<16xf32>,
      tpu.vector_store %arg9[%swap3A_43], %broadcast_in_dim3A_42 {strides = array<i32>} : memref<48xf32, #tpu.memory_space<vmem>>, vector<16xf32>,
      %scan3A_45 = arith.constant 0 : i32
      %scan3A_46 = arith.constant 0 : i32
      %scan3A_47 = arith.constant 40 : i32
      %scan3A_48 = arith.addi %scan3A_46, %scan3A_47 : i32
      %scan3A_49 = arith.constant 1 : i32
      %scan3A_50 = scf.for %scan3A_230 = %scan3A_46 to %scan3A_48 step %scan3A_49 iter_args(%scan3A_231 = %scan3A_45) -> (i32)  : i32 {
        %mul3A_232 = arith.constant 16 : i32
        %mul3A_233 = arith.muli %scan3A_230, %mul3A_232 : i32
        %get3A_234 = arith.index_cast %mul3A_233 : i32 to index
        %get3A_235 = tpu.vector_load %arg8[%get3A_234] {strides = array<i32>} : memref<640xf32, #tpu.memory_space<vmem>>, vector<16xf32>,
        %reduce_min3A_236 = arith.constant true
        %reduce_min3A_237 = vector.broadcast %reduce_min3A_236 : i1 to vector<16xi1>
        %reduce_min3A_238 = tpu.scan <min>, %get3A_235 masked %reduce_min3A_237 : vector<16xf32>, vector<16xi1> -> vector<16xf32>
        %reduce_min3A_239 = vector.extract %reduce_min3A_238[15] : f32 from vector<16xf32>
        %broadcast_in_dim3A_240 = vector.broadcast %scan3A_230 : i32 to vector<16xi32>
        %broadcast_in_dim3A_241 = vector.broadcast %reduce_min3A_239 : f32 to vector<16xf32>
        %eq3A_242 = arith.constant 0 : i32
        %eq3A_243 = vector.broadcast %eq3A_242 : i32 to vector<16xi32>
        %eq3A_244 = arith.cmpi eq, %iota3A, %eq3A_243 : vector<16xi32>
        tpu.vector_store_idx %arg9[%broadcast_in_dim3A_240], %broadcast_in_dim3A_241 masked %eq3A_244 : memref<48xf32, #tpu.memory_space<vmem>>[vector<16xi32>], vector<16xf32>, vector<16xi1>
        %scan3A_245 = arith.constant 0 : i32
        scf.yield %scan3A_245 : i32
      }
      %scan3A_51 = arith.constant 40 : i32
      %broadcast_in_dim3A_52 = arith.constant -1 : i32
      %broadcast_in_dim3A_53 = vector.broadcast %broadcast_in_dim3A_52 : i32 to vector<16xi32>
      %swap3A_54 = arith.constant 0 : index
      %swap3A_55 = tpu.vector_load %arg10[%swap3A_54] {strides = array<i32>} : memref<128xi32, #tpu.memory_space<vmem>>, vector<16xi32>,
      tpu.vector_store %arg10[%swap3A_54], %broadcast_in_dim3A_53 {strides = array<i32>} : memref<128xi32, #tpu.memory_space<vmem>>, vector<16xi32>,
      %broadcast_in_dim3A_56 = arith.constant -1 : i32
      %broadcast_in_dim3A_57 = vector.broadcast %broadcast_in_dim3A_56 : i32 to vector<16xi32>
      %swap3A_58 = arith.constant 0 : index
      %swap3A_59 = tpu.vector_load %arg11[%swap3A_58] {strides = array<i32>} : memref<128xi32, #tpu.memory_space<vmem>>, vector<16xi32>,
      tpu.vector_store %arg11[%swap3A_58], %broadcast_in_dim3A_57 {strides = array<i32>} : memref<128xi32, #tpu.memory_space<vmem>>, vector<16xi32>,
      %broadcast_in_dim3A_60 = arith.constant 0 : i32
      %broadcast_in_dim3A_61 = vector.broadcast %broadcast_in_dim3A_60 : i32 to vector<16xi32>
      %swap3A_62 = arith.constant 0 : index
      %swap3A_63 = tpu.vector_load %arg12[%swap3A_62] {strides = array<i32>} : memref<128xi32, #tpu.memory_space<vmem>>, vector<16xi32>,
      tpu.vector_store %arg12[%swap3A_62], %broadcast_in_dim3A_61 {strides = array<i32>} : memref<128xi32, #tpu.memory_space<vmem>>, vector<16xi32>,
      %broadcast_in_dim3A_64 = arith.constant -1 : i32
      %broadcast_in_dim3A_65 = vector.broadcast %broadcast_in_dim3A_64 : i32 to vector<16xi32>
      %swap3A_66 = arith.constant 16 : index
      %swap3A_67 = tpu.vector_load %arg10[%swap3A_66] {strides = array<i32>} : memref<128xi32, #tpu.memory_space<vmem>>, vector<16xi32>,
      tpu.vector_store %arg10[%swap3A_66], %broadcast_in_dim3A_65 {strides = array<i32>} : memref<128xi32, #tpu.memory_space<vmem>>, vector<16xi32>,
      %broadcast_in_dim3A_68 = arith.constant -1 : i32
      %broadcast_in_dim3A_69 = vector.broadcast %broadcast_in_dim3A_68 : i32 to vector<16xi32>
      %swap3A_70 = arith.constant 16 : index
      %swap3A_71 = tpu.vector_load %arg11[%swap3A_70] {strides = array<i32>} : memref<128xi32, #tpu.memory_space<vmem>>, vector<16xi32>,
      tpu.vector_store %arg11[%swap3A_70], %broadcast_in_dim3A_69 {strides = array<i32>} : memref<128xi32, #tpu.memory_space<vmem>>, vector<16xi32>,
      %broadcast_in_dim3A_72 = arith.constant 0 : i32
      %broadcast_in_dim3A_73 = vector.broadcast %broadcast_in_dim3A_72 : i32 to vector<16xi32>
      %swap3A_74 = arith.constant 16 : index
      %swap3A_75 = tpu.vector_load %arg12[%swap3A_74] {strides = array<i32>} : memref<128xi32, #tpu.memory_space<vmem>>, vector<16xi32>,
      tpu.vector_store %arg12[%swap3A_74], %broadcast_in_dim3A_73 {strides = array<i32>} : memref<128xi32, #tpu.memory_space<vmem>>, vector<16xi32>,
      %broadcast_in_dim3A_76 = arith.constant -1 : i32
      %broadcast_in_dim3A_77 = vector.broadcast %broadcast_in_dim3A_76 : i32 to vector<16xi32>
      %swap3A_78 = arith.constant 32 : index
      %swap3A_79 = tpu.vector_load %arg10[%swap3A_78] {strides = array<i32>} : memref<128xi32, #tpu.memory_space<vmem>>, vector<16xi32>,
      tpu.vector_store %arg10[%swap3A_78], %broadcast_in_dim3A_77 {strides = array<i32>} : memref<128xi32, #tpu.memory_space<vmem>>, vector<16xi32>,
      %broadcast_in_dim3A_80 = arith.constant -1 : i32
      %broadcast_in_dim3A_81 = vector.broadcast %broadcast_in_dim3A_80 : i32 to vector<16xi32>
      %swap3A_82 = arith.constant 32 : index
      %swap3A_83 = tpu.vector_load %arg11[%swap3A_82] {strides = array<i32>} : memref<128xi32, #tpu.memory_space<vmem>>, vector<16xi32>,
      tpu.vector_store %arg11[%swap3A_82], %broadcast_in_dim3A_81 {strides = array<i32>} : memref<128xi32, #tpu.memory_space<vmem>>, vector<16xi32>,
      %broadcast_in_dim3A_84 = arith.constant 0 : i32
      %broadcast_in_dim3A_85 = vector.broadcast %broadcast_in_dim3A_84 : i32 to vector<16xi32>
      %swap3A_86 = arith.constant 32 : index
      %swap3A_87 = tpu.vector_load %arg12[%swap3A_86] {strides = array<i32>} : memref<128xi32, #tpu.memory_space<vmem>>, vector<16xi32>,
      tpu.vector_store %arg12[%swap3A_86], %broadcast_in_dim3A_85 {strides = array<i32>} : memref<128xi32, #tpu.memory_space<vmem>>, vector<16xi32>,
      %broadcast_in_dim3A_88 = arith.constant -1 : i32
      %broadcast_in_dim3A_89 = vector.broadcast %broadcast_in_dim3A_88 : i32 to vector<16xi32>
      %swap3A_90 = arith.constant 48 : index
      %swap3A_91 = tpu.vector_load %arg10[%swap3A_90] {strides = array<i32>} : memref<128xi32, #tpu.memory_space<vmem>>, vector<16xi32>,
      tpu.vector_store %arg10[%swap3A_90], %broadcast_in_dim3A_89 {strides = array<i32>} : memref<128xi32, #tpu.memory_space<vmem>>, vector<16xi32>,
      %broadcast_in_dim3A_92 = arith.constant -1 : i32
      %broadcast_in_dim3A_93 = vector.broadcast %broadcast_in_dim3A_92 : i32 to vector<16xi32>
      %swap3A_94 = arith.constant 48 : index
      %swap3A_95 = tpu.vector_load %arg11[%swap3A_94] {strides = array<i32>} : memref<128xi32, #tpu.memory_space<vmem>>, vector<16xi32>,
      tpu.vector_store %arg11[%swap3A_94], %broadcast_in_dim3A_93 {strides = array<i32>} : memref<128xi32, #tpu.memory_space<vmem>>, vector<16xi32>,
      %broadcast_in_dim3A_96 = arith.constant 0 : i32
      %broadcast_in_dim3A_97 = vector.broadcast %broadcast_in_dim3A_96 : i32 to vector<16xi32>
      %swap3A_98 = arith.constant 48 : index
      %swap3A_99 = tpu.vector_load %arg12[%swap3A_98] {strides = array<i32>} : memref<128xi32, #tpu.memory_space<vmem>>, vector<16xi32>,
      tpu.vector_store %arg12[%swap3A_98], %broadcast_in_dim3A_97 {strides = array<i32>} : memref<128xi32, #tpu.memory_space<vmem>>, vector<16xi32>,
      %broadcast_in_dim3A_100 = arith.constant -1 : i32
      %broadcast_in_dim3A_101 = vector.broadcast %broadcast_in_dim3A_100 : i32 to vector<16xi32>
      %swap3A_102 = arith.constant 64 : index
      %swap3A_103 = tpu.vector_load %arg10[%swap3A_102] {strides = array<i32>} : memref<128xi32, #tpu.memory_space<vmem>>, vector<16xi32>,
      tpu.vector_store %arg10[%swap3A_102], %broadcast_in_dim3A_101 {strides = array<i32>} : memref<128xi32, #tpu.memory_space<vmem>>, vector<16xi32>,
      %broadcast_in_dim3A_104 = arith.constant -1 : i32
      %broadcast_in_dim3A_105 = vector.broadcast %broadcast_in_dim3A_104 : i32 to vector<16xi32>
      %swap3A_106 = arith.constant 64 : index
      %swap3A_107 = tpu.vector_load %arg11[%swap3A_106] {strides = array<i32>} : memref<128xi32, #tpu.memory_space<vmem>>, vector<16xi32>,
      tpu.vector_store %arg11[%swap3A_106], %broadcast_in_dim3A_105 {strides = array<i32>} : memref<128xi32, #tpu.memory_space<vmem>>, vector<16xi32>,
      %broadcast_in_dim3A_108 = arith.constant 0 : i32
      %broadcast_in_dim3A_109 = vector.broadcast %broadcast_in_dim3A_108 : i32 to vector<16xi32>
      %swap3A_110 = arith.constant 64 : index
      %swap3A_111 = tpu.vector_load %arg12[%swap3A_110] {strides = array<i32>} : memref<128xi32, #tpu.memory_space<vmem>>, vector<16xi32>,
      tpu.vector_store %arg12[%swap3A_110], %broadcast_in_dim3A_109 {strides = array<i32>} : memref<128xi32, #tpu.memory_space<vmem>>, vector<16xi32>,
      %broadcast_in_dim3A_112 = arith.constant -1 : i32
      %broadcast_in_dim3A_113 = vector.broadcast %broadcast_in_dim3A_112 : i32 to vector<16xi32>
      %swap3A_114 = arith.constant 80 : index
      %swap3A_115 = tpu.vector_load %arg10[%swap3A_114] {strides = array<i32>} : memref<128xi32, #tpu.memory_space<vmem>>, vector<16xi32>,
      tpu.vector_store %arg10[%swap3A_114], %broadcast_in_dim3A_113 {strides = array<i32>} : memref<128xi32, #tpu.memory_space<vmem>>, vector<16xi32>,
      %broadcast_in_dim3A_116 = arith.constant -1 : i32
      %broadcast_in_dim3A_117 = vector.broadcast %broadcast_in_dim3A_116 : i32 to vector<16xi32>
      %swap3A_118 = arith.constant 80 : index
      %swap3A_119 = tpu.vector_load %arg11[%swap3A_118] {strides = array<i32>} : memref<128xi32, #tpu.memory_space<vmem>>, vector<16xi32>,
      tpu.vector_store %arg11[%swap3A_118], %broadcast_in_dim3A_117 {strides = array<i32>} : memref<128xi32, #tpu.memory_space<vmem>>, vector<16xi32>,
      %broadcast_in_dim3A_120 = arith.constant 0 : i32
      %broadcast_in_dim3A_121 = vector.broadcast %broadcast_in_dim3A_120 : i32 to vector<16xi32>
      %swap3A_122 = arith.constant 80 : index
      %swap3A_123 = tpu.vector_load %arg12[%swap3A_122] {strides = array<i32>} : memref<128xi32, #tpu.memory_space<vmem>>, vector<16xi32>,
      tpu.vector_store %arg12[%swap3A_122], %broadcast_in_dim3A_121 {strides = array<i32>} : memref<128xi32, #tpu.memory_space<vmem>>, vector<16xi32>,
      %broadcast_in_dim3A_124 = arith.constant -1 : i32
      %broadcast_in_dim3A_125 = vector.broadcast %broadcast_in_dim3A_124 : i32 to vector<16xi32>
      %swap3A_126 = arith.constant 96 : index
      %swap3A_127 = tpu.vector_load %arg10[%swap3A_126] {strides = array<i32>} : memref<128xi32, #tpu.memory_space<vmem>>, vector<16xi32>,
      tpu.vector_store %arg10[%swap3A_126], %broadcast_in_dim3A_125 {strides = array<i32>} : memref<128xi32, #tpu.memory_space<vmem>>, vector<16xi32>,
      %broadcast_in_dim3A_128 = arith.constant -1 : i32
      %broadcast_in_dim3A_129 = vector.broadcast %broadcast_in_dim3A_128 : i32 to vector<16xi32>
      %swap3A_130 = arith.constant 96 : index
      %swap3A_131 = tpu.vector_load %arg11[%swap3A_130] {strides = array<i32>} : memref<128xi32, #tpu.memory_space<vmem>>, vector<16xi32>,
      tpu.vector_store %arg11[%swap3A_130], %broadcast_in_dim3A_129 {strides = array<i32>} : memref<128xi32, #tpu.memory_space<vmem>>, vector<16xi32>,
      %broadcast_in_dim3A_132 = arith.constant 0 : i32
      %broadcast_in_dim3A_133 = vector.broadcast %broadcast_in_dim3A_132 : i32 to vector<16xi32>
      %swap3A_134 = arith.constant 96 : index
      %swap3A_135 = tpu.vector_load %arg12[%swap3A_134] {strides = array<i32>} : memref<128xi32, #tpu.memory_space<vmem>>, vector<16xi32>,
      tpu.vector_store %arg12[%swap3A_134], %broadcast_in_dim3A_133 {strides = array<i32>} : memref<128xi32, #tpu.memory_space<vmem>>, vector<16xi32>,
      %broadcast_in_dim3A_136 = arith.constant -1 : i32
      %broadcast_in_dim3A_137 = vector.broadcast %broadcast_in_dim3A_136 : i32 to vector<16xi32>
      %swap3A_138 = arith.constant 112 : index
      %swap3A_139 = tpu.vector_load %arg10[%swap3A_138] {strides = array<i32>} : memref<128xi32, #tpu.memory_space<vmem>>, vector<16xi32>,
      tpu.vector_store %arg10[%swap3A_138], %broadcast_in_dim3A_137 {strides = array<i32>} : memref<128xi32, #tpu.memory_space<vmem>>, vector<16xi32>,
      %broadcast_in_dim3A_140 = arith.constant -1 : i32
      %broadcast_in_dim3A_141 = vector.broadcast %broadcast_in_dim3A_140 : i32 to vector<16xi32>
      %swap3A_142 = arith.constant 112 : index
      %swap3A_143 = tpu.vector_load %arg11[%swap3A_142] {strides = array<i32>} : memref<128xi32, #tpu.memory_space<vmem>>, vector<16xi32>,
      tpu.vector_store %arg11[%swap3A_142], %broadcast_in_dim3A_141 {strides = array<i32>} : memref<128xi32, #tpu.memory_space<vmem>>, vector<16xi32>,
      %broadcast_in_dim3A_144 = arith.constant 0 : i32
      %broadcast_in_dim3A_145 = vector.broadcast %broadcast_in_dim3A_144 : i32 to vector<16xi32>
      %swap3A_146 = arith.constant 112 : index
      %swap3A_147 = tpu.vector_load %arg12[%swap3A_146] {strides = array<i32>} : memref<128xi32, #tpu.memory_space<vmem>>, vector<16xi32>,
      tpu.vector_store %arg12[%swap3A_146], %broadcast_in_dim3A_145 {strides = array<i32>} : memref<128xi32, #tpu.memory_space<vmem>>, vector<16xi32>,
      %get3A = arith.constant 0 : index
      %get3A_148 = tpu.vector_load %arg9[%get3A] {strides = array<i32>} : memref<48xf32, #tpu.memory_space<vmem>>, vector<16xf32>,
      %get3A_149 = arith.constant 16 : index
      %get3A_150 = tpu.vector_load %arg9[%get3A_149] {strides = array<i32>} : memref<48xf32, #tpu.memory_space<vmem>>, vector<16xf32>,
      %min3A_151 = arith.minimumf %get3A_148, %get3A_150 : vector<16xf32>
      %get3A_152 = arith.constant 32 : index
      %get3A_153 = tpu.vector_load %arg9[%get3A_152] {strides = array<i32>} : memref<48xf32, #tpu.memory_space<vmem>>, vector<16xf32>,
      %min3A_154 = arith.minimumf %min3A_151, %get3A_153 : vector<16xf32>
      %reduce_min3A = arith.constant true
      %reduce_min3A_155 = vector.broadcast %reduce_min3A : i1 to vector<16xi1>
      %reduce_min3A_156 = tpu.scan <min>, %min3A_154 masked %reduce_min3A_155 : vector<16xf32>, vector<16xi1> -> vector<16xf32>
      %reduce_min3A_157 = vector.extract %reduce_min3A_156[15] : f32 from vector<16xf32>
      %broadcast_in_dim3A_158 = arith.constant 10000 : i32
      %broadcast_in_dim3A_159 = vector.broadcast %broadcast_in_dim3A_158 : i32 to vector<16xi32>
      %get3A_160 = arith.constant 0 : index
      %get3A_161 = tpu.vector_load %arg9[%get3A_160] {strides = array<i32>} : memref<48xf32, #tpu.memory_space<vmem>>, vector<16xf32>,
      %eq3A = vector.broadcast %reduce_min3A_157 : f32 to vector<16xf32>
      %eq3A_162 = arith.cmpf oeq, %get3A_161, %eq3A : vector<16xf32>
      %add3A_163 = arith.constant 0 : i32
      %add3A_164 = vector.broadcast %add3A_163 : i32 to vector<16xi32>
      %add3A_165 = arith.addi %iota3A, %add3A_164 : vector<16xi32>
      %jit3A = arith.constant 10000 : i32
      %broadcast_in_dim3A_166 = vector.broadcast %jit3A : i32 to vector<16xi32>
      %select_n3A = arith.select %eq3A_162, %add3A_165, %broadcast_in_dim3A_166 : vector<16xi1>, vector<16xi32>
      %min3A_167 = arith.minsi %broadcast_in_dim3A_159, %select_n3A : vector<16xi32>
      %get3A_168 = arith.constant 16 : index
      %get3A_169 = tpu.vector_load %arg9[%get3A_168] {strides = array<i32>} : memref<48xf32, #tpu.memory_space<vmem>>, vector<16xf32>,
      %eq3A_170 = vector.broadcast %reduce_min3A_157 : f32 to vector<16xf32>
      %eq3A_171 = arith.cmpf oeq, %get3A_169, %eq3A_170 : vector<16xf32>
      %add3A_172 = arith.constant 16 : i32
      %add3A_173 = vector.broadcast %add3A_172 : i32 to vector<16xi32>
      %add3A_174 = arith.addi %iota3A, %add3A_173 : vector<16xi32>
      %jit3A_175 = arith.constant 10000 : i32
      %broadcast_in_dim3A_176 = vector.broadcast %jit3A_175 : i32 to vector<16xi32>
      %select_n3A_177 = arith.select %eq3A_171, %add3A_174, %broadcast_in_dim3A_176 : vector<16xi1>, vector<16xi32>
      %min3A_178 = arith.minsi %min3A_167, %select_n3A_177 : vector<16xi32>
      %get3A_179 = arith.constant 32 : index
      %get3A_180 = tpu.vector_load %arg9[%get3A_179] {strides = array<i32>} : memref<48xf32, #tpu.memory_space<vmem>>, vector<16xf32>,
      %eq3A_181 = vector.broadcast %reduce_min3A_157 : f32 to vector<16xf32>
      %eq3A_182 = arith.cmpf oeq, %get3A_180, %eq3A_181 : vector<16xf32>
      %add3A_183 = arith.constant 32 : i32
      %add3A_184 = vector.broadcast %add3A_183 : i32 to vector<16xi32>
      %add3A_185 = arith.addi %iota3A, %add3A_184 : vector<16xi32>
      %jit3A_186 = arith.constant 10000 : i32
      %broadcast_in_dim3A_187 = vector.broadcast %jit3A_186 : i32 to vector<16xi32>
      %select_n3A_188 = arith.select %eq3A_182, %add3A_185, %broadcast_in_dim3A_187 : vector<16xi1>, vector<16xi32>
      %min3A_189 = arith.minsi %min3A_178, %select_n3A_188 : vector<16xi32>
      %reduce_min3A_190 = arith.constant true
      %reduce_min3A_191 = vector.broadcast %reduce_min3A_190 : i1 to vector<16xi1>
      %reduce_min3A_192 = arith.constant -2147483648 : i32
      %reduce_min3A_193 = vector.broadcast %reduce_min3A_192 : i32 to vector<16xi32>
      %reduce_min3A_194 = arith.xori %min3A_189, %reduce_min3A_193 : vector<16xi32>
      %reduce_min3A_195 = tpu.scan <min>, %reduce_min3A_194 masked %reduce_min3A_191 : vector<16xi32>, vector<16xi1> -> vector<16xi32>
      %reduce_min3A_196 = arith.xori %reduce_min3A_195, %reduce_min3A_193 : vector<16xi32>
      %reduce_min3A_197 = vector.extract %reduce_min3A_196[15] : i32 from vector<16xi32>
      %mul3A_198 = arith.constant 16 : i32
      %mul3A_199 = arith.muli %reduce_min3A_197, %mul3A_198 : i32
      %get3A_200 = arith.index_cast %mul3A_199 : i32 to index
      %get3A_201 = tpu.vector_load %arg8[%get3A_200] {strides = array<i32>} : memref<640xf32, #tpu.memory_space<vmem>>, vector<16xf32>,
      %eq3A_202 = vector.broadcast %reduce_min3A_157 : f32 to vector<16xf32>
      %eq3A_203 = arith.cmpf oeq, %get3A_201, %eq3A_202 : vector<16xf32>
      %jit3A_204 = arith.constant 16 : i32
      %broadcast_in_dim3A_205 = vector.broadcast %jit3A_204 : i32 to vector<16xi32>
      %select_n3A_206 = arith.select %eq3A_203, %iota3A, %broadcast_in_dim3A_205 : vector<16xi1>, vector<16xi32>
      %reduce_min3A_207 = arith.constant true
      %reduce_min3A_208 = vector.broadcast %reduce_min3A_207 : i1 to vector<16xi1>
      %reduce_min3A_209 = arith.constant -2147483648 : i32
      %reduce_min3A_210 = vector.broadcast %reduce_min3A_209 : i32 to vector<16xi32>
      %reduce_min3A_211 = arith.xori %select_n3A_206, %reduce_min3A_210 : vector<16xi32>
      %reduce_min3A_212 = tpu.scan <min>, %reduce_min3A_211 masked %reduce_min3A_208 : vector<16xi32>, vector<16xi1> -> vector<16xi32>
      %reduce_min3A_213 = arith.xori %reduce_min3A_212, %reduce_min3A_210 : vector<16xi32>
      %reduce_min3A_214 = vector.extract %reduce_min3A_213[15] : i32 from vector<16xi32>
      %mul3A_215 = arith.constant 16 : i32
      %mul3A_216 = arith.muli %reduce_min3A_197, %mul3A_215 : i32
      %add3A_217 = arith.addi %mul3A_216, %reduce_min3A_214 : i32
      %while3A_218 = arith.constant 0 : i32
      %while3A_219:3 = scf.while (%while3A_230 = %while3A_218, %while3A_231 = %reduce_min3A_157, %while3A_232 = %add3A_217) : (i32, f32, i32) -> (i32, f32, i32) {
        %lt3A = arith.constant 128 : i32
        %lt3A_233 = arith.cmpi slt, %while3A_230, %lt3A : i32
        %le3A = arith.cmpf ole, %while3A_231, %while3A_6 : f32
        %and3A = arith.andi %lt3A_233, %le3A : i1
        scf.condition(%and3A) %while3A_230, %while3A_231, %while3A_232 : i32, f32, i32
      } do {
      ^bb0(%while3A_230: i32, %while3A_231: f32, %while3A_232: i32):
        %mul3A_233 = arith.constant 640 : i32
        %mul3A_234 = vector.broadcast %mul3A_233 : i32 to vector<16xi32>
        %mul3A_235 = arith.muli %iota3A, %mul3A_234 : vector<16xi32>
        %add3A_236 = vector.broadcast %while3A_232 : i32 to vector<16xi32>
        %add3A_237 = arith.addi %mul3A_235, %add3A_236 : vector<16xi32>
        %gather3A = tpu.vector_load_idx %arg7[%add3A_237] : memref<10240xf32, #tpu.memory_space<vmem>>[vector<16xi32>], vector<16xf32>,
        %eq3A_238 = vector.broadcast %while3A_231 : f32 to vector<16xf32>
        %eq3A_239 = arith.cmpf oeq, %gather3A, %eq3A_238 : vector<16xf32>
        %jit3A_240 = arith.constant 16 : i32
        %broadcast_in_dim3A_241 = vector.broadcast %jit3A_240 : i32 to vector<16xi32>
        %select_n3A_242 = arith.select %eq3A_239, %iota3A, %broadcast_in_dim3A_241 : vector<16xi1>, vector<16xi32>
        %reduce_min3A_243 = arith.constant true
        %reduce_min3A_244 = vector.broadcast %reduce_min3A_243 : i1 to vector<16xi1>
        %reduce_min3A_245 = arith.constant -2147483648 : i32
        %reduce_min3A_246 = vector.broadcast %reduce_min3A_245 : i32 to vector<16xi32>
        %reduce_min3A_247 = arith.xori %select_n3A_242, %reduce_min3A_246 : vector<16xi32>
        %reduce_min3A_248 = tpu.scan <min>, %reduce_min3A_247 masked %reduce_min3A_244 : vector<16xi32>, vector<16xi1> -> vector<16xi32>
        %reduce_min3A_249 = arith.xori %reduce_min3A_248, %reduce_min3A_246 : vector<16xi32>
        %reduce_min3A_250 = vector.extract %reduce_min3A_249[15] : i32 from vector<16xi32>
        %mul3A_251 = arith.constant 16 : i32
        %mul3A_252 = arith.muli %while3A_232, %mul3A_251 : i32
        %add3A_253 = arith.addi %mul3A_252, %reduce_min3A_250 : i32
        %jit3A_254 = arith.constant 16 : i32
        %div3A = arith.divsi %while3A_230, %jit3A_254 : i32
        %sign3A = arith.constant 0 : i32
        %sign3A_255 = arith.cmpi sgt, %while3A_230, %sign3A : i32
        %sign3A_256 = arith.extui %sign3A_255 : i1 to i32
        %sign3A_257 = arith.constant 0 : i32
        %sign3A_258 = arith.cmpi slt, %while3A_230, %sign3A_257 : i32
        %sign3A_259 = arith.extui %sign3A_258 : i1 to i32
        %sign3A_260 = arith.subi %sign3A_256, %sign3A_259 : i32
        %sign3A_261 = arith.constant 0 : i32
        %sign3A_262 = arith.cmpi sgt, %jit3A_254, %sign3A_261 : i32
        %sign3A_263 = arith.extui %sign3A_262 : i1 to i32
        %sign3A_264 = arith.constant 0 : i32
        %sign3A_265 = arith.cmpi slt, %jit3A_254, %sign3A_264 : i32
        %sign3A_266 = arith.extui %sign3A_265 : i1 to i32
        %sign3A_267 = arith.subi %sign3A_263, %sign3A_266 : i32
        %ne3A = arith.cmpi ne, %sign3A_260, %sign3A_267 : i32
        %rem3A = arith.remsi %while3A_230, %jit3A_254 : i32
        %ne3A_268 = arith.constant 0 : i32
        %ne3A_269 = arith.cmpi ne, %rem3A, %ne3A_268 : i32
        %and3A = arith.andi %ne3A, %ne3A_269 : i1
        %sub3A_270 = arith.constant 1 : i32
        %sub3A_271 = arith.subi %div3A, %sub3A_270 : i32
        %select_n3A_272 = arith.select %and3A, %sub3A_271, %div3A : i32
        %mul3A_273 = arith.constant 16 : i32
        %mul3A_274 = arith.muli %select_n3A_272, %mul3A_273 : i32
        %jit3A_275 = arith.constant 16 : i32
        %eq3A_276 = arith.constant 0 : i32
        %eq3A_277 = arith.cmpi eq, %jit3A_275, %eq3A_276 : i32
        %jit3A_278 = arith.constant 1 : i32
        %select_n3A_279 = arith.select %eq3A_277, %jit3A_278, %jit3A_275 : i32
        %rem3A_280 = arith.remsi %while3A_230, %select_n3A_279 : i32
        %ne3A_281 = arith.constant 0 : i32
        %ne3A_282 = arith.cmpi ne, %rem3A_280, %ne3A_281 : i32
        %lt3A = arith.constant 0 : i32
        %lt3A_283 = arith.cmpi slt, %rem3A_280, %lt3A : i32
        %lt3A_284 = arith.constant 0 : i32
        %lt3A_285 = arith.cmpi slt, %select_n3A_279, %lt3A_284 : i32
        %ne3A_286 = arith.xori %lt3A_283, %lt3A_285 : i1
        %and3A_287 = arith.andi %ne3A_286, %ne3A_282 : i1
        %add3A_288 = arith.addi %rem3A_280, %select_n3A_279 : i32
        %select_n3A_289 = arith.select %and3A_287, %add3A_288, %rem3A_280 : i32
        %eq3A_290 = vector.broadcast %select_n3A_289 : i32 to vector<16xi32>
        %eq3A_291 = arith.cmpi eq, %iota3A, %eq3A_290 : vector<16xi32>
        %get3A_292 = arith.index_cast %mul3A_274 : i32 to index
        %get3A_293 = tpu.vector_load %arg10[%get3A_292] {strides = array<i32>} : memref<128xi32, #tpu.memory_space<vmem>>, vector<16xi32>,
        %broadcast_in_dim3A_294 = vector.broadcast %add3A_253 : i32 to vector<16xi32>
        %select_n3A_295 = arith.select %eq3A_291, %broadcast_in_dim3A_294, %get3A_293 : vector<16xi1>, vector<16xi32>
        %swap3A_296 = arith.index_cast %mul3A_274 : i32 to index
        %swap3A_297 = tpu.vector_load %arg10[%swap3A_296] {strides = array<i32>} : memref<128xi32, #tpu.memory_space<vmem>>, vector<16xi32>,
        tpu.vector_store %arg10[%swap3A_296], %select_n3A_295 {strides = array<i32>} : memref<128xi32, #tpu.memory_space<vmem>>, vector<16xi32>,
        %get3A_298 = arith.index_cast %mul3A_274 : i32 to index
        %get3A_299 = tpu.vector_load %arg11[%get3A_298] {strides = array<i32>} : memref<128xi32, #tpu.memory_space<vmem>>, vector<16xi32>,
        %broadcast_in_dim3A_300 = vector.broadcast %add3A_21 : i32 to vector<16xi32>
        %select_n3A_301 = arith.select %eq3A_291, %broadcast_in_dim3A_300, %get3A_299 : vector<16xi1>, vector<16xi32>
        %swap3A_302 = arith.index_cast %mul3A_274 : i32 to index
        %swap3A_303 = tpu.vector_load %arg11[%swap3A_302] {strides = array<i32>} : memref<128xi32, #tpu.memory_space<vmem>>, vector<16xi32>,
        tpu.vector_store %arg11[%swap3A_302], %select_n3A_301 {strides = array<i32>} : memref<128xi32, #tpu.memory_space<vmem>>, vector<16xi32>,
        %get3A_304 = arith.index_cast %mul3A_274 : i32 to index
        %get3A_305 = tpu.vector_load %arg12[%get3A_304] {strides = array<i32>} : memref<128xi32, #tpu.memory_space<vmem>>, vector<16xi32>,
        %broadcast_in_dim3A_306 = vector.broadcast %add3A_253 : i32 to vector<16xi32>
        %select_n3A_307 = arith.select %eq3A_291, %broadcast_in_dim3A_306, %get3A_305 : vector<16xi1>, vector<16xi32>
        %swap3A_308 = arith.index_cast %mul3A_274 : i32 to index
        %swap3A_309 = tpu.vector_load %arg12[%swap3A_308] {strides = array<i32>} : memref<128xi32, #tpu.memory_space<vmem>>, vector<16xi32>,
        tpu.vector_store %arg12[%swap3A_308], %select_n3A_307 {strides = array<i32>} : memref<128xi32, #tpu.memory_space<vmem>>, vector<16xi32>,
        %broadcast_in_dim3A_310 = vector.broadcast %while3A : f32 to vector<16xf32>
        %eq3A_311 = vector.broadcast %reduce_min3A_250 : i32 to vector<16xi32>
        %eq3A_312 = arith.cmpi eq, %iota3A, %eq3A_311 : vector<16xi32>
        tpu.vector_store_idx %arg7[%add3A_237], %broadcast_in_dim3A_310 masked %eq3A_312 : memref<10240xf32, #tpu.memory_space<vmem>>[vector<16xi32>], vector<16xf32>, vector<16xi1>
        %eq3A_313 = vector.broadcast %reduce_min3A_250 : i32 to vector<16xi32>
        %eq3A_314 = arith.cmpi eq, %iota3A, %eq3A_313 : vector<16xi32>
        %broadcast_in_dim3A_315 = vector.broadcast %while3A : f32 to vector<16xf32>
        %select_n3A_316 = arith.select %eq3A_314, %broadcast_in_dim3A_315, %gather3A : vector<16xi1>, vector<16xf32>
        %reduce_min3A_317 = arith.constant true
        %reduce_min3A_318 = vector.broadcast %reduce_min3A_317 : i1 to vector<16xi1>
        %reduce_min3A_319 = tpu.scan <min>, %select_n3A_316 masked %reduce_min3A_318 : vector<16xf32>, vector<16xi1> -> vector<16xf32>
        %reduce_min3A_320 = vector.extract %reduce_min3A_319[15] : f32 from vector<16xf32>
        %broadcast_in_dim3A_321 = vector.broadcast %while3A_232 : i32 to vector<16xi32>
        %broadcast_in_dim3A_322 = vector.broadcast %reduce_min3A_320 : f32 to vector<16xf32>
        %eq3A_323 = arith.constant 0 : i32
        %eq3A_324 = vector.broadcast %eq3A_323 : i32 to vector<16xi32>
        %eq3A_325 = arith.cmpi eq, %iota3A, %eq3A_324 : vector<16xi32>
        tpu.vector_store_idx %arg8[%broadcast_in_dim3A_321], %broadcast_in_dim3A_322 masked %eq3A_325 : memref<640xf32, #tpu.memory_space<vmem>>[vector<16xi32>], vector<16xf32>, vector<16xi1>
        %jit3A_326 = arith.constant 16 : i32
        %div3A_327 = arith.divsi %while3A_232, %jit3A_326 : i32
        %sign3A_328 = arith.constant 0 : i32
        %sign3A_329 = arith.cmpi sgt, %while3A_232, %sign3A_328 : i32
        %sign3A_330 = arith.extui %sign3A_329 : i1 to i32
        %sign3A_331 = arith.constant 0 : i32
        %sign3A_332 = arith.cmpi slt, %while3A_232, %sign3A_331 : i32
        %sign3A_333 = arith.extui %sign3A_332 : i1 to i32
        %sign3A_334 = arith.subi %sign3A_330, %sign3A_333 : i32
        %sign3A_335 = arith.constant 0 : i32
        %sign3A_336 = arith.cmpi sgt, %jit3A_326, %sign3A_335 : i32
        %sign3A_337 = arith.extui %sign3A_336 : i1 to i32
        %sign3A_338 = arith.constant 0 : i32
        %sign3A_339 = arith.cmpi slt, %jit3A_326, %sign3A_338 : i32
        %sign3A_340 = arith.extui %sign3A_339 : i1 to i32
        %sign3A_341 = arith.subi %sign3A_337, %sign3A_340 : i32
        %ne3A_342 = arith.cmpi ne, %sign3A_334, %sign3A_341 : i32
        %rem3A_343 = arith.remsi %while3A_232, %jit3A_326 : i32
        %ne3A_344 = arith.constant 0 : i32
        %ne3A_345 = arith.cmpi ne, %rem3A_343, %ne3A_344 : i32
        %and3A_346 = arith.andi %ne3A_342, %ne3A_345 : i1
        %sub3A_347 = arith.constant 1 : i32
        %sub3A_348 = arith.subi %div3A_327, %sub3A_347 : i32
        %select_n3A_349 = arith.select %and3A_346, %sub3A_348, %div3A_327 : i32
        %mul3A_350 = arith.constant 16 : i32
        %mul3A_351 = arith.muli %select_n3A_349, %mul3A_350 : i32
        %get3A_352 = arith.index_cast %mul3A_351 : i32 to index
        %get3A_353 = tpu.vector_load %arg8[%get3A_352] {strides = array<i32>} : memref<640xf32, #tpu.memory_space<vmem>>, vector<16xf32>,
        %reduce_min3A_354 = arith.constant true
        %reduce_min3A_355 = vector.broadcast %reduce_min3A_354 : i1 to vector<16xi1>
        %reduce_min3A_356 = tpu.scan <min>, %get3A_353 masked %reduce_min3A_355 : vector<16xf32>, vector<16xi1> -> vector<16xf32>
        %reduce_min3A_357 = vector.extract %reduce_min3A_356[15] : f32 from vector<16xf32>
        %broadcast_in_dim3A_358 = vector.broadcast %select_n3A_349 : i32 to vector<16xi32>
        %broadcast_in_dim3A_359 = vector.broadcast %reduce_min3A_357 : f32 to vector<16xf32>
        %eq3A_360 = arith.constant 0 : i32
        %eq3A_361 = vector.broadcast %eq3A_360 : i32 to vector<16xi32>
        %eq3A_362 = arith.cmpi eq, %iota3A, %eq3A_361 : vector<16xi32>
        tpu.vector_store_idx %arg9[%broadcast_in_dim3A_358], %broadcast_in_dim3A_359 masked %eq3A_362 : memref<48xf32, #tpu.memory_space<vmem>>[vector<16xi32>], vector<16xf32>, vector<16xi1>
        %get3A_363 = arith.constant 0 : index
        %get3A_364 = tpu.vector_load %arg9[%get3A_363] {strides = array<i32>} : memref<48xf32, #tpu.memory_space<vmem>>, vector<16xf32>,
        %get3A_365 = arith.constant 16 : index
        %get3A_366 = tpu.vector_load %arg9[%get3A_365] {strides = array<i32>} : memref<48xf32, #tpu.memory_space<vmem>>, vector<16xf32>,
        %min3A_367 = arith.minimumf %get3A_364, %get3A_366 : vector<16xf32>
        %get3A_368 = arith.constant 32 : index
        %get3A_369 = tpu.vector_load %arg9[%get3A_368] {strides = array<i32>} : memref<48xf32, #tpu.memory_space<vmem>>, vector<16xf32>,
        %min3A_370 = arith.minimumf %min3A_367, %get3A_369 : vector<16xf32>
        %reduce_min3A_371 = arith.constant true
        %reduce_min3A_372 = vector.broadcast %reduce_min3A_371 : i1 to vector<16xi1>
        %reduce_min3A_373 = tpu.scan <min>, %min3A_370 masked %reduce_min3A_372 : vector<16xf32>, vector<16xi1> -> vector<16xf32>
        %reduce_min3A_374 = vector.extract %reduce_min3A_373[15] : f32 from vector<16xf32>
        %broadcast_in_dim3A_375 = arith.constant 10000 : i32
        %broadcast_in_dim3A_376 = vector.broadcast %broadcast_in_dim3A_375 : i32 to vector<16xi32>
        %get3A_377 = arith.constant 0 : index
        %get3A_378 = tpu.vector_load %arg9[%get3A_377] {strides = array<i32>} : memref<48xf32, #tpu.memory_space<vmem>>, vector<16xf32>,
        %eq3A_379 = vector.broadcast %reduce_min3A_374 : f32 to vector<16xf32>
        %eq3A_380 = arith.cmpf oeq, %get3A_378, %eq3A_379 : vector<16xf32>
        %add3A_381 = arith.constant 0 : i32
        %add3A_382 = vector.broadcast %add3A_381 : i32 to vector<16xi32>
        %add3A_383 = arith.addi %iota3A, %add3A_382 : vector<16xi32>
        %jit3A_384 = arith.constant 10000 : i32
        %broadcast_in_dim3A_385 = vector.broadcast %jit3A_384 : i32 to vector<16xi32>
        %select_n3A_386 = arith.select %eq3A_380, %add3A_383, %broadcast_in_dim3A_385 : vector<16xi1>, vector<16xi32>
        %min3A_387 = arith.minsi %broadcast_in_dim3A_376, %select_n3A_386 : vector<16xi32>
        %get3A_388 = arith.constant 16 : index
        %get3A_389 = tpu.vector_load %arg9[%get3A_388] {strides = array<i32>} : memref<48xf32, #tpu.memory_space<vmem>>, vector<16xf32>,
        %eq3A_390 = vector.broadcast %reduce_min3A_374 : f32 to vector<16xf32>
        %eq3A_391 = arith.cmpf oeq, %get3A_389, %eq3A_390 : vector<16xf32>
        %add3A_392 = arith.constant 16 : i32
        %add3A_393 = vector.broadcast %add3A_392 : i32 to vector<16xi32>
        %add3A_394 = arith.addi %iota3A, %add3A_393 : vector<16xi32>
        %jit3A_395 = arith.constant 10000 : i32
        %broadcast_in_dim3A_396 = vector.broadcast %jit3A_395 : i32 to vector<16xi32>
        %select_n3A_397 = arith.select %eq3A_391, %add3A_394, %broadcast_in_dim3A_396 : vector<16xi1>, vector<16xi32>
        %min3A_398 = arith.minsi %min3A_387, %select_n3A_397 : vector<16xi32>
        %get3A_399 = arith.constant 32 : index
        %get3A_400 = tpu.vector_load %arg9[%get3A_399] {strides = array<i32>} : memref<48xf32, #tpu.memory_space<vmem>>, vector<16xf32>,
        %eq3A_401 = vector.broadcast %reduce_min3A_374 : f32 to vector<16xf32>
        %eq3A_402 = arith.cmpf oeq, %get3A_400, %eq3A_401 : vector<16xf32>
        %add3A_403 = arith.constant 32 : i32
        %add3A_404 = vector.broadcast %add3A_403 : i32 to vector<16xi32>
        %add3A_405 = arith.addi %iota3A, %add3A_404 : vector<16xi32>
        %jit3A_406 = arith.constant 10000 : i32
        %broadcast_in_dim3A_407 = vector.broadcast %jit3A_406 : i32 to vector<16xi32>
        %select_n3A_408 = arith.select %eq3A_402, %add3A_405, %broadcast_in_dim3A_407 : vector<16xi1>, vector<16xi32>
        %min3A_409 = arith.minsi %min3A_398, %select_n3A_408 : vector<16xi32>
        %reduce_min3A_410 = arith.constant true
        %reduce_min3A_411 = vector.broadcast %reduce_min3A_410 : i1 to vector<16xi1>
        %reduce_min3A_412 = arith.constant -2147483648 : i32
        %reduce_min3A_413 = vector.broadcast %reduce_min3A_412 : i32 to vector<16xi32>
        %reduce_min3A_414 = arith.xori %min3A_409, %reduce_min3A_413 : vector<16xi32>
        %reduce_min3A_415 = tpu.scan <min>, %reduce_min3A_414 masked %reduce_min3A_411 : vector<16xi32>, vector<16xi1> -> vector<16xi32>
        %reduce_min3A_416 = arith.xori %reduce_min3A_415, %reduce_min3A_413 : vector<16xi32>
        %reduce_min3A_417 = vector.extract %reduce_min3A_416[15] : i32 from vector<16xi32>
        %mul3A_418 = arith.constant 16 : i32
        %mul3A_419 = arith.muli %reduce_min3A_417, %mul3A_418 : i32
        %get3A_420 = arith.index_cast %mul3A_419 : i32 to index
        %get3A_421 = tpu.vector_load %arg8[%get3A_420] {strides = array<i32>} : memref<640xf32, #tpu.memory_space<vmem>>, vector<16xf32>,
        %eq3A_422 = vector.broadcast %reduce_min3A_374 : f32 to vector<16xf32>
        %eq3A_423 = arith.cmpf oeq, %get3A_421, %eq3A_422 : vector<16xf32>
        %jit3A_424 = arith.constant 16 : i32
        %broadcast_in_dim3A_425 = vector.broadcast %jit3A_424 : i32 to vector<16xi32>
        %select_n3A_426 = arith.select %eq3A_423, %iota3A, %broadcast_in_dim3A_425 : vector<16xi1>, vector<16xi32>
        %reduce_min3A_427 = arith.constant true
        %reduce_min3A_428 = vector.broadcast %reduce_min3A_427 : i1 to vector<16xi1>
        %reduce_min3A_429 = arith.constant -2147483648 : i32
        %reduce_min3A_430 = vector.broadcast %reduce_min3A_429 : i32 to vector<16xi32>
        %reduce_min3A_431 = arith.xori %select_n3A_426, %reduce_min3A_430 : vector<16xi32>
        %reduce_min3A_432 = tpu.scan <min>, %reduce_min3A_431 masked %reduce_min3A_428 : vector<16xi32>, vector<16xi1> -> vector<16xi32>
        %reduce_min3A_433 = arith.xori %reduce_min3A_432, %reduce_min3A_430 : vector<16xi32>
        %reduce_min3A_434 = vector.extract %reduce_min3A_433[15] : i32 from vector<16xi32>
        %mul3A_435 = arith.constant 16 : i32
        %mul3A_436 = arith.muli %reduce_min3A_417, %mul3A_435 : i32
        %add3A_437 = arith.addi %mul3A_436, %reduce_min3A_434 : i32
        %add3A_438 = arith.constant 1 : i32
        %add3A_439 = arith.addi %while3A_230, %add3A_438 : i32
        scf.yield %add3A_439, %reduce_min3A_374, %add3A_437 : i32, f32, i32
      }
      %eq3A_220 = arith.constant 0 : i32
      %eq3A_221 = vector.broadcast %eq3A_220 : i32 to vector<16xi32>
      %eq3A_222 = arith.cmpi eq, %iota3A, %eq3A_221 : vector<16xi32>
      %jit3A_223 = arith.constant 0 : i32
      %broadcast_in_dim3A_224 = vector.broadcast %while3A_219#0 : i32 to vector<16xi32>
      %broadcast_in_dim3A_225 = vector.broadcast %jit3A_223 : i32 to vector<16xi32>
      %select_n3A_226 = arith.select %eq3A_222, %broadcast_in_dim3A_224, %broadcast_in_dim3A_225 : vector<16xi1>, vector<16xi32>
      %swap3A_227 = arith.constant 0 : index
      %swap3A_228 = tpu.vector_load %arg13[%swap3A_227] {strides = array<i32>} : memref<16xi32, #tpu.memory_space<vmem>>, vector<16xi32>,
      tpu.vector_store %arg13[%swap3A_227], %select_n3A_226 {strides = array<i32>} : memref<16xi32, #tpu.memory_space<vmem>>, vector<16xi32>,
      "tpu.region"() ({
        %run_scoped3A = tpu.sem_alloc : memref<!tpu.dma_semaphore, #tpu.memory_space<semaphore_mem>>
        %dma_start3A_230 = arith.constant 0 : i32
        %dma_start3A_231 = tpu.memref_slice %arg3[%add3A_21, %dma_start3A_230] : memref<1250x128xi32, #tpu.memory_space<hbm>> -> memref<1x128xi32, #tpu.memory_space<hbm>>
        %dma_start3A_232 = tpu.memref_squeeze %dma_start3A_231 : memref<1x128xi32, #tpu.memory_space<hbm>> -> memref<128xi32, #tpu.memory_space<hbm>>
        %dma_start3A_233 = arith.constant 0 : i32
        %dma_start3A_234 = tpu.memref_slice %arg3[%add3A_21, %dma_start3A_233] : memref<1250x128xi32, #tpu.memory_space<hbm>> -> memref<1x128xi32, #tpu.memory_space<hbm>>
        %dma_start3A_235 = tpu.memref_squeeze %dma_start3A_234 : memref<1x128xi32, #tpu.memory_space<hbm>> -> memref<128xi32, #tpu.memory_space<hbm>>
        tpu.enqueue_dma source(%arg10 : memref<128xi32, #tpu.memory_space<vmem>>) target(%dma_start3A_235 : memref<128xi32, #tpu.memory_space<hbm>>) target_semaphore(%run_scoped3A : memref<!tpu.dma_semaphore, #tpu.memory_space<semaphore_mem>>)
        %dma_wait3A_236 = arith.constant 0 : i32
        %dma_wait3A_237 = tpu.memref_slice %arg3[%add3A_21, %dma_wait3A_236] : memref<1250x128xi32, #tpu.memory_space<hbm>> -> memref<1x128xi32, #tpu.memory_space<hbm>>
        %dma_wait3A_238 = tpu.memref_squeeze %dma_wait3A_237 : memref<1x128xi32, #tpu.memory_space<hbm>> -> memref<128xi32, #tpu.memory_space<hbm>>
        %dma_wait3A_239 = arith.constant 0 : i32
        %dma_wait3A_240 = tpu.memref_slice %arg3[%add3A_21, %dma_wait3A_239] : memref<1250x128xi32, #tpu.memory_space<hbm>> -> memref<1x128xi32, #tpu.memory_space<hbm>>
        %dma_wait3A_241 = tpu.memref_squeeze %dma_wait3A_240 : memref<1x128xi32, #tpu.memory_space<hbm>> -> memref<128xi32, #tpu.memory_space<hbm>>
        tpu.wait_dma2 semaphore(%run_scoped3A : memref<!tpu.dma_semaphore, #tpu.memory_space<semaphore_mem>>) src(%arg10 : memref<128xi32, #tpu.memory_space<vmem>>) dst(%dma_wait3A_241 : memref<128xi32, #tpu.memory_space<hbm>>)
        tpu.yield
      }) : () -> ()
      "tpu.region"() ({
        %run_scoped3A = tpu.sem_alloc : memref<!tpu.dma_semaphore, #tpu.memory_space<semaphore_mem>>
        %dma_start3A_230 = arith.constant 0 : i32
        %dma_start3A_231 = tpu.memref_slice %arg4[%add3A_21, %dma_start3A_230] : memref<1250x128xi32, #tpu.memory_space<hbm>> -> memref<1x128xi32, #tpu.memory_space<hbm>>
        %dma_start3A_232 = tpu.memref_squeeze %dma_start3A_231 : memref<1x128xi32, #tpu.memory_space<hbm>> -> memref<128xi32, #tpu.memory_space<hbm>>
        %dma_start3A_233 = arith.constant 0 : i32
        %dma_start3A_234 = tpu.memref_slice %arg4[%add3A_21, %dma_start3A_233] : memref<1250x128xi32, #tpu.memory_space<hbm>> -> memref<1x128xi32, #tpu.memory_space<hbm>>
        %dma_start3A_235 = tpu.memref_squeeze %dma_start3A_234 : memref<1x128xi32, #tpu.memory_space<hbm>> -> memref<128xi32, #tpu.memory_space<hbm>>
        tpu.enqueue_dma source(%arg11 : memref<128xi32, #tpu.memory_space<vmem>>) target(%dma_start3A_235 : memref<128xi32, #tpu.memory_space<hbm>>) target_semaphore(%run_scoped3A : memref<!tpu.dma_semaphore, #tpu.memory_space<semaphore_mem>>)
        %dma_wait3A_236 = arith.constant 0 : i32
        %dma_wait3A_237 = tpu.memref_slice %arg4[%add3A_21, %dma_wait3A_236] : memref<1250x128xi32, #tpu.memory_space<hbm>> -> memref<1x128xi32, #tpu.memory_space<hbm>>
        %dma_wait3A_238 = tpu.memref_squeeze %dma_wait3A_237 : memref<1x128xi32, #tpu.memory_space<hbm>> -> memref<128xi32, #tpu.memory_space<hbm>>
        %dma_wait3A_239 = arith.constant 0 : i32
        %dma_wait3A_240 = tpu.memref_slice %arg4[%add3A_21, %dma_wait3A_239] : memref<1250x128xi32, #tpu.memory_space<hbm>> -> memref<1x128xi32, #tpu.memory_space<hbm>>
        %dma_wait3A_241 = tpu.memref_squeeze %dma_wait3A_240 : memref<1x128xi32, #tpu.memory_space<hbm>> -> memref<128xi32, #tpu.memory_space<hbm>>
        tpu.wait_dma2 semaphore(%run_scoped3A : memref<!tpu.dma_semaphore, #tpu.memory_space<semaphore_mem>>) src(%arg11 : memref<128xi32, #tpu.memory_space<vmem>>) dst(%dma_wait3A_241 : memref<128xi32, #tpu.memory_space<hbm>>)
        tpu.yield
      }) : () -> ()
      "tpu.region"() ({
        %run_scoped3A = tpu.sem_alloc : memref<!tpu.dma_semaphore, #tpu.memory_space<semaphore_mem>>
        %dma_start3A_230 = arith.constant 0 : i32
        %dma_start3A_231 = tpu.memref_slice %arg5[%add3A_21, %dma_start3A_230] : memref<1250x128xi32, #tpu.memory_space<hbm>> -> memref<1x128xi32, #tpu.memory_space<hbm>>
        %dma_start3A_232 = tpu.memref_squeeze %dma_start3A_231 : memref<1x128xi32, #tpu.memory_space<hbm>> -> memref<128xi32, #tpu.memory_space<hbm>>
        %dma_start3A_233 = arith.constant 0 : i32
        %dma_start3A_234 = tpu.memref_slice %arg5[%add3A_21, %dma_start3A_233] : memref<1250x128xi32, #tpu.memory_space<hbm>> -> memref<1x128xi32, #tpu.memory_space<hbm>>
        %dma_start3A_235 = tpu.memref_squeeze %dma_start3A_234 : memref<1x128xi32, #tpu.memory_space<hbm>> -> memref<128xi32, #tpu.memory_space<hbm>>
        tpu.enqueue_dma source(%arg12 : memref<128xi32, #tpu.memory_space<vmem>>) target(%dma_start3A_235 : memref<128xi32, #tpu.memory_space<hbm>>) target_semaphore(%run_scoped3A : memref<!tpu.dma_semaphore, #tpu.memory_space<semaphore_mem>>)
        %dma_wait3A_236 = arith.constant 0 : i32
        %dma_wait3A_237 = tpu.memref_slice %arg5[%add3A_21, %dma_wait3A_236] : memref<1250x128xi32, #tpu.memory_space<hbm>> -> memref<1x128xi32, #tpu.memory_space<hbm>>
        %dma_wait3A_238 = tpu.memref_squeeze %dma_wait3A_237 : memref<1x128xi32, #tpu.memory_space<hbm>> -> memref<128xi32, #tpu.memory_space<hbm>>
        %dma_wait3A_239 = arith.constant 0 : i32
        %dma_wait3A_240 = tpu.memref_slice %arg5[%add3A_21, %dma_wait3A_239] : memref<1250x128xi32, #tpu.memory_space<hbm>> -> memref<1x128xi32, #tpu.memory_space<hbm>>
        %dma_wait3A_241 = tpu.memref_squeeze %dma_wait3A_240 : memref<1x128xi32, #tpu.memory_space<hbm>> -> memref<128xi32, #tpu.memory_space<hbm>>
        tpu.wait_dma2 semaphore(%run_scoped3A : memref<!tpu.dma_semaphore, #tpu.memory_space<semaphore_mem>>) src(%arg12 : memref<128xi32, #tpu.memory_space<vmem>>) dst(%dma_wait3A_241 : memref<128xi32, #tpu.memory_space<hbm>>)
        tpu.yield
      }) : () -> ()
      "tpu.region"() ({
        %run_scoped3A = tpu.sem_alloc : memref<!tpu.dma_semaphore, #tpu.memory_space<semaphore_mem>>
        %dma_start3A_230 = arith.constant 0 : i32
        %dma_start3A_231 = tpu.memref_slice %arg6[%add3A_21, %dma_start3A_230] : memref<1250x16xi32, #tpu.memory_space<hbm>> -> memref<1x16xi32, #tpu.memory_space<hbm>>
        %dma_start3A_232 = tpu.memref_squeeze %dma_start3A_231 : memref<1x16xi32, #tpu.memory_space<hbm>> -> memref<16xi32, #tpu.memory_space<hbm>>
        %dma_start3A_233 = arith.constant 0 : i32
        %dma_start3A_234 = tpu.memref_slice %arg6[%add3A_21, %dma_start3A_233] : memref<1250x16xi32, #tpu.memory_space<hbm>> -> memref<1x16xi32, #tpu.memory_space<hbm>>
        %dma_start3A_235 = tpu.memref_squeeze %dma_start3A_234 : memref<1x16xi32, #tpu.memory_space<hbm>> -> memref<16xi32, #tpu.memory_space<hbm>>
        tpu.enqueue_dma source(%arg13 : memref<16xi32, #tpu.memory_space<vmem>>) target(%dma_start3A_235 : memref<16xi32, #tpu.memory_space<hbm>>) target_semaphore(%run_scoped3A : memref<!tpu.dma_semaphore, #tpu.memory_space<semaphore_mem>>)
        %dma_wait3A_236 = arith.constant 0 : i32
        %dma_wait3A_237 = tpu.memref_slice %arg6[%add3A_21, %dma_wait3A_236] : memref<1250x16xi32, #tpu.memory_space<hbm>> -> memref<1x16xi32, #tpu.memory_space<hbm>>
        %dma_wait3A_238 = tpu.memref_squeeze %dma_wait3A_237 : memref<1x16xi32, #tpu.memory_space<hbm>> -> memref<16xi32, #tpu.memory_space<hbm>>
        %dma_wait3A_239 = arith.constant 0 : i32
        %dma_wait3A_240 = tpu.memref_slice %arg6[%add3A_21, %dma_wait3A_239] : memref<1250x16xi32, #tpu.memory_space<hbm>> -> memref<1x16xi32, #tpu.memory_space<hbm>>
        %dma_wait3A_241 = tpu.memref_squeeze %dma_wait3A_240 : memref<1x16xi32, #tpu.memory_space<hbm>> -> memref<16xi32, #tpu.memory_space<hbm>>
        tpu.wait_dma2 semaphore(%run_scoped3A : memref<!tpu.dma_semaphore, #tpu.memory_space<semaphore_mem>>) src(%arg13 : memref<16xi32, #tpu.memory_space<vmem>>) dst(%dma_wait3A_241 : memref<16xi32, #tpu.memory_space<hbm>>)
        tpu.yield
      }) : () -> ()
      %while3A_229 = arith.constant 0 : i32
      scf.yield %while3A_229 : i32
    }
    return
  }
}

module attributes {stable_mosaic.version = 14 : i64} {
  func.func @_d2_kernel(%arg0: i32, %arg1: memref<1250x3xf32, #tpu.memory_space<vmem>>, %arg2: memref<3x1280xf32, #tpu.memory_space<vmem>>, %arg3: memref<1250x1xf32, #tpu.memory_space<vmem>>, %arg4: memref<1x1280xf32, #tpu.memory_space<vmem>>, %arg5: memref<1250x1280xf32, #tpu.memory_space<vmem>>) attributes {dimension_semantics = [#tpu.dimension_semantics<arbitrary>], iteration_bounds = array<i64: 8>, scalar_prefetch = 0 : i64, scratch_operands = 0 : i64, tpu.core_type = #tpu.core_type<tc>, window_params = [{pipeline_mode = #tpu.pipeline_mode<synchronous>, transform_indices = @transform_0, window_bounds = array<i64: 1250, 3>}, {transform_indices = @transform_1, window_bounds = array<i64: 3, 1280>}, {pipeline_mode = #tpu.pipeline_mode<synchronous>, transform_indices = @transform_2, window_bounds = array<i64: 1250, 1>}, {transform_indices = @transform_3, window_bounds = array<i64: 1, 1280>}, {transform_indices = @transform_4, window_bounds = array<i64: 1250, 1280>}]} {
    %get3A = arith.constant 0 : index
    %get3A_0 = arith.constant 0 : index
    %get3A_1 = vector.load %arg3[%get3A, %get3A_0] : memref<1250x1xf32, #tpu.memory_space<vmem>>, vector<1250x1xf32>
    %get3A_2 = arith.constant 0 : index
    %get3A_3 = arith.constant 0 : index
    %get3A_4 = vector.load %arg4[%get3A_2, %get3A_3] : memref<1x1280xf32, #tpu.memory_space<vmem>>, vector<1x1280xf32>
    %add3A = vector.broadcast %get3A_1 : vector<1250x1xf32> to vector<1250x1280xf32>
    %add3A_5 = vector.broadcast %get3A_4 : vector<1x1280xf32> to vector<1250x1280xf32>
    %add3A_6 = arith.addf %add3A, %add3A_5 : vector<1250x1280xf32>
    %get3A_7 = arith.constant 0 : index
    %get3A_8 = arith.constant 0 : index
    %get3A_9 = vector.load %arg1[%get3A_7, %get3A_8] : memref<1250x3xf32, #tpu.memory_space<vmem>>, vector<1250x3xf32>
    %get3A_10 = arith.constant 0 : index
    %get3A_11 = arith.constant 0 : index
    %get3A_12 = vector.load %arg2[%get3A_10, %get3A_11] : memref<3x1280xf32, #tpu.memory_space<vmem>>, vector<3x1280xf32>
    %dot_general3A = arith.constant dense<0.000000e+00> : vector<1250x1280xf32>
    %dot_general3A_13 = tpu.matmul %get3A_9, %get3A_12, %dot_general3A {dimension_numbers = #tpu.dot_dimension_numbers<[1], [0], [0], [1], [0, 0, 1, 1], [], []>, transpose_lhs_hint = false} : vector<1250x3xf32>, vector<3x1280xf32>, vector<1250x1280xf32> -> vector<1250x1280xf32>
    %sub3A = arith.subf %add3A_6, %dot_general3A_13 : vector<1250x1280xf32>
    %swap3A = arith.constant 0 : index
    %swap3A_14 = arith.constant 0 : index
    %swap3A_15 = vector.load %arg5[%swap3A, %swap3A_14] : memref<1250x1280xf32, #tpu.memory_space<vmem>>, vector<1250x1280xf32>
    tpu.vector_store %arg5[%swap3A, %swap3A_14], %sub3A {strides = array<i32>} : memref<1250x1280xf32, #tpu.memory_space<vmem>>, vector<1250x1280xf32>,
    return
  }
  func.func @transform_0(%arg0: i32) -> (i32, i32) {
    %c0_i32 = arith.constant 0 : i32
    %c0_i32_0 = arith.constant 0 : i32
    %c0_i32_1 = arith.constant 0 : i32
    return %c0_i32, %c0_i32_0 : i32, i32
  }
  func.func @transform_1(%arg0: i32) -> (i32, i32) {
    %c0_i32 = arith.constant 0 : i32
    %c0_i32_0 = arith.constant 0 : i32
    return %c0_i32, %arg0 : i32, i32
  }
  func.func @transform_2(%arg0: i32) -> (i32, i32) {
    %c0_i32 = arith.constant 0 : i32
    %c0_i32_0 = arith.constant 0 : i32
    %c0_i32_1 = arith.constant 0 : i32
    return %c0_i32, %c0_i32_0 : i32, i32
  }
  func.func @transform_3(%arg0: i32) -> (i32, i32) {
    %c0_i32 = arith.constant 0 : i32
    %c0_i32_0 = arith.constant 0 : i32
    return %c0_i32, %arg0 : i32, i32
  }
  func.func @transform_4(%arg0: i32) -> (i32, i32) {
    %c0_i32 = arith.constant 0 : i32
    %c0_i32_0 = arith.constant 0 : i32
    return %c0_i32, %arg0 : i32, i32
  }
}

module attributes {stable_mosaic.version = 14 : i64} {
  func.func @_mlp_kernel(%arg0: i32, %arg1: memref<8192x64xbf16, #tpu.memory_space<vmem>>, %arg2: memref<8192x4xf32, #tpu.memory_space<vmem>>, %arg3: memref<8192x1xf32, #tpu.memory_space<vmem>>, %arg4: memref<64x512xf32, #tpu.memory_space<vmem>>, %arg5: memref<64x64xf32, #tpu.memory_space<vmem>>, %arg6: memref<4x64xf32, #tpu.memory_space<vmem>>, %arg7: memref<1x64xf32, #tpu.memory_space<vmem>>, %arg8: memref<64x128xf32, #tpu.memory_space<vmem>>, %arg9: memref<1x128xf32, #tpu.memory_space<vmem>>, %arg10: memref<128x512xf32, #tpu.memory_space<vmem>>, %arg11: memref<1x512xf32, #tpu.memory_space<vmem>>, %arg12: memref<512x512xf32, #tpu.memory_space<vmem>>, %arg13: memref<512x512xf32, #tpu.memory_space<vmem>>, %arg14: memref<1x512xf32, #tpu.memory_space<vmem>>, %arg15: memref<64x256xf32, #tpu.memory_space<vmem>>, %arg16: memref<64x256xf32, #tpu.memory_space<vmem>>) attributes {dimension_semantics = [#tpu.dimension_semantics<arbitrary>], iteration_bounds = array<i64: 20>, scalar_prefetch = 0 : i64, scratch_operands = 0 : i64, tpu.core_type = #tpu.core_type<tc>, window_params = [{transform_indices = @transform_0, window_bounds = array<i64: 8192, 64>}, {transform_indices = @transform_1, window_bounds = array<i64: 8192, 4>}, {transform_indices = @transform_2, window_bounds = array<i64: 8192, 1>}, {transform_indices = @transform_3, window_bounds = array<i64: 64, 512>}, {pipeline_mode = #tpu.pipeline_mode<synchronous>, transform_indices = @transform_4, window_bounds = array<i64: 64, 64>}, {pipeline_mode = #tpu.pipeline_mode<synchronous>, transform_indices = @transform_5, window_bounds = array<i64: 4, 64>}, {pipeline_mode = #tpu.pipeline_mode<synchronous>, transform_indices = @transform_6, window_bounds = array<i64: 1, 64>}, {pipeline_mode = #tpu.pipeline_mode<synchronous>, transform_indices = @transform_7, window_bounds = array<i64: 64, 128>}, {pipeline_mode = #tpu.pipeline_mode<synchronous>, transform_indices = @transform_8, window_bounds = array<i64: 1, 128>}, {pipeline_mode = #tpu.pipeline_mode<synchronous>, transform_indices = @transform_9, window_bounds = array<i64: 128, 512>}, {pipeline_mode = #tpu.pipeline_mode<synchronous>, transform_indices = @transform_10, window_bounds = array<i64: 1, 512>}, {pipeline_mode = #tpu.pipeline_mode<synchronous>, transform_indices = @transform_11, window_bounds = array<i64: 512, 512>}, {pipeline_mode = #tpu.pipeline_mode<synchronous>, transform_indices = @transform_12, window_bounds = array<i64: 512, 512>}, {pipeline_mode = #tpu.pipeline_mode<synchronous>, transform_indices = @transform_13, window_bounds = array<i64: 1, 512>}, {transform_indices = @transform_14, window_bounds = array<i64: 64, 256>}, {transform_indices = @transform_15, window_bounds = array<i64: 64, 256>}]} {
    %get3A = arith.constant 0 : index
    %get3A_0 = arith.constant 0 : index
    %get3A_1 = vector.load %arg1[%get3A, %get3A_0] : memref<8192x64xbf16, #tpu.memory_space<vmem>>, vector<8192x64xbf16>
    %get3A_2 = arith.constant 0 : index
    %get3A_3 = arith.constant 0 : index
    %get3A_4 = vector.load %arg5[%get3A_2, %get3A_3] : memref<64x64xf32, #tpu.memory_space<vmem>>, vector<64x64xf32>
    %convert_element_type3A = arith.truncf %get3A_4 : vector<64x64xf32> to vector<64x64xbf16>
    %dot_general3A = arith.constant dense<0.000000e+00> : vector<8192x64xf32>
    %dot_general3A_5 = tpu.matmul %get3A_1, %convert_element_type3A, %dot_general3A {dimension_numbers = #tpu.dot_dimension_numbers<[1], [0], [0], [1], [0, 0, 1, 1], [], []>, transpose_lhs_hint = false} : vector<8192x64xbf16>, vector<64x64xbf16>, vector<8192x64xf32> -> vector<8192x64xf32>
    %get3A_6 = arith.constant 0 : index
    %get3A_7 = arith.constant 0 : index
    %get3A_8 = vector.load %arg2[%get3A_6, %get3A_7] : memref<8192x4xf32, #tpu.memory_space<vmem>>, vector<8192x4xf32>
    %convert_element_type3A_9 = arith.truncf %get3A_8 : vector<8192x4xf32> to vector<8192x4xbf16>
    %get3A_10 = arith.constant 0 : index
    %get3A_11 = arith.constant 0 : index
    %get3A_12 = vector.load %arg6[%get3A_10, %get3A_11] : memref<4x64xf32, #tpu.memory_space<vmem>>, vector<4x64xf32>
    %convert_element_type3A_13 = arith.truncf %get3A_12 : vector<4x64xf32> to vector<4x64xbf16>
    %dot_general3A_14 = arith.constant dense<0.000000e+00> : vector<8192x64xf32>
    %dot_general3A_15 = tpu.matmul %convert_element_type3A_9, %convert_element_type3A_13, %dot_general3A_14 {dimension_numbers = #tpu.dot_dimension_numbers<[1], [0], [0], [1], [0, 0, 1, 1], [], []>, transpose_lhs_hint = false} : vector<8192x4xbf16>, vector<4x64xbf16>, vector<8192x64xf32> -> vector<8192x64xf32>
    %add3A = arith.addf %dot_general3A_5, %dot_general3A_15 : vector<8192x64xf32>
    %get3A_16 = arith.constant 0 : index
    %get3A_17 = arith.constant 0 : index
    %get3A_18 = vector.load %arg7[%get3A_16, %get3A_17] : memref<1x64xf32, #tpu.memory_space<vmem>>, vector<1x64xf32>
    %add3A_19 = vector.broadcast %get3A_18 : vector<1x64xf32> to vector<8192x64xf32>
    %add3A_20 = arith.addf %add3A, %add3A_19 : vector<8192x64xf32>
    %gt3A = arith.constant 0.000000e+00 : f32
    %gt3A_21 = vector.broadcast %gt3A : f32 to vector<8192x64xf32>
    %gt3A_22 = arith.cmpf ogt, %add3A_20, %gt3A_21 : vector<8192x64xf32>
    %mul3A = arith.constant 2.000000e-01 : f32
    %mul3A_23 = vector.broadcast %mul3A : f32 to vector<8192x64xf32>
    %mul3A_24 = arith.mulf %mul3A_23, %add3A_20 : vector<8192x64xf32>
    %select_n3A = arith.select %gt3A_22, %add3A_20, %mul3A_24 : vector<8192x64xi1>, vector<8192x64xf32>
    %convert_element_type3A_25 = arith.truncf %select_n3A : vector<8192x64xf32> to vector<8192x64xbf16>
    %get3A_26 = arith.constant 0 : index
    %get3A_27 = arith.constant 0 : index
    %get3A_28 = vector.load %arg8[%get3A_26, %get3A_27] : memref<64x128xf32, #tpu.memory_space<vmem>>, vector<64x128xf32>
    %convert_element_type3A_29 = arith.truncf %get3A_28 : vector<64x128xf32> to vector<64x128xbf16>
    %dot_general3A_30 = arith.constant dense<0.000000e+00> : vector<8192x128xf32>
    %dot_general3A_31 = tpu.matmul %convert_element_type3A_25, %convert_element_type3A_29, %dot_general3A_30 {dimension_numbers = #tpu.dot_dimension_numbers<[1], [0], [0], [1], [0, 0, 1, 1], [], []>, transpose_lhs_hint = false} : vector<8192x64xbf16>, vector<64x128xbf16>, vector<8192x128xf32> -> vector<8192x128xf32>
    %get3A_32 = arith.constant 0 : index
    %get3A_33 = arith.constant 0 : index
    %get3A_34 = vector.load %arg9[%get3A_32, %get3A_33] : memref<1x128xf32, #tpu.memory_space<vmem>>, vector<1x128xf32>
    %add3A_35 = vector.broadcast %get3A_34 : vector<1x128xf32> to vector<8192x128xf32>
    %add3A_36 = arith.addf %dot_general3A_31, %add3A_35 : vector<8192x128xf32>
    %gt3A_37 = arith.constant 0.000000e+00 : f32
    %gt3A_38 = vector.broadcast %gt3A_37 : f32 to vector<8192x128xf32>
    %gt3A_39 = arith.cmpf ogt, %add3A_36, %gt3A_38 : vector<8192x128xf32>
    %mul3A_40 = arith.constant 2.000000e-01 : f32
    %mul3A_41 = vector.broadcast %mul3A_40 : f32 to vector<8192x128xf32>
    %mul3A_42 = arith.mulf %mul3A_41, %add3A_36 : vector<8192x128xf32>
    %select_n3A_43 = arith.select %gt3A_39, %add3A_36, %mul3A_42 : vector<8192x128xi1>, vector<8192x128xf32>
    %convert_element_type3A_44 = arith.truncf %select_n3A_43 : vector<8192x128xf32> to vector<8192x128xbf16>
    %get3A_45 = arith.constant 0 : index
    %get3A_46 = arith.constant 0 : index
    %get3A_47 = vector.load %arg10[%get3A_45, %get3A_46] : memref<128x512xf32, #tpu.memory_space<vmem>>, vector<128x512xf32>
    %convert_element_type3A_48 = arith.truncf %get3A_47 : vector<128x512xf32> to vector<128x512xbf16>
    %dot_general3A_49 = arith.constant dense<0.000000e+00> : vector<8192x512xf32>
    %dot_general3A_50 = tpu.matmul %convert_element_type3A_44, %convert_element_type3A_48, %dot_general3A_49 {dimension_numbers = #tpu.dot_dimension_numbers<[1], [0], [0], [1], [0, 0, 1, 1], [], []>, transpose_lhs_hint = false} : vector<8192x128xbf16>, vector<128x512xbf16>, vector<8192x512xf32> -> vector<8192x512xf32>
    %get3A_51 = arith.constant 0 : index
    %get3A_52 = arith.constant 0 : index
    %get3A_53 = vector.load %arg11[%get3A_51, %get3A_52] : memref<1x512xf32, #tpu.memory_space<vmem>>, vector<1x512xf32>
    %add3A_54 = vector.broadcast %get3A_53 : vector<1x512xf32> to vector<8192x512xf32>
    %add3A_55 = arith.addf %dot_general3A_50, %add3A_54 : vector<8192x512xf32>
    %get3A_56 = arith.constant 0 : index
    %get3A_57 = arith.constant 0 : index
    %get3A_58 = vector.load %arg3[%get3A_56, %get3A_57] : memref<8192x1xf32, #tpu.memory_space<vmem>>, vector<8192x1xf32>
    %gt3A_59 = arith.constant 0.000000e+00 : f32
    %gt3A_60 = vector.broadcast %gt3A_59 : f32 to vector<8192x1xf32>
    %gt3A_61 = arith.cmpf ogt, %get3A_58, %gt3A_60 : vector<8192x1xf32>
    %jit3A = arith.constant -1.000000e+30 : f32
    %broadcast_in_dim3A = vector.shape_cast %gt3A_61 : vector<8192x1xi1> to vector<8192x1xi1>
    %broadcast_in_dim3A_62 = vector.broadcast %broadcast_in_dim3A : vector<8192x1xi1> to vector<8192x512xi1>
    %broadcast_in_dim3A_63 = vector.broadcast %jit3A : f32 to vector<8192x512xf32>
    %select_n3A_64 = arith.select %broadcast_in_dim3A_62, %add3A_55, %broadcast_in_dim3A_63 : vector<8192x512xi1>, vector<8192x512xf32>
    %reshape3A = vector.shape_cast %select_n3A_64 : vector<8192x512xf32> to vector<64x128x512xf32>
    %reduce_max3A = arith.constant dense<0xFF800000> : vector<64x512xf32>
    %reduce_max3A_65 = vector.multi_reduction <maximumf>, %reshape3A, %reduce_max3A [1] : vector<64x128x512xf32> to vector<64x512xf32>
    %gt3A_66 = arith.constant 0.000000e+00 : f32
    %gt3A_67 = vector.broadcast %gt3A_66 : f32 to vector<64x512xf32>
    %gt3A_68 = arith.cmpf ogt, %reduce_max3A_65, %gt3A_67 : vector<64x512xf32>
    %mul3A_69 = arith.constant 2.000000e-01 : f32
    %mul3A_70 = vector.broadcast %mul3A_69 : f32 to vector<64x512xf32>
    %mul3A_71 = arith.mulf %mul3A_70, %reduce_max3A_65 : vector<64x512xf32>
    %select_n3A_72 = arith.select %gt3A_68, %reduce_max3A_65, %mul3A_71 : vector<64x512xi1>, vector<64x512xf32>
    %convert_element_type3A_73 = arith.truncf %select_n3A_72 : vector<64x512xf32> to vector<64x512xbf16>
    %get3A_74 = arith.constant 0 : index
    %get3A_75 = arith.constant 0 : index
    %get3A_76 = vector.load %arg12[%get3A_74, %get3A_75] : memref<512x512xf32, #tpu.memory_space<vmem>>, vector<512x512xf32>
    %convert_element_type3A_77 = arith.truncf %get3A_76 : vector<512x512xf32> to vector<512x512xbf16>
    %dot_general3A_78 = arith.constant dense<0.000000e+00> : vector<64x512xf32>
    %dot_general3A_79 = tpu.matmul %convert_element_type3A_73, %convert_element_type3A_77, %dot_general3A_78 {dimension_numbers = #tpu.dot_dimension_numbers<[1], [0], [0], [1], [0, 0, 1, 1], [], []>, transpose_lhs_hint = false} : vector<64x512xbf16>, vector<512x512xbf16>, vector<64x512xf32> -> vector<64x512xf32>
    %get3A_80 = arith.constant 0 : index
    %get3A_81 = arith.constant 0 : index
    %get3A_82 = vector.load %arg4[%get3A_80, %get3A_81] : memref<64x512xf32, #tpu.memory_space<vmem>>, vector<64x512xf32>
    %add3A_83 = arith.addf %dot_general3A_79, %get3A_82 : vector<64x512xf32>
    %gt3A_84 = arith.constant 0.000000e+00 : f32
    %gt3A_85 = vector.broadcast %gt3A_84 : f32 to vector<64x512xf32>
    %gt3A_86 = arith.cmpf ogt, %add3A_83, %gt3A_85 : vector<64x512xf32>
    %mul3A_87 = arith.constant 2.000000e-01 : f32
    %mul3A_88 = vector.broadcast %mul3A_87 : f32 to vector<64x512xf32>
    %mul3A_89 = arith.mulf %mul3A_88, %add3A_83 : vector<64x512xf32>
    %select_n3A_90 = arith.select %gt3A_86, %add3A_83, %mul3A_89 : vector<64x512xi1>, vector<64x512xf32>
    %convert_element_type3A_91 = arith.truncf %select_n3A_90 : vector<64x512xf32> to vector<64x512xbf16>
    %get3A_92 = arith.constant 0 : index
    %get3A_93 = arith.constant 0 : index
    %get3A_94 = vector.load %arg13[%get3A_92, %get3A_93] : memref<512x512xf32, #tpu.memory_space<vmem>>, vector<512x512xf32>
    %convert_element_type3A_95 = arith.truncf %get3A_94 : vector<512x512xf32> to vector<512x512xbf16>
    %dot_general3A_96 = arith.constant dense<0.000000e+00> : vector<64x512xf32>
    %dot_general3A_97 = tpu.matmul %convert_element_type3A_91, %convert_element_type3A_95, %dot_general3A_96 {dimension_numbers = #tpu.dot_dimension_numbers<[1], [0], [0], [1], [0, 0, 1, 1], [], []>, transpose_lhs_hint = false} : vector<64x512xbf16>, vector<512x512xbf16>, vector<64x512xf32> -> vector<64x512xf32>
    %get3A_98 = arith.constant 0 : index
    %get3A_99 = arith.constant 0 : index
    %get3A_100 = vector.load %arg14[%get3A_98, %get3A_99] : memref<1x512xf32, #tpu.memory_space<vmem>>, vector<1x512xf32>
    %add3A_101 = vector.broadcast %get3A_100 : vector<1x512xf32> to vector<64x512xf32>
    %add3A_102 = arith.addf %dot_general3A_97, %add3A_101 : vector<64x512xf32>
    %slice3A = vector.extract_strided_slice %add3A_102 {offsets = [0, 0], sizes = [64, 256], strides = [1, 1]} : vector<64x512xf32> to vector<64x256xf32>
    %swap3A = arith.constant 0 : index
    %swap3A_103 = arith.constant 0 : index
    %swap3A_104 = vector.load %arg15[%swap3A, %swap3A_103] : memref<64x256xf32, #tpu.memory_space<vmem>>, vector<64x256xf32>
    tpu.vector_store %arg15[%swap3A, %swap3A_103], %slice3A {strides = array<i32>} : memref<64x256xf32, #tpu.memory_space<vmem>>, vector<64x256xf32>,
    %slice3A_105 = vector.extract_strided_slice %add3A_102 {offsets = [0, 256], sizes = [64, 256], strides = [1, 1]} : vector<64x512xf32> to vector<64x256xf32>
    %mul3A_106 = arith.constant 5.000000e-01 : f32
    %mul3A_107 = vector.broadcast %mul3A_106 : f32 to vector<64x256xf32>
    %mul3A_108 = arith.mulf %mul3A_107, %slice3A_105 : vector<64x256xf32>
    %exp3A = math.exp %mul3A_108 : vector<64x256xf32>
    %swap3A_109 = arith.constant 0 : index
    %swap3A_110 = arith.constant 0 : index
    %swap3A_111 = vector.load %arg16[%swap3A_109, %swap3A_110] : memref<64x256xf32, #tpu.memory_space<vmem>>, vector<64x256xf32>
    tpu.vector_store %arg16[%swap3A_109, %swap3A_110], %exp3A {strides = array<i32>} : memref<64x256xf32, #tpu.memory_space<vmem>>, vector<64x256xf32>,
    return
  }
  func.func @transform_0(%arg0: i32) -> (i32, i32) {
    %c0_i32 = arith.constant 0 : i32
    %c0_i32_0 = arith.constant 0 : i32
    return %arg0, %c0_i32 : i32, i32
  }
  func.func @transform_1(%arg0: i32) -> (i32, i32) {
    %c0_i32 = arith.constant 0 : i32
    %c0_i32_0 = arith.constant 0 : i32
    return %arg0, %c0_i32 : i32, i32
  }
  func.func @transform_2(%arg0: i32) -> (i32, i32) {
    %c0_i32 = arith.constant 0 : i32
    %c0_i32_0 = arith.constant 0 : i32
    return %arg0, %c0_i32 : i32, i32
  }
  func.func @transform_3(%arg0: i32) -> (i32, i32) {
    %c0_i32 = arith.constant 0 : i32
    %c0_i32_0 = arith.constant 0 : i32
    return %arg0, %c0_i32 : i32, i32
  }
  func.func @transform_4(%arg0: i32) -> (i32, i32) {
    %c0_i32 = arith.constant 0 : i32
    %c0_i32_0 = arith.constant 0 : i32
    %c0_i32_1 = arith.constant 0 : i32
    return %c0_i32, %c0_i32_0 : i32, i32
  }
  func.func @transform_5(%arg0: i32) -> (i32, i32) {
    %c0_i32 = arith.constant 0 : i32
    %c0_i32_0 = arith.constant 0 : i32
    %c0_i32_1 = arith.constant 0 : i32
    return %c0_i32, %c0_i32_0 : i32, i32
  }
  func.func @transform_6(%arg0: i32) -> (i32, i32) {
    %c0_i32 = arith.constant 0 : i32
    %c0_i32_0 = arith.constant 0 : i32
    %c0_i32_1 = arith.constant 0 : i32
    return %c0_i32, %c0_i32_0 : i32, i32
  }
  func.func @transform_7(%arg0: i32) -> (i32, i32) {
    %c0_i32 = arith.constant 0 : i32
    %c0_i32_0 = arith.constant 0 : i32
    %c0_i32_1 = arith.constant 0 : i32
    return %c0_i32, %c0_i32_0 : i32, i32
  }
  func.func @transform_8(%arg0: i32) -> (i32, i32) {
    %c0_i32 = arith.constant 0 : i32
    %c0_i32_0 = arith.constant 0 : i32
    %c0_i32_1 = arith.constant 0 : i32
    return %c0_i32, %c0_i32_0 : i32, i32
  }
  func.func @transform_9(%arg0: i32) -> (i32, i32) {
    %c0_i32 = arith.constant 0 : i32
    %c0_i32_0 = arith.constant 0 : i32
    %c0_i32_1 = arith.constant 0 : i32
    return %c0_i32, %c0_i32_0 : i32, i32
  }
  func.func @transform_10(%arg0: i32) -> (i32, i32) {
    %c0_i32 = arith.constant 0 : i32
    %c0_i32_0 = arith.constant 0 : i32
    %c0_i32_1 = arith.constant 0 : i32
    return %c0_i32, %c0_i32_0 : i32, i32
  }
  func.func @transform_11(%arg0: i32) -> (i32, i32) {
    %c0_i32 = arith.constant 0 : i32
    %c0_i32_0 = arith.constant 0 : i32
    %c0_i32_1 = arith.constant 0 : i32
    return %c0_i32, %c0_i32_0 : i32, i32
  }
  func.func @transform_12(%arg0: i32) -> (i32, i32) {
    %c0_i32 = arith.constant 0 : i32
    %c0_i32_0 = arith.constant 0 : i32
    %c0_i32_1 = arith.constant 0 : i32
    return %c0_i32, %c0_i32_0 : i32, i32
  }
  func.func @transform_13(%arg0: i32) -> (i32, i32) {
    %c0_i32 = arith.constant 0 : i32
    %c0_i32_0 = arith.constant 0 : i32
    %c0_i32_1 = arith.constant 0 : i32
    return %c0_i32, %c0_i32_0 : i32, i32
  }
  func.func @transform_14(%arg0: i32) -> (i32, i32) {
    %c0_i32 = arith.constant 0 : i32
    %c0_i32_0 = arith.constant 0 : i32
    return %arg0, %c0_i32 : i32, i32
  }
  func.func @transform_15(%arg0: i32) -> (i32, i32) {
    %c0_i32 = arith.constant 0 : i32
    %c0_i32_0 = arith.constant 0 : i32
    return %arg0, %c0_i32 : i32, i32
  }
}

</mosaic_0001>

<sc_bundles>
// kernel: gather_offload_async_start.1
scs
__scs_entry_jumppad:
0x0: {  	(pc) =	sbr.rel $0x88, $3  }
0x1: {  	(tag) =	ssettag $0x0;
	lr =	simm.s32 $0x1  }
0x2: {  	[smem:$0x3F95] =	sst lr;
	_ =	strace $0xD0000000  }
0x3: {  	_ = 	snop  }
0x4: {  	_ = 	snop  }
0x5: {  	_ = 	snop  }
0x6: {  	_ = 	snop  }
0x7: {  	_ = 	snop  }
__scs_overlays_trampoline_lowered:
0x8: {  	[smem:$0x3FA4] =	sst s0  }
0x9: {  	[smem:$0x3FA5] =	sst s1  }
0xa: {  	[smem:$0x3FA6] =	sst s2  }
0xb: {  	[smem:$0x3FA7] =	sst s3  }
0xc: {  	[smem:$0x3FA8] =	sst s4  }
0xd: {  	[smem:$0x3FA9] =	sst s5  }
0xe: {  	[smem:$0x3FAA] =	sst s6  }
0xf: {  	[smem:$0x3FAB] =	sst s7  }
0x10: {  	[smem:$0x3FAC] =	sst s8  }
0x11: {  	[smem:$0x3FAD] =	sst s9;
	s0 =	simm.s32 @!p0 $0x0  }
0x12: {  	s1 =	sld [smem:$0x3F93];
	s0 =	simm.s32 @p0 $0x1  }
0x13: {  	[smem:$0x3FAE] =	sst s0;
	s0 =	simm.s32 @!p1 $0x0  }
0x14: {  	s2 =	sld [smem:$0x3F92];
	s0 =	simm.s32 @p1 $0x1  }
0x15: {  	[smem:$0x3FAF] =	sst s0;
	s0 =	simm.s32 @!p2 $0x0  }
0x16: {  	s3 =	sld [smem:$0x3FDB];
	s0 =	simm.s32 @p2 $0x1  }
0x17: {  	s4 =	simm.s32 $0x1BF5;
	[smem:$0x3FB1] =	sst s0  }
0x18: {  	s0 =	sld [smem:$0x3F94];
	_ =	swait.ge [sflag:s4], $0x0  }
0x19: {  	s7 =	sld [smem:$0x3F95]  }
0x1a: {  	s8 =	sadd.s32 $0xFFFFE003, lr  }
0x1b: {  	s9 =	sadd.s32 $0xFFFFFEF7, lr;
	s5 =	simm.s32 $0xFFFFFFFF;
	p2 =	slt.u32 s8, $0xFFFFF086  }
0x1c: {  	p1 =	slt.u32 s9, $0xF7A;
	s5 =	simm.s32 @!p2 $0x0  }
0x1d: {  	s5 =	simm.s32 @p1 $0x1;
	p0 =	seq.s32 s7, s2  }
0x1e: {  	s7 =	smul.u32 @!p0 $0xF7A, s2;
	p2 =	seq.s32 @!p0 s5, $0x0  }
0x1f: {  	s9 =	smul.u32 $0xF7A, s1;
	s8 =	simm.s32 @!p0 $0x1BF5;
	p2 =	por !p2, p0  }
0x20: {  	[sflag:s8] =	ssyncset.s32 @!p0 $0xFFFFF086;
	s6 =	sadd.s32 @!p0 s3, s7;
	s7 =	simm.s32 @!p0 $0x108  }
0x21: {  	s3 =	sadd.s32 s3, s9;
	s6 =	sadd.s32 @!p0 $0x88, s6;
	s7 =	simm.s32 @p2 $0x1082  }
0x22: {  	[simem:s7], [sflag:s8] =	dma.local @!p0 [hbm:s6], $0xF7A  }
0x23: {  	s9 =	sor.u32 $0xD0000000, s2;
	s6 =	simm.s32 $0x108;
	_ =	swait.ge @!p0 [sflag:s8], $0x0  }
0x24: {  	s3 =	sadd.s32 $0x88, s3;
	s6 =	simm.s32 @!p1 $0x1082;
	[sflag:s4] =	ssyncset.s32 $0xFFFFF086  }
0x25: {  	[simem:s6], [sflag:s4] =	dma.local [hbm:s3], $0xF7A  }
0x26: {  	[smem:$0x3F95] =	sst s1;
	(tag) =	ssettag s2;
	_ =	strace s9  }
0x27: {  	s1 =	sld [smem:$0x3FA5]  }
0x28: {  	s2 =	sld [smem:$0x3FA6]  }
0x29: {  	s4 =	sld [smem:$0x3FA8]  }
0x2a: {  	p0 =	seq.s32 s5, $0x0;
	s5 =	sld [smem:$0x3FA9]  }
0x2b: {  	s6 =	sld [smem:$0x3FAA]  }
0x2c: {  	s7 =	sld [smem:$0x3FAB]  }
0x2d: {  	s3 =	simm.s32 $0x108;
	s8 =	sld [smem:$0x3FAC]  }
0x2e: {  	s3 =	simm.s32 @!p0 $0x1082;
	s9 =	sld [smem:$0x3FAD]  }
0x2f: {  	lr =	sadd.s32 s0, s3;
	s0 =	sld [smem:$0x3FA4]  }
0x30: {  	s3 =	sld [smem:$0x3FA7]  }
0x31: {  	[smem:$0x3FB0] =	sst s10  }
0x32: {  	s10 =	sld [smem:$0x3FAE];
	_ =	sdelay $0x3  }
0x33: {  	p0 =	seq.s32 s10, $0x1;
	s10 =	sld [smem:$0x3FB0];
	_ =	sdelay $0x3  }
0x34: {  	[smem:$0x3FB0] =	sst s10  }
0x35: {  	s10 =	sld [smem:$0x3FAF];
	_ =	sdelay $0x3  }
0x36: {  	p1 =	seq.s32 s10, $0x1;
	s10 =	sld [smem:$0x3FB0];
	_ =	sdelay $0x3  }
0x37: {  	[smem:$0x3FB0] =	sst s10  }
0x38: {  	s10 =	sld [smem:$0x3FB1]  }
0x39: {  	_ = 	snop;
	(pc) =	sbr.ind lr, $3  }
0x3a: {  	_ = 	snop  }
0x3b: {  	_ = 	snop  }
0x3c: {  	p2 =	seq.s32 s10, $0x1;
	s10 =	sld [smem:$0x3FB0]  }
0x3d: {  	_ =	shalt  }
0x3e: {  	_ =	shalt  }
0x3f: {  	_ =	shalt  }
0x40: {  	_ =	shalt  }
0x41: {  	_ =	shalt  }
0x42: {  	_ =	shalt  }
0x43: {  	_ =	shalt  }
0x44: {  	_ =	shalt  }
0x45: {  	_ =	shalt  }
0x46: {  	_ =	shalt  }
0x47: {  	_ =	shalt  }
0x48: {  	_ =	shalt  }
0x49: {  	_ =	shalt  }
0x4a: {  	_ =	shalt  }
0x4b: {  	_ =	shalt  }
0x4c: {  	_ =	shalt  }
0x4d: {  	_ =	shalt  }
0x4e: {  	_ =	shalt  }
0x4f: {  	_ =	shalt  }
0x50: {  	_ =	shalt  }
0x51: {  	_ =	shalt  }
0x52: {  	_ =	shalt  }
0x53: {  	_ =	shalt  }
0x54: {  	_ =	shalt  }
0x55: {  	_ =	shalt  }
0x56: {  	_ =	shalt  }
0x57: {  	_ =	shalt  }
0x58: {  	_ =	shalt  }
0x59: {  	_ =	shalt  }
0x5a: {  	_ =	shalt  }
0x5b: {  	_ =	shalt  }
0x5c: {  	_ =	shalt  }
0x5d: {  	_ =	shalt  }
0x5e: {  	_ =	shalt  }
0x5f: {  	_ =	shalt  }
0x60: {  	_ =	shalt  }
0x61: {  	_ =	shalt  }
0x62: {  	_ =	shalt  }
0x63: {  	_ =	shalt  }
0x64: {  	_ =	shalt  }
0x65: {  	_ =	shalt  }
0x66: {  	_ =	shalt  }
0x67: {  	_ =	shalt  }
0x68: {  	_ =	shalt  }
0x69: {  	_ =	shalt  }
0x6a: {  	_ =	shalt  }
0x6b: {  	_ =	shalt  }
0x6c: {  	_ =	shalt  }
0x6d: {  	_ =	shalt  }
0x6e: {  	_ =	shalt  }
0x6f: {  	_ =	shalt  }
0x70: {  	_ =	shalt  }
0x71: {  	_ =	shalt  }
0x72: {  	_ =	shalt  }
0x73: {  	_ =	shalt  }
0x74: {  	_ =	shalt  }
0x75: {  	_ =	shalt  }
0x76: {  	_ =	shalt  }
0x77: {  	_ =	shalt  }
0x78: {  	_ =	shalt  }
0x79: {  	_ =	shalt  }
0x7a: {  	_ =	shalt  }
0x7b: {  	_ =	shalt  }
0x7c: {  	_ =	shalt  }
0x7d: {  	_ =	shalt  }
0x7e: {  	_ =	shalt  }
0x7f: {  	_ =	shalt  }
0x80: {  	_ =	shalt  }
0x81: {  	_ =	shalt  }
0x82: {  	_ =	shalt  }
0x83: {  	_ =	shalt  }
0x84: {  	_ =	shalt  }
0x85: {  	_ =	shalt  }
0x86: {  	_ =	shalt  }
0x87: {  	_ =	shalt  }
.Lfunc_end0:
.L_simem_size_0:
called_computation.1_lowered:
.L_overlay_start_0:
0x88: {  	s2 =	sld [smem:$0x3FD9]  }
0x89: {  	s3 =	sld [smem:$0x3FFE];
	_ =	sdelay $0x1  }
0x8a: {  	s1 =	srdreg.scid  }
0x8b: {  	s0 =	sand.u32 $0x1, s1  }
0x8c: {  	s16 =	sshll.u32 s0, $0xA;
	s2 =	sadd.s32 s3, s2  }
0x8d: {  	s2 =	sadd.s32 s2, s16  }
0x8e: {  	[smem:$0x3FBC] =	sst s2  }
0x8f: {  	_ = 	snop  }
0x90: {  	s2 =	sld [smem:$0x3FD0];
	_ =	sdelay $0x2  }
0x91: {  	s5 =	simm.s32 $0xB;
	s17 =	simm.s32 $0x10  }
0x92: {  	[smem:s17], [sflag:s5] =	dma.local [hbm:s2], $0x1  }
0x93: {  	_ =	swait.eq [sflag:s5], $0x1  }
0x94: {  	s18 =	sld [smem:$0x11];
	[sflag:s5] =	ssyncset.done $0x0  }
0x95: {  	s4 =	sld [smem:$0x12];
	[sflag:s5] =	ssyncadd.s32 $0xFFFFFFFF  }
0x96: {  	s19 =	sld [smem:$0x13];
	(tm) =	ssettm $0x1  }
0x97: {  	s20 =	sld [smem:$0x3FFB];
	_ =	sdelay $0x3  }
0x98: {  	_ =	strace s20  }
0x99: {  	s2 =	sld [smem:$0x3FFC];
	_ =	sdelay $0x3  }
0x9a: {  	_ =	strace s2  }
0x9b: {  	s2 =	sld [smem:$0x3FFD];
	_ =	sdelay $0x3  }
0x9c: {  	_ =	strace s2  }
0x9d: {  	_ =	strace $0x8FFFFFFF  }
0x9e: {  	s21 =	sld [smem:$0x3FDB];
	_ =	sdelay $0x1  }
0x9f: {  	s6 =	simm.s32 $_scs_section_size  }
0xa0: {  	s7 =	simm.s32 $_size__tile_overlayer_lowered;
	s8 =	simm.s32 $_tile_overlayer_lowered  }
0xa1: {  	s9 =	simm.s32 $0x1BFF;
	s22 =	sshll.u32 s8, $0x1;
	s6 =	sadd.s32 s6, s21  }
0xa2: {  	s23 =	simm.s32 $0x0;
	s7 =	sshll.u32 s7, $0x1;
	s8 =	sadd.s32 s22, s6  }
0xa3: {  	[timem:s23], [sflag:s9] =	dma.local [hbm:s8], s7  }
0xa4: {  	_ =	swait.ge [sflag:s9], s7  }
0xa5: {  	s7 =	ssub.s32 $0x0, s7;
	[sflag:s9] =	ssyncset.done $0x0  }
0xa6: {  	[sflag:s9] =	ssyncadd.s32 s7;
	_ =	sdelay $0x1  }
0xa7: {  	s24 =	simm.s32 $0x1B8B  }
0xa8: {  	_ =	swait.ge [sflag:s24], $0x1  }
0xa9: {  	[sflag:s24] =	ssyncset.done $0x0  }
0xaa: {  	[sflag:s24] =	ssyncadd.s32 $0xFFFFFFFF  }
0xab: {  	s7 =	sld [smem:$0x0]  }
0xac: {  	s8 =	sand.u32 $0xFFFFFFFE, s1  }
0xad: {  	p0 =	sne.s32 s1, s8  }
0xae: {  	s8 =	sshll.u32 @p0 s8, $0xE  }
0xaf: {  	s8 =	sadd.s32 @p0 $0x11B8D, s8;
	s9 =	sshll.u32 @p0 s7, $0x11  }
0xb0: {  	s8 =	sor.u32 @p0 s9, s8  }
0xb1: {  	[sflag:s8] =	ssyncadd.remote.s32 @p0 $0x1;
	_ =	sdelay $0x1  }
0xb2: {  	s8 =	simm.s32 @p0 $0x1B8D  }
0xb3: {  	_ =	swait.eq @p0 [sflag:s8], $0x1  }
0xb4: {  	[sflag:s8] =	ssyncadd.s32 @p0 $0xFFFFFFFF  }
0xb5: {  	s9 =	sshll.u32 @!p0 s1, $0xE  }
0xb6: {  	s9 =	sor.u32 @!p0 $0x4000, s9;
	s8 =	simm.s32 @!p0 $0x1B8D  }
0xb7: {  	s7 =	sshll.u32 @!p0 s7, $0x11;
	s9 =	sadd.s32 @!p0 $0x11B8D, s9;
	_ =	swait.eq @!p0 [sflag:s8], $0x1  }
0xb8: {  	s7 =	sor.u32 @!p0 s7, s9;
	[sflag:s8] =	ssyncadd.s32 @!p0 $0xFFFFFFFF  }
0xb9: {  	s25 =	simm.s32 $0x1B8E;
	[sflag:s7] =	ssyncadd.remote.s32 @!p0 $0x1  }
0xba: {  	s26 =	simm.s32 $execute0_lowered;
	[smem:$0x3FD2] =	sst s25  }
0xbb: {  	s7 =	sshll.u32 s26, $0x1;
	_ =	strace $0x80000049;
	[dreg:$0x1] =	wrdreg $0xFFFFFFFF  }
0xbc: {  	s28 =	simm.s32 $_size_execute0_lowered;
	s6 =	sadd.s32 s6, s7;
	[dreg:$0x0] =	wrdreg $0x0  }
0xbd: {  	s7 =	sshll.u32 s28, $0x1;
	[dreg:$0x2] =	wrdreg s6  }
0xbe: {  	[dreg:$0x3] =	wrdreg s7  }
0xbf: {  	[dreg:$0x4] =	wrdreg $0xC0  }
0xc0: {  	_ =	task [dreg:s23], $0x5FFFF  }
0xc1: {  	[dreg:$0x1] =	wrdreg $0xFFFFFFFF  }
0xc2: {  	[dreg:$0x0] =	wrdreg $0x60  }
0xc3: {  	[dreg:$0x2] =	wrdreg s4  }
0xc4: {  	[dreg:$0x3] =	wrdreg s19  }
0xc5: {  	[dreg:$0x4] =	wrdreg s18  }
0xc6: {  	[dreg:$0x5] =	wrdreg $0xA  }
0xc7: {  	_ =	task.clear_ibuf [dreg:s23], $0x6FFFF;
	_ =	strace $0x90000049  }
0xc8: {  	s29 =	simm.s32 $0xA;
	_ =	strace $0x8000004B  }
0xc9: {  	_ =	swait.ge [sflag:s29], $0x1  }
0xca: {  	[sflag:s29] =	ssyncadd.s32 $0xFFFFFFFF  }
0xcb: {  	_ =	strace $0x9000004B  }
0xcc: {  	_ =	sfence  }
0xcd: {  	s30 =	sld [smem:$0x0];
	_ =	sdelay $0x2  }
0xce: {  	s31 =	sshll.u32 s1, $0xD;
	s1 =	sshrl.u32 s1, $0x2  }
0xcf: {  	s4 =	sand.u32 $0x4000, s31;
	s1 =	sadd.s32 s1, s30  }
0xd0: {  	s0 =	sor.u32 s4, s0;
	s1 =	sshll.u32 s1, $0x11  }
0xd1: {  	s0 =	sor.u32 s1, s0  }
0xd2: {  	s0 =	sadd.s32 $0x8F2B, s0  }
0xd3: {  	[sflag:s0] =	ssyncadd.remote.s32 $0x1  }
0xd4: {  	_ =	sfence.sel $0xFFFF  }
0xd5: {  	[dreg:$0x0] =	wrdreg $0xFFFFFFFF;
	(pc) =	sbr.abs _section_cstart, $3  }
0xd6: {  	[dreg:$0x1] =	wrdreg $0xFFFFFFFF  }
0xd7: {  	_ =	task.clear_ibuf [dreg:s23], $0x2FFFF;
	_ =	strace $0x9FFFFFFF  }
0xd8: {  	(tm) =	ssettm $0x7FFFFFFF  }
0xd9: {  	_ =	shalt  }
tec
execute0_lowered:
.L_overlay_start_1:
0x0: {  	(tag) =	ssettag $0x1  }
0x1: {  	s1 =	srdreg.scid;
	s2 =	rddreg [dreg:$0x0]  }
0x2: {  	s0 =	stileid.u32;
	s3 =	rddreg [dreg:$0x1]  }
0x3: {  	s4 =	rddreg [dreg:$0x2];
	s6 =	simm.s32 $0x1;
	s1 =	sshll.u32 s1, $0x8  }
0x4: {  	s9 =	simm.s32 $0x1;
	s5 =	sshll.u32 s0, $0x9;
	s1 =	sand.u32 $0x100, s1  }
0x5: {  	s10 =	simm.s32 $0x3;
	s13 =	simm.s32 $0x0;
	s5 =	sor.u32 s5, s1  }
0x6: {  	s12 =	simm.s32 $0x0;
	s1 =	rddreg [dreg:$0x3];
	s8 =	ssub.s32 $0x2800, s5  }
.Ltmp0:
0x7: {  	_ =	strace $0x8000004A;
	s7 =	sand.u32 $0x1F00, s8;
	(pc) =	sbr.rel .LBB2_1-.Ltmp0, $4  }
0x8: {  	[sflag:s6] =	ssyncpa.u1 $0x0;
	s11 =	smov.u32 s5;
	p0 =	sne.s32 s7, $0x0  }
0x9: {  	s8 =	sshrl.u32 s8, $0xD;
	s7 =	simm.s32 $0x2;
	s9 =	simm.s32 @!p0 $0x0  }
0xa: {  	[sflag:s7] =	ssyncpa.u1 $0x0;
	p0 =	por $0x0, $0x0;
	s8 =	sadd.s32 s9, s8  }
0xb: {  	vm0 =	vmmov $0xffff;
	[sflag:s10] =	ssyncpa.u1 $0x0;
	s10 =	simm.s32 $0x0;
	s9 =	sadd.s32 $0x1, s8  }
.LBB2_4:
0xc: {  	v2 =	vnsel vm1, $0x0, v2  }
0xd: {  	vm1 =	vgt.s32 v0, $0x0;
	v2 =	vmin.u32 v2, $0x27FF  }
0xe: {  	v0 =	vnsel vm1, $0x0, v0  }
0xf: {  	v0 =	vmin.u32 v0, $0x27FF  }
0x10: {  	[tilespmem:s15], [sflag:$0x1] =	stream.indirect_vreg.gather [hbm4b:s2+s10], $0x1, v1, vm0, $0x4038;
	[tilespmem:$0x400] =	vst v63  }
0x11: {  	(ifvalue) =	ssetifvalue $0x7FFFFFFF  }
0x12: {  	[tilespmem:s16], [sflag:$0x1] =	stream.indirect_vreg.gather [hbm4b:s2+s10], $0x1, v2, vm0, $0x4038;
	[tilespmem:$0x400] =	vst v63  }
0x13: {  	s29 =	sadd.s32 $0x10, s16;
	(ifvalue) =	ssetifvalue $0x7FFFFFFF  }
0x14: {  	[tilespmem:s29], [sflag:$0x1] =	stream.indirect_vreg.gather [hbm4b:s2+s10], $0x1, v0, vm0, $0x4038;
	[tilespmem:$0x400] =	vst v63  }
0x15: {  	_ =	swait.ge [sflag:s6], $0x100  }
0x16: {  	s30 =	sshrl.u32 s13, $0x3;
	[sflag:s6] =	ssyncset.done $0x0  }
0x17: {  	s31 =	sand.u32 $0x7, s13;
	s15 =	sadd.s32 s4, s30;
	[sflag:s6] =	ssyncadd.s32 $0xFFFFFF00  }
0x18: {  	[hbm4b:s15+s31] =	stream.linear.scatter [tilespmem:s14], [sflag:$0x3], $0x100, $0x38;
	[tilespmem:$0x400] =	vst v63  }
.LBB2_5:
0x19: {  	s15 =	sadd.s32 $0x2000, s11  }
0x1a: {  	p2 =	sgt.s32 s15, $0x27FF  }
0x1b: {  	s15 =	smov.u32 @p2 s5;
	p2 =	sne.s32 s12, s9  }
.Ltmp1:
0x1c: {  	p1 =	slt.u32 s12, $0x2;
	(pc) =	sbr.rel @!p2 .LBB2_6-.Ltmp1, $4  }
0x1d: {  	s14 =	simm.s32 @!p1 $0x3  }
0x1e: {  	s16 =	sadd.s32 $0x1, s12;
	_ =	swait.ge @!p1 [sflag:s14], $0x100  }
0x1f: {  	s13 =	smov.u32 s11;
	p0 =	por !p0, !p0;
	[sflag:s14] =	ssyncset.done @!p1 $0x0  }
0x20: {  	s12 =	smov.u32 s16;
	s11 =	smov.u32 s15;
	[sflag:s14] =	ssyncadd.s32 @!p1 $0xFFFFFF00  }
.LBB2_1:
0x21: {  	p1 =	sge.u32 s12, s8  }
0x22: {  	s14 =	sxor.u32 @!p1 $0xFFFFFFFF, s12  }
0x23: {  	s31 =	sadd.s32 $0xFFFFFFFF, s12;
	s15 =	sshrl.u32 @!p1 s11, $0x3;
	s14 =	sshll.u32 @!p1 s14, $0x8  }
0x24: {  	s16 =	sand.u32 @!p1 $0x7, s11;
	s15 =	sadd.s32 @!p1 s3, s15;
	s14 =	sand.u32 @!p1 $0x100, s14  }
0x25: {  	[tilespmem:s14], [sflag:$0x2] =	stream.linear.gather @!p1 [hbm4b:s15+s16], $0x100, $0x38;
	[tilespmem:$0x400] =	vst v63  }
0x26: {  	p1 =	sge.u32 s31, s8  }
.Ltmp2:
0x27: {  	_ = 	snop;
	(pc) =	sbr.rel @p1 .LBB2_5-.Ltmp2, $1  }
0x28: {  	_ =	sdelay $0x3  }
0x29: {  	s14 =	simm.s32 $0x1  }
0x2a: {  	_ =	swait.ge [sflag:s7], $0x100;
	s14 =	simm.s32 @!p0 $0x0  }
0x2b: {  	[sflag:s7] =	ssyncset.done $0x0;
	s14 =	sshll.u32 s14, $0x8  }
0x2c: {  	[sflag:s7] =	ssyncadd.s32 $0xFFFFFF00;
	(ifvalue) =	ssetifvalue $0x7FFFFFFF;
	v0 =	vld.msk [tilespmem:s14+$0x0 ss:$0x1], $0xffff;
	_ =	sdelay $0x4  }
0x2d: {  	s15 =	sadd.s32 $0x10, s14;
	vm1 =	vgt.s32 v0, $0x0  }
0x2e: {  	v2 =	vld.msk [tilespmem:s15+$0x0 ss:$0x1], $0xffff;
	v1 =	vnsel vm1, $0x0, v0  }
0x2f: {  	v1 =	vmin.u32 v1, $0x27FF;
	_ =	sdelay $0x1  }
0x30: {  	s16 =	sshll.u32 s12, $0x8;
	s18 =	simm.s32 $0x20  }
0x31: {  	s16 =	sand.u32 $0x100, s16;
	s17 =	sadd.s32 $0x10, s15;
	s15 =	sor.u32 $0x200, s14  }
0x32: {  	s14 =	sor.u32 $0x200, s16;
	s16 =	sadd.s32 $0x10, s15;
	v0 =	vld.msk [tilespmem:s17+$0x0 ss:$0x1], $0xffff;
	vm1 =	vgt.s32 v2, $0x0;
	(ifvalue) =	ssetifvalue $0x7FFFFFFF  }
.LBB2_3:
0x33: {  	[tilespmem:s15], [sflag:$0x1] =	stream.indirect_vreg.gather [hbm4b:s2+s10], $0x1, v1, vm0, $0x4038;
	[tilespmem:$0x400] =	vst v63  }
0x34: {  	s18 =	sadd.s32 $0x10, s18  }
0x35: {  	v2 =	vnsel vm1, $0x0, v2;
	p1 =	slt.u32 s18, $0xF0  }
.Ltmp3:
0x36: {  	s15 =	smov.u32 s16;
	v1 =	vmin.u32 v2, $0x27FF;
	(pc) =	sbr.rel @p1 .LBB2_3-.Ltmp3, $3  }
0x37: {  	_ =	sdelay $0x1  }
0x38: {  	s17 =	sadd.s32 $0x10, s17  }
0x39: {  	vm1 =	vgt.s32 v0, $0x0;
	s16 =	sadd.s32 $0x10, s16;
	v2 =	vmov v0;
	(ifvalue) =	ssetifvalue $0x7FFFFFFF;
	v0 =	vld.msk [tilespmem:s17+$0x0 ss:$0x1], $0xffff  }
.Ltmp4:
0x3a: {  	_ = 	snop;
	(pc) =	sbr.rel .LBB2_4-.Ltmp4, $1  }
0x3b: {  	_ =	sdelay $0x3  }
.LBB2_6:
0x3c: {  	_ =	sfence.sel $0x180000  }
0x3d: {  	s2 =	simm.s32 $0x2;
	[bflag:$0x0] =	sbarrier.arrive $0xFFFF  }
0x3e: {  	s30 =	simm.s32 $0x3;
	[sflag:s2] =	ssyncpa.u1 $0x1  }
0x3f: {  	s31 =	simm.s32 $0x1;
	[sflag:s30] =	ssyncpa.u1 $0x1  }
0x40: {  	[sflag:s31] =	ssyncpa.u1 $0x1  }
0x41: {  	p0 =	sne.s32 s0, $0x0;
	_ =	strace $0x9000004A  }
0x42: {  	s0 =	sadd.s32 @!p0 $0x100000, s1;
	[bflag:$0x2] =	sbarrier.arrive $0xFFFF  }
0x43: {  	[sflag:s0] =	ssyncadd.tile.s32 @!p0 $0x1;
	_ =	shalt  }
.Lfunc_end2:
_tile_overlayer_lowered:
.L_overlay_start_2:
0x44: {  	(tag) =	ssettag $0x2  }
0x45: {  	s0 =	rddreg [dreg:$0x0];
	s2 =	stileid.u32  }
0x46: {  	s1 =	rddreg [dreg:$0x1];
	p0 =	sne.s32 s2, $0x0  }
0x47: {  	s3 =	rddreg [dreg:$0x2];
	[bflag:$0x3] =	sbarrier.arrive $0xFFFF;
	s2 =	simm.s32 @!p0 $0x1C01  }
0x48: {  	[timem:s3], [sflag:s2] =	dma.local @!p0 [hbm:s0], s1  }
0x49: {  	s0 =	simm.s32 @!p0 $0x1  }
0x4a: {  	_ =	swait.ge @!p0 [sflag:s0], s1  }
0x4b: {  	s1 =	ssub.s32 @!p0 $0x0, s1;
	[sflag:s0] =	ssyncset.done @!p0 $0x0  }
0x4c: {  	[sflag:s0] =	ssyncadd.s32 @!p0 s1  }
0x4d: {  	[bflag:$0x3] =	sbarrier.arrive $0xFFFF  }
0x4e: {  	_ =	shalt  }

// kernel: gather_offload_async_start
scs
__scs_entry_jumppad:
0x0: {  	(pc) =	sbr.rel $0x88, $3  }
0x1: {  	(tag) =	ssettag $0x0;
	lr =	simm.s32 $0x1  }
0x2: {  	[smem:$0x3F95] =	sst lr;
	_ =	strace $0xD0000000  }
0x3: {  	_ = 	snop  }
0x4: {  	_ = 	snop  }
0x5: {  	_ = 	snop  }
0x6: {  	_ = 	snop  }
0x7: {  	_ = 	snop  }
__scs_overlays_trampoline_lowered:
0x8: {  	[smem:$0x3FA4] =	sst s0  }
0x9: {  	[smem:$0x3FA5] =	sst s1  }
0xa: {  	[smem:$0x3FA6] =	sst s2  }
0xb: {  	[smem:$0x3FA7] =	sst s3  }
0xc: {  	[smem:$0x3FA8] =	sst s4  }
0xd: {  	[smem:$0x3FA9] =	sst s5  }
0xe: {  	[smem:$0x3FAA] =	sst s6  }
0xf: {  	[smem:$0x3FAB] =	sst s7  }
0x10: {  	[smem:$0x3FAC] =	sst s8  }
0x11: {  	[smem:$0x3FAD] =	sst s9;
	s0 =	simm.s32 @!p0 $0x0  }
0x12: {  	s1 =	sld [smem:$0x3F93];
	s0 =	simm.s32 @p0 $0x1  }
0x13: {  	[smem:$0x3FAE] =	sst s0;
	s0 =	simm.s32 @!p1 $0x0  }
0x14: {  	s2 =	sld [smem:$0x3F92];
	s0 =	simm.s32 @p1 $0x1  }
0x15: {  	[smem:$0x3FAF] =	sst s0;
	s0 =	simm.s32 @!p2 $0x0  }
0x16: {  	s3 =	sld [smem:$0x3FDB];
	s0 =	simm.s32 @p2 $0x1  }
0x17: {  	s4 =	simm.s32 $0x1BF5;
	[smem:$0x3FB1] =	sst s0  }
0x18: {  	s0 =	sld [smem:$0x3F94];
	_ =	swait.ge [sflag:s4], $0x0  }
0x19: {  	s7 =	sld [smem:$0x3F95]  }
0x1a: {  	s8 =	sadd.s32 $0xFFFFE003, lr  }
0x1b: {  	s9 =	sadd.s32 $0xFFFFFEF7, lr;
	s5 =	simm.s32 $0xFFFFFFFF;
	p2 =	slt.u32 s8, $0xFFFFF086  }
0x1c: {  	p1 =	slt.u32 s9, $0xF7A;
	s5 =	simm.s32 @!p2 $0x0  }
0x1d: {  	s5 =	simm.s32 @p1 $0x1;
	p0 =	seq.s32 s7, s2  }
0x1e: {  	s7 =	smul.u32 @!p0 $0xF7A, s2;
	p2 =	seq.s32 @!p0 s5, $0x0  }
0x1f: {  	s9 =	smul.u32 $0xF7A, s1;
	s8 =	simm.s32 @!p0 $0x1BF5;
	p2 =	por !p2, p0  }
0x20: {  	[sflag:s8] =	ssyncset.s32 @!p0 $0xFFFFF086;
	s6 =	sadd.s32 @!p0 s3, s7;
	s7 =	simm.s32 @!p0 $0x108  }
0x21: {  	s3 =	sadd.s32 s3, s9;
	s6 =	sadd.s32 @!p0 $0x88, s6;
	s7 =	simm.s32 @p2 $0x1082  }
0x22: {  	[simem:s7], [sflag:s8] =	dma.local @!p0 [hbm:s6], $0xF7A  }
0x23: {  	s9 =	sor.u32 $0xD0000000, s2;
	s6 =	simm.s32 $0x108;
	_ =	swait.ge @!p0 [sflag:s8], $0x0  }
0x24: {  	s3 =	sadd.s32 $0x88, s3;
	s6 =	simm.s32 @!p1 $0x1082;
	[sflag:s4] =	ssyncset.s32 $0xFFFFF086  }
0x25: {  	[simem:s6], [sflag:s4] =	dma.local [hbm:s3], $0xF7A  }
0x26: {  	[smem:$0x3F95] =	sst s1;
	(tag) =	ssettag s2;
	_ =	strace s9  }
0x27: {  	s1 =	sld [smem:$0x3FA5]  }
0x28: {  	s2 =	sld [smem:$0x3FA6]  }
0x29: {  	s4 =	sld [smem:$0x3FA8]  }
0x2a: {  	p0 =	seq.s32 s5, $0x0;
	s5 =	sld [smem:$0x3FA9]  }
0x2b: {  	s6 =	sld [smem:$0x3FAA]  }
0x2c: {  	s7 =	sld [smem:$0x3FAB]  }
0x2d: {  	s3 =	simm.s32 $0x108;
	s8 =	sld [smem:$0x3FAC]  }
0x2e: {  	s3 =	simm.s32 @!p0 $0x1082;
	s9 =	sld [smem:$0x3FAD]  }
0x2f: {  	lr =	sadd.s32 s0, s3;
	s0 =	sld [smem:$0x3FA4]  }
0x30: {  	s3 =	sld [smem:$0x3FA7]  }
0x31: {  	[smem:$0x3FB0] =	sst s10  }
0x32: {  	s10 =	sld [smem:$0x3FAE];
	_ =	sdelay $0x3  }
0x33: {  	p0 =	seq.s32 s10, $0x1;
	s10 =	sld [smem:$0x3FB0];
	_ =	sdelay $0x3  }
0x34: {  	[smem:$0x3FB0] =	sst s10  }
0x35: {  	s10 =	sld [smem:$0x3FAF];
	_ =	sdelay $0x3  }
0x36: {  	p1 =	seq.s32 s10, $0x1;
	s10 =	sld [smem:$0x3FB0];
	_ =	sdelay $0x3  }
0x37: {  	[smem:$0x3FB0] =	sst s10  }
0x38: {  	s10 =	sld [smem:$0x3FB1]  }
0x39: {  	_ = 	snop;
	(pc) =	sbr.ind lr, $3  }
0x3a: {  	_ = 	snop  }
0x3b: {  	_ = 	snop  }
0x3c: {  	p2 =	seq.s32 s10, $0x1;
	s10 =	sld [smem:$0x3FB0]  }
0x3d: {  	_ =	shalt  }
0x3e: {  	_ =	shalt  }
0x3f: {  	_ =	shalt  }
0x40: {  	_ =	shalt  }
0x41: {  	_ =	shalt  }
0x42: {  	_ =	shalt  }
0x43: {  	_ =	shalt  }
0x44: {  	_ =	shalt  }
0x45: {  	_ =	shalt  }
0x46: {  	_ =	shalt  }
0x47: {  	_ =	shalt  }
0x48: {  	_ =	shalt  }
0x49: {  	_ =	shalt  }
0x4a: {  	_ =	shalt  }
0x4b: {  	_ =	shalt  }
0x4c: {  	_ =	shalt  }
0x4d: {  	_ =	shalt  }
0x4e: {  	_ =	shalt  }
0x4f: {  	_ =	shalt  }
0x50: {  	_ =	shalt  }
0x51: {  	_ =	shalt  }
0x52: {  	_ =	shalt  }
0x53: {  	_ =	shalt  }
0x54: {  	_ =	shalt  }
0x55: {  	_ =	shalt  }
0x56: {  	_ =	shalt  }
0x57: {  	_ =	shalt  }
0x58: {  	_ =	shalt  }
0x59: {  	_ =	shalt  }
0x5a: {  	_ =	shalt  }
0x5b: {  	_ =	shalt  }
0x5c: {  	_ =	shalt  }
0x5d: {  	_ =	shalt  }
0x5e: {  	_ =	shalt  }
0x5f: {  	_ =	shalt  }
0x60: {  	_ =	shalt  }
0x61: {  	_ =	shalt  }
0x62: {  	_ =	shalt  }
0x63: {  	_ =	shalt  }
0x64: {  	_ =	shalt  }
0x65: {  	_ =	shalt  }
0x66: {  	_ =	shalt  }
0x67: {  	_ =	shalt  }
0x68: {  	_ =	shalt  }
0x69: {  	_ =	shalt  }
0x6a: {  	_ =	shalt  }
0x6b: {  	_ =	shalt  }
0x6c: {  	_ =	shalt  }
0x6d: {  	_ =	shalt  }
0x6e: {  	_ =	shalt  }
0x6f: {  	_ =	shalt  }
0x70: {  	_ =	shalt  }
0x71: {  	_ =	shalt  }
0x72: {  	_ =	shalt  }
0x73: {  	_ =	shalt  }
0x74: {  	_ =	shalt  }
0x75: {  	_ =	shalt  }
0x76: {  	_ =	shalt  }
0x77: {  	_ =	shalt  }
0x78: {  	_ =	shalt  }
0x79: {  	_ =	shalt  }
0x7a: {  	_ =	shalt  }
0x7b: {  	_ =	shalt  }
0x7c: {  	_ =	shalt  }
0x7d: {  	_ =	shalt  }
0x7e: {  	_ =	shalt  }
0x7f: {  	_ =	shalt  }
0x80: {  	_ =	shalt  }
0x81: {  	_ =	shalt  }
0x82: {  	_ =	shalt  }
0x83: {  	_ =	shalt  }
0x84: {  	_ =	shalt  }
0x85: {  	_ =	shalt  }
0x86: {  	_ =	shalt  }
0x87: {  	_ =	shalt  }
.Lfunc_end0:
.L_simem_size_0:
called_computation_lowered:
.L_overlay_start_0:
0x88: {  	s2 =	sld [smem:$0x3FD9]  }
0x89: {  	s3 =	sld [smem:$0x3FFE];
	_ =	sdelay $0x1  }
0x8a: {  	s1 =	srdreg.scid  }
0x8b: {  	s0 =	sand.u32 $0x1, s1  }
0x8c: {  	s14 =	sshll.u32 s0, $0xA;
	s2 =	sadd.s32 s3, s2  }
0x8d: {  	s2 =	sadd.s32 s2, s14  }
0x8e: {  	[smem:$0x3FBC] =	sst s2  }
0x8f: {  	_ = 	snop  }
0x90: {  	s2 =	sld [smem:$0x3FD0];
	_ =	sdelay $0x2  }
0x91: {  	s15 =	simm.s32 $0xB;
	s4 =	simm.s32 $0x10  }
0x92: {  	[smem:s4], [sflag:s15] =	dma.local [hbm:s2], $0x1  }
0x93: {  	_ =	swait.eq [sflag:s15], $0x1  }
0x94: {  	[sflag:s15] =	ssyncset.done $0x0  }
0x95: {  	[sflag:s15] =	ssyncadd.s32 $0xFFFFFFFF  }
0x96: {  	s16 =	sld [smem:$0x13];
	(tm) =	ssettm $0x1  }
0x97: {  	s17 =	sld [smem:$0x3FFB];
	_ =	sdelay $0x3  }
0x98: {  	_ =	strace s17  }
0x99: {  	s3 =	sld [smem:$0x3FFC];
	_ =	sdelay $0x3  }
0x9a: {  	_ =	strace s3  }
0x9b: {  	s3 =	sld [smem:$0x3FFD];
	_ =	sdelay $0x3  }
0x9c: {  	_ =	strace s3  }
0x9d: {  	_ =	strace $0x8FFFFFFF  }
0x9e: {  	s18 =	sld [smem:$0x3FDB];
	_ =	sdelay $0x1  }
0x9f: {  	s19 =	simm.s32 $_scs_section_size  }
0xa0: {  	s5 =	simm.s32 $_size__tile_overlayer_lowered;
	s6 =	simm.s32 $_tile_overlayer_lowered  }
0xa1: {  	s22 =	simm.s32 $0x1BFF;
	s21 =	sshll.u32 s6, $0x1;
	s3 =	sadd.s32 s19, s18  }
0xa2: {  	s7 =	simm.s32 $0x0;
	s20 =	sshll.u32 s5, $0x1;
	s5 =	sadd.s32 s21, s3  }
0xa3: {  	[timem:s7], [sflag:s22] =	dma.local [hbm:s5], s20  }
0xa4: {  	_ =	swait.ge [sflag:s22], s20  }
0xa5: {  	s4 =	ssub.s32 $0x0, s20;
	[sflag:s22] =	ssyncset.done $0x0  }
0xa6: {  	[sflag:s22] =	ssyncadd.s32 s4;
	_ =	sdelay $0x1  }
0xa7: {  	s23 =	simm.s32 $0x1B8B  }
0xa8: {  	_ =	swait.ge [sflag:s23], $0x1  }
0xa9: {  	[sflag:s23] =	ssyncset.done $0x0  }
0xaa: {  	s25 =	simm.s32 $0x1B8E;
	s24 =	sld [smem:$0x3FFE];
	[sflag:s23] =	ssyncadd.s32 $0xFFFFFFFF  }
0xab: {  	s26 =	simm.s32 $execute0_lowered;
	[smem:$0x3FD2] =	sst s25  }
0xac: {  	s5 =	sshll.u32 s26, $0x1;
	_ =	strace $0x80000046;
	[dreg:$0x1] =	wrdreg $0xFFFFFFFF  }
0xad: {  	s28 =	simm.s32 $_size_execute0_lowered;
	s3 =	sadd.s32 s3, s5;
	[dreg:$0x0] =	wrdreg $0x0  }
0xae: {  	s5 =	sshll.u32 s28, $0x1;
	[dreg:$0x2] =	wrdreg s3  }
0xaf: {  	[dreg:$0x3] =	wrdreg s5  }
0xb0: {  	[dreg:$0x4] =	wrdreg $0xC0  }
0xb1: {  	_ =	task [dreg:s7], $0x5FFFF  }
0xb2: {  	[dreg:$0x1] =	wrdreg $0xFFFFFFFF  }
0xb3: {  	[dreg:$0x0] =	wrdreg $0x60  }
0xb4: {  	[dreg:$0x2] =	wrdreg s24  }
0xb5: {  	[dreg:$0x3] =	wrdreg s16  }
0xb6: {  	[dreg:$0x4] =	wrdreg $0x9  }
0xb7: {  	_ =	task.clear_ibuf [dreg:s7], $0x5FFFF;
	_ =	strace $0x90000046  }
0xb8: {  	s29 =	simm.s32 $0x9;
	_ =	strace $0x80000048  }
0xb9: {  	_ =	swait.ge [sflag:s29], $0x1  }
0xba: {  	[sflag:s29] =	ssyncadd.s32 $0xFFFFFFFF  }
0xbb: {  	_ =	strace $0x90000048  }
0xbc: {  	_ =	sfence  }
0xbd: {  	s30 =	sld [smem:$0x0];
	_ =	sdelay $0x2  }
0xbe: {  	s31 =	sshll.u32 s1, $0xD;
	s1 =	sshrl.u32 s1, $0x2  }
0xbf: {  	s3 =	sand.u32 $0x4000, s31;
	s1 =	sadd.s32 s1, s30  }
0xc0: {  	s0 =	sor.u32 s3, s0;
	s1 =	sshll.u32 s1, $0x11  }
0xc1: {  	s0 =	sor.u32 s1, s0  }
0xc2: {  	s0 =	sadd.s32 $0x8F2B, s0  }
0xc3: {  	[sflag:s0] =	ssyncadd.remote.s32 $0x1  }
0xc4: {  	_ =	sfence.sel $0xFFFF  }
0xc5: {  	[dreg:$0x0] =	wrdreg $0xFFFFFFFF;
	(pc) =	sbr.abs _section_cstart, $3  }
0xc6: {  	[dreg:$0x1] =	wrdreg $0xFFFFFFFF  }
0xc7: {  	_ =	task.clear_ibuf [dreg:s7], $0x2FFFF;
	_ =	strace $0x9FFFFFFF  }
0xc8: {  	(tm) =	ssettm $0x7FFFFFFF  }
0xc9: {  	_ =	shalt  }
tec
execute0_lowered:
.L_overlay_start_1:
0x0: {  	(tag) =	ssettag $0x1  }
0x1: {  	s0 =	srdreg.scid  }
0x2: {  	s1 =	sshll.u32 s0, $0x4  }
0x3: {  	s0 =	stileid.u32;
	s1 =	sand.u32 $0x10, s1  }
0x4: {  	s9 =	rddreg [dreg:$0x0];
	s1 =	sor.u32 s0, s1  }
0x5: {  	s3 =	rddreg [dreg:$0x1];
	s2 =	smin.u32 s1, $0x8  }
0x6: {  	p0 =	slt.u32 s1, $0x8;
	s2 =	sadd.s32 s1, s2;
	s1 =	simm.s32 $0x200  }
0x7: {  	s6 =	simm.s32 $0x1;
	s2 =	sshll.u32 s2, $0x8;
	s1 =	simm.s32 @!p0 $0x100  }
0x8: {  	s7 =	simm.s32 $0x2;
	s10 =	simm.s32 $0x3;
	s4 =	sadd.s32 s1, s2  }
0x9: {  	s13 =	simm.s32 $0x0;
	s12 =	simm.s32 $0x0;
	s4 =	smin.u32 s4, $0x2800  }
.Ltmp0:
0xa: {  	s5 =	sadd.s32 $0xA00, s9;
	s8 =	ssub.s32 s4, s2;
	(pc) =	sbr.rel .LBB2_1-.Ltmp0, $4  }
0xb: {  	s1 =	rddreg [dreg:$0x2];
	_ =	strace $0x80000047;
	p0 =	sgt.s32 s8, $0x0  }
0xc: {  	s9 =	sadd.s32 $0x28A00, s9;
	[sflag:s6] =	ssyncpa.u1 $0x0;
	s8 =	simm.s32 @!p0 $0x0  }
0xd: {  	s11 =	smov.u32 s2;
	[sflag:s7] =	ssyncpa.u1 $0x0;
	s8 =	sshrl.u32 s8, $0x8  }
0xe: {  	vm0 =	vmmov $0xff;
	vm1 =	vcmask $0x3F20;
	[sflag:s10] =	ssyncpa.u1 $0x0;
	p0 =	por $0x0, $0x0;
	s10 =	sadd.s32 $0x1, s8  }
.LBB2_6:
0xf: {  	[hbm:s17] =	stream.linear.scatter [tilespmem:s14], [sflag:$0x3], $0x400, $0x38;
	[tilespmem:$0x10200] =	vst v63  }
.LBB2_7:
0x10: {  	s13 =	sadd.s32 $0x100, s11  }
0x11: {  	s15 =	smov.u32 s2;
	p2 =	slt.s32 s13, s4  }
0x12: {  	s15 =	smov.u32 @p2 s13;
	p2 =	sne.s32 s12, s10  }
.Ltmp1:
0x13: {  	p1 =	slt.u32 s12, $0x2;
	(pc) =	sbr.rel @!p2 .LBB2_8-.Ltmp1, $4  }
0x14: {  	s14 =	simm.s32 @!p1 $0x3  }
0x15: {  	s16 =	sadd.s32 $0x1, s12;
	_ =	swait.ge @!p1 [sflag:s14], $0x8000  }
0x16: {  	p0 =	por !p0, !p0;
	s13 =	smov.u32 s11;
	[sflag:s14] =	ssyncset.done @!p1 $0x0  }
0x17: {  	s12 =	smov.u32 s16;
	s11 =	smov.u32 s15;
	[sflag:s14] =	ssyncadd.s32 @!p1 $0xFFFF8000  }
.LBB2_1:
0x18: {  	p1 =	sge.u32 s12, s8  }
0x19: {  	s14 =	sxor.u32 @!p1 $0xFFFFFFFF, s12  }
0x1a: {  	s31 =	sadd.s32 $0xFFFFFFFF, s12;
	s15 =	sshrl.u32 @!p1 s11, $0x3;
	s14 =	sshll.u32 @!p1 s14, $0x8  }
0x1b: {  	s16 =	sand.u32 @!p1 $0x7, s11;
	s15 =	sadd.s32 @!p1 s3, s15;
	s14 =	sand.u32 @!p1 $0x100, s14  }
0x1c: {  	[tilespmem:s14], [sflag:$0x2] =	stream.linear.gather @!p1 [hbm4b:s15+s16], $0x100, $0x38;
	[tilespmem:$0x10200] =	vst v63  }
0x1d: {  	p1 =	sge.u32 s31, s8  }
.Ltmp2:
0x1e: {  	_ = 	snop;
	(pc) =	sbr.rel @p1 .LBB2_7-.Ltmp2, $1  }
0x1f: {  	_ =	sdelay $0x3  }
0x20: {  	s14 =	simm.s32 $0x1  }
0x21: {  	_ =	swait.ge [sflag:s7], $0x100;
	s14 =	simm.s32 @!p0 $0x0  }
0x22: {  	[sflag:s7] =	ssyncset.done $0x0;
	s16 =	sshll.u32 s14, $0x8  }
0x23: {  	[sflag:s7] =	ssyncadd.s32 $0xFFFFFF00;
	s15 =	sadd.s32 $0x0, s16  }
0x24: {  	v0 =	vld.msk [tilespmem:s15+$0x0 ss:$0x1], $0xffff;
	_ =	sdelay $0x4  }
0x25: {  	vm2 =	vgt.s32 v0, $0x0  }
0x26: {  	v0 =	vnsel vm2, $0x0, v0  }
0x27: {  	v0 =	vmin.u32 v0, $0x27FF  }
0x28: {  	v0 =	vshll.u32 v0, $0x4;
	_ =	sdelay $0x2  }
0x29: {  	s14 =	sshll.u32 s14, $0xF  }
0x2a: {  	s14 =	sor.u32 $0x200, s14  }
0x2b: {  	[tilespmem:s14], [sflag:$0x1] =	stream.indirect_vreg.gather [hbm:s5], $0x80, v0, vm0, $0x38;
	[tilespmem:$0x10200] =	vst v63  }
0x2c: {  	s17 =	sadd.s32 $0x10, s16;
	s15 =	sadd.s32 $0x400, s14  }
0x2d: {  	[tilespmem:s15], [sflag:$0x1] =	stream.indirect_vreg.gather [hbm:s5], $0x80, v0, vm1, $0x38;
	[tilespmem:$0x10200] =	vst v63  }
0x2e: {  	s18 =	simm.s32 $0x80;
	v0 =	vld.msk [tilespmem:s17+$0x0 ss:$0x1], $0xffff;
	s17 =	smov.u32 s14  }
.LBB2_3:
0x2f: {  	p1 =	sne.s32 s18, $0x3C0;
	_ =	sdelay $0x4  }
0x30: {  	vm2 =	vgt.s32 v0, $0x0  }
0x31: {  	v0 =	vnsel vm2, $0x0, v0  }
0x32: {  	v0 =	vmin.u32 v0, $0x27FF  }
0x33: {  	v0 =	vshll.u32 v0, $0x4;
	_ =	sdelay $0x3  }
.Ltmp3:
0x34: {  	s19 =	sshra.s32 s18, $0x2;
	s17 =	sadd.s32 $0x800, s17;
	(pc) =	sbr.rel @p1 .LBB2_3-.Ltmp3, $4  }
0x35: {  	[tilespmem:s17], [sflag:$0x1] =	stream.indirect_vreg.gather [hbm:s5], $0x80, v0, vm0, $0x38;
	[tilespmem:$0x10200] =	vst v63  }
0x36: {  	s19 =	sadd.s32 s19, s16;
	s20 =	sadd.s32 $0x400, s17  }
0x37: {  	[tilespmem:s20], [sflag:$0x1] =	stream.indirect_vreg.gather [hbm:s5], $0x80, v0, vm1, $0x38;
	[tilespmem:$0x10200] =	vst v63  }
0x38: {  	s18 =	sadd.s32 $0x40, s18;
	v0 =	vld.msk [tilespmem:s19+$0x0 ss:$0x1], $0xffff  }
0x39: {  	_ =	sdelay $0x3  }
0x3a: {  	vm2 =	vgt.s32 v0, $0x0  }
0x3b: {  	v0 =	vnsel vm2, $0x0, v0  }
0x3c: {  	v0 =	vmin.u32 v0, $0x27FF  }
0x3d: {  	v0 =	vshll.u32 v0, $0x4;
	_ =	sdelay $0x3  }
0x3e: {  	s16 =	sadd.s32 $0x800, s17  }
0x3f: {  	[tilespmem:s16], [sflag:$0x1] =	stream.indirect_vreg.gather [hbm:s5], $0x80, v0, vm0, $0x38;
	[tilespmem:$0x10200] =	vst v63  }
0x40: {  	s16 =	sadd.s32 $0x400, s16  }
0x41: {  	[tilespmem:s16], [sflag:$0x1] =	stream.indirect_vreg.gather [hbm:s5], $0x80, v0, vm1, $0x38;
	[tilespmem:$0x10200] =	vst v63  }
0x42: {  	s13 =	sshll.u32 s13, $0x4;
	_ =	swait.ge [sflag:s6], $0x8000  }
0x43: {  	s13 =	sadd.s32 s13, s9;
	[sflag:s6] =	ssyncset.done $0x0  }
0x44: {  	s17 =	sadd.s32 $0x0, s13;
	s16 =	simm.s32 $0x80;
	[sflag:s6] =	ssyncadd.s32 $0xFFFF8000  }
.LBB2_5:
0x45: {  	[hbm:s17] =	stream.linear.scatter [tilespmem:s14], [sflag:$0x3], $0x400, $0x38;
	[tilespmem:$0x10200] =	vst v63  }
0x46: {  	s17 =	smov.u32 s16;
	s14 =	smov.u32 s15;
	p1 =	sne.s32 s16, $0xF80  }
.Ltmp4:
0x47: {  	s16 =	sadd.s32 $0x80, s16;
	(pc) =	sbr.rel @p1 .LBB2_5-.Ltmp4, $2  }
0x48: {  	_ =	sdelay $0x2  }
0x49: {  	s15 =	sadd.s32 $0x400, s15;
	s17 =	sadd.s32 s17, s13  }
.Ltmp5:
0x4a: {  	_ = 	snop;
	(pc) =	sbr.rel .LBB2_6-.Ltmp5, $1  }
0x4b: {  	_ =	sdelay $0x3  }
.LBB2_8:
0x4c: {  	_ =	sfence.sel $0x180000  }
0x4d: {  	s2 =	simm.s32 $0x2;
	[bflag:$0x0] =	sbarrier.arrive $0xFFFF  }
0x4e: {  	s30 =	simm.s32 $0x3;
	[sflag:s2] =	ssyncpa.u1 $0x1  }
0x4f: {  	s31 =	simm.s32 $0x1;
	[sflag:s30] =	ssyncpa.u1 $0x1  }
0x50: {  	[sflag:s31] =	ssyncpa.u1 $0x1  }
0x51: {  	p0 =	sne.s32 s0, $0x0;
	_ =	strace $0x90000047  }
0x52: {  	s0 =	sadd.s32 @!p0 $0x100000, s1;
	[bflag:$0x2] =	sbarrier.arrive $0xFFFF  }
0x53: {  	[sflag:s0] =	ssyncadd.tile.s32 @!p0 $0x1;
	_ =	shalt  }
.Lfunc_end2:
_tile_overlayer_lowered:
.L_overlay_start_2:
0x54: {  	(tag) =	ssettag $0x2  }
0x55: {  	s0 =	rddreg [dreg:$0x0];
	s2 =	stileid.u32  }
0x56: {  	s1 =	rddreg [dreg:$0x1];
	p0 =	sne.s32 s2, $0x0  }
0x57: {  	s3 =	rddreg [dreg:$0x2];
	[bflag:$0x3] =	sbarrier.arrive $0xFFFF;
	s2 =	simm.s32 @!p0 $0x1C01  }
0x58: {  	[timem:s3], [sflag:s2] =	dma.local @!p0 [hbm:s0], s1  }
0x59: {  	s0 =	simm.s32 @!p0 $0x1  }
0x5a: {  	_ =	swait.ge @!p0 [sflag:s0], s1  }
0x5b: {  	s1 =	ssub.s32 @!p0 $0x0, s1;
	[sflag:s0] =	ssyncset.done @!p0 $0x0  }
0x5c: {  	[sflag:s0] =	ssyncadd.s32 @!p0 s1  }
0x5d: {  	[bflag:$0x3] =	sbarrier.arrive $0xFFFF  }
0x5e: {  	_ =	shalt  }

// kernel: kernel.5.cloned.1.call-start
scs
__scs_entry_jumppad:
0x0: {  	(pc) =	sbr.rel $0x88, $3  }
0x1: {  	(tag) =	ssettag $0x0;
	lr =	simm.s32 $0x1  }
0x2: {  	[smem:$0x3F95] =	sst lr;
	_ =	strace $0xD0000000  }
0x3: {  	_ = 	snop  }
0x4: {  	_ = 	snop  }
0x5: {  	_ = 	snop  }
0x6: {  	_ = 	snop  }
0x7: {  	_ = 	snop  }
__scs_overlays_trampoline_lowered:
0x8: {  	[smem:$0x3FA4] =	sst s0  }
0x9: {  	[smem:$0x3FA5] =	sst s1  }
0xa: {  	[smem:$0x3FA6] =	sst s2  }
0xb: {  	[smem:$0x3FA7] =	sst s3  }
0xc: {  	[smem:$0x3FA8] =	sst s4  }
0xd: {  	[smem:$0x3FA9] =	sst s5  }
0xe: {  	[smem:$0x3FAA] =	sst s6  }
0xf: {  	[smem:$0x3FAB] =	sst s7  }
0x10: {  	[smem:$0x3FAC] =	sst s8  }
0x11: {  	[smem:$0x3FAD] =	sst s9;
	s0 =	simm.s32 @!p0 $0x0  }
0x12: {  	s1 =	sld [smem:$0x3F93];
	s0 =	simm.s32 @p0 $0x1  }
0x13: {  	[smem:$0x3FAE] =	sst s0;
	s0 =	simm.s32 @!p1 $0x0  }
0x14: {  	s2 =	sld [smem:$0x3F92];
	s0 =	simm.s32 @p1 $0x1  }
0x15: {  	[smem:$0x3FAF] =	sst s0;
	s0 =	simm.s32 @!p2 $0x0  }
0x16: {  	s3 =	sld [smem:$0x3FDB];
	s0 =	simm.s32 @p2 $0x1  }
0x17: {  	s4 =	simm.s32 $0x1BF5;
	[smem:$0x3FB1] =	sst s0  }
0x18: {  	s0 =	sld [smem:$0x3F94];
	_ =	swait.ge [sflag:s4], $0x0  }
0x19: {  	s7 =	sld [smem:$0x3F95]  }
0x1a: {  	s8 =	sadd.s32 $0xFFFFE003, lr  }
0x1b: {  	s9 =	sadd.s32 $0xFFFFFEF7, lr;
	s5 =	simm.s32 $0xFFFFFFFF;
	p2 =	slt.u32 s8, $0xFFFFF086  }
0x1c: {  	p1 =	slt.u32 s9, $0xF7A;
	s5 =	simm.s32 @!p2 $0x0  }
0x1d: {  	s5 =	simm.s32 @p1 $0x1;
	p0 =	seq.s32 s7, s2  }
0x1e: {  	s7 =	smul.u32 @!p0 $0xF7A, s2;
	p2 =	seq.s32 @!p0 s5, $0x0  }
0x1f: {  	s9 =	smul.u32 $0xF7A, s1;
	s8 =	simm.s32 @!p0 $0x1BF5;
	p2 =	por !p2, p0  }
0x20: {  	[sflag:s8] =	ssyncset.s32 @!p0 $0xFFFFF086;
	s6 =	sadd.s32 @!p0 s3, s7;
	s7 =	simm.s32 @!p0 $0x108  }
0x21: {  	s3 =	sadd.s32 s3, s9;
	s6 =	sadd.s32 @!p0 $0x88, s6;
	s7 =	simm.s32 @p2 $0x1082  }
0x22: {  	[simem:s7], [sflag:s8] =	dma.local @!p0 [hbm:s6], $0xF7A  }
0x23: {  	s9 =	sor.u32 $0xD0000000, s2;
	s6 =	simm.s32 $0x108;
	_ =	swait.ge @!p0 [sflag:s8], $0x0  }
0x24: {  	s3 =	sadd.s32 $0x88, s3;
	s6 =	simm.s32 @!p1 $0x1082;
	[sflag:s4] =	ssyncset.s32 $0xFFFFF086  }
0x25: {  	[simem:s6], [sflag:s4] =	dma.local [hbm:s3], $0xF7A  }
0x26: {  	[smem:$0x3F95] =	sst s1;
	(tag) =	ssettag s2;
	_ =	strace s9  }
0x27: {  	s1 =	sld [smem:$0x3FA5]  }
0x28: {  	s2 =	sld [smem:$0x3FA6]  }
0x29: {  	s4 =	sld [smem:$0x3FA8]  }
0x2a: {  	p0 =	seq.s32 s5, $0x0;
	s5 =	sld [smem:$0x3FA9]  }
0x2b: {  	s6 =	sld [smem:$0x3FAA]  }
0x2c: {  	s7 =	sld [smem:$0x3FAB]  }
0x2d: {  	s3 =	simm.s32 $0x108;
	s8 =	sld [smem:$0x3FAC]  }
0x2e: {  	s3 =	simm.s32 @!p0 $0x1082;
	s9 =	sld [smem:$0x3FAD]  }
0x2f: {  	lr =	sadd.s32 s0, s3;
	s0 =	sld [smem:$0x3FA4]  }
0x30: {  	s3 =	sld [smem:$0x3FA7]  }
0x31: {  	[smem:$0x3FB0] =	sst s10  }
0x32: {  	s10 =	sld [smem:$0x3FAE];
	_ =	sdelay $0x3  }
0x33: {  	p0 =	seq.s32 s10, $0x1;
	s10 =	sld [smem:$0x3FB0];
	_ =	sdelay $0x3  }
0x34: {  	[smem:$0x3FB0] =	sst s10  }
0x35: {  	s10 =	sld [smem:$0x3FAF];
	_ =	sdelay $0x3  }
0x36: {  	p1 =	seq.s32 s10, $0x1;
	s10 =	sld [smem:$0x3FB0];
	_ =	sdelay $0x3  }
0x37: {  	[smem:$0x3FB0] =	sst s10  }
0x38: {  	s10 =	sld [smem:$0x3FB1]  }
0x39: {  	_ = 	snop;
	(pc) =	sbr.ind lr, $3  }
0x3a: {  	_ = 	snop  }
0x3b: {  	_ = 	snop  }
0x3c: {  	p2 =	seq.s32 s10, $0x1;
	s10 =	sld [smem:$0x3FB0]  }
0x3d: {  	_ =	shalt  }
0x3e: {  	_ =	shalt  }
0x3f: {  	_ =	shalt  }
0x40: {  	_ =	shalt  }
0x41: {  	_ =	shalt  }
0x42: {  	_ =	shalt  }
0x43: {  	_ =	shalt  }
0x44: {  	_ =	shalt  }
0x45: {  	_ =	shalt  }
0x46: {  	_ =	shalt  }
0x47: {  	_ =	shalt  }
0x48: {  	_ =	shalt  }
0x49: {  	_ =	shalt  }
0x4a: {  	_ =	shalt  }
0x4b: {  	_ =	shalt  }
0x4c: {  	_ =	shalt  }
0x4d: {  	_ =	shalt  }
0x4e: {  	_ =	shalt  }
0x4f: {  	_ =	shalt  }
0x50: {  	_ =	shalt  }
0x51: {  	_ =	shalt  }
0x52: {  	_ =	shalt  }
0x53: {  	_ =	shalt  }
0x54: {  	_ =	shalt  }
0x55: {  	_ =	shalt  }
0x56: {  	_ =	shalt  }
0x57: {  	_ =	shalt  }
0x58: {  	_ =	shalt  }
0x59: {  	_ =	shalt  }
0x5a: {  	_ =	shalt  }
0x5b: {  	_ =	shalt  }
0x5c: {  	_ =	shalt  }
0x5d: {  	_ =	shalt  }
0x5e: {  	_ =	shalt  }
0x5f: {  	_ =	shalt  }
0x60: {  	_ =	shalt  }
0x61: {  	_ =	shalt  }
0x62: {  	_ =	shalt  }
0x63: {  	_ =	shalt  }
0x64: {  	_ =	shalt  }
0x65: {  	_ =	shalt  }
0x66: {  	_ =	shalt  }
0x67: {  	_ =	shalt  }
0x68: {  	_ =	shalt  }
0x69: {  	_ =	shalt  }
0x6a: {  	_ =	shalt  }
0x6b: {  	_ =	shalt  }
0x6c: {  	_ =	shalt  }
0x6d: {  	_ =	shalt  }
0x6e: {  	_ =	shalt  }
0x6f: {  	_ =	shalt  }
0x70: {  	_ =	shalt  }
0x71: {  	_ =	shalt  }
0x72: {  	_ =	shalt  }
0x73: {  	_ =	shalt  }
0x74: {  	_ =	shalt  }
0x75: {  	_ =	shalt  }
0x76: {  	_ =	shalt  }
0x77: {  	_ =	shalt  }
0x78: {  	_ =	shalt  }
0x79: {  	_ =	shalt  }
0x7a: {  	_ =	shalt  }
0x7b: {  	_ =	shalt  }
0x7c: {  	_ =	shalt  }
0x7d: {  	_ =	shalt  }
0x7e: {  	_ =	shalt  }
0x7f: {  	_ =	shalt  }
0x80: {  	_ =	shalt  }
0x81: {  	_ =	shalt  }
0x82: {  	_ =	shalt  }
0x83: {  	_ =	shalt  }
0x84: {  	_ =	shalt  }
0x85: {  	_ =	shalt  }
0x86: {  	_ =	shalt  }
0x87: {  	_ =	shalt  }
.Lfunc_end0:
.L_simem_size_0:
called_computation.2_lowered:
.L_overlay_start_0:
0x88: {  	s2 =	sld [smem:$0x3FD9]  }
0x89: {  	s3 =	sld [smem:$0x3FFE];
	_ =	sdelay $0x1  }
0x8a: {  	s1 =	srdreg.scid  }
0x8b: {  	s0 =	sand.u32 $0x1, s1  }
0x8c: {  	s14 =	sshll.u32 s0, $0xA;
	s2 =	sadd.s32 s3, s2  }
0x8d: {  	s2 =	sadd.s32 s2, s14  }
0x8e: {  	[smem:$0x3FBC] =	sst s2  }
0x8f: {  	_ = 	snop  }
0x90: {  	s2 =	sld [smem:$0x3FD0];
	_ =	sdelay $0x2  }
0x91: {  	s15 =	simm.s32 $0xB;
	s4 =	simm.s32 $0x10  }
0x92: {  	[smem:s4], [sflag:s15] =	dma.local [hbm:s2], $0x1  }
0x93: {  	_ =	swait.eq [sflag:s15], $0x1  }
0x94: {  	[sflag:s15] =	ssyncset.done $0x0  }
0x95: {  	s16 =	sld [smem:$0x12];
	[sflag:s15] =	ssyncadd.s32 $0xFFFFFFFF  }
0x96: {  	s17 =	sld [smem:$0x13];
	(tm) =	ssettm $0x1  }
0x97: {  	s18 =	sld [smem:$0x3FFB];
	_ =	sdelay $0x3  }
0x98: {  	_ =	strace s18  }
0x99: {  	s4 =	sld [smem:$0x3FFC];
	_ =	sdelay $0x3  }
0x9a: {  	_ =	strace s4  }
0x9b: {  	s4 =	sld [smem:$0x3FFD];
	_ =	sdelay $0x3  }
0x9c: {  	_ =	strace s4  }
0x9d: {  	_ =	strace $0x8FFFFFFF  }
0x9e: {  	s19 =	sld [smem:$0x3FDB];
	_ =	sdelay $0x1  }
0x9f: {  	s5 =	simm.s32 $_scs_section_size  }
0xa0: {  	s6 =	simm.s32 $_size__tile_overlayer_lowered;
	s7 =	simm.s32 $_tile_overlayer_lowered  }
0xa1: {  	s22 =	simm.s32 $0x1BFF;
	s21 =	sshll.u32 s7, $0x1;
	s4 =	sadd.s32 s5, s19  }
0xa2: {  	s8 =	simm.s32 $0x0;
	s20 =	sshll.u32 s6, $0x1;
	s6 =	sadd.s32 s21, s4  }
0xa3: {  	[timem:s8], [sflag:s22] =	dma.local [hbm:s6], s20  }
0xa4: {  	_ =	swait.ge [sflag:s22], s20  }
0xa5: {  	s5 =	ssub.s32 $0x0, s20;
	[sflag:s22] =	ssyncset.done $0x0  }
0xa6: {  	[sflag:s22] =	ssyncadd.s32 s5;
	_ =	sdelay $0x1  }
0xa7: {  	s23 =	simm.s32 $0x1B8B  }
0xa8: {  	_ =	swait.ge [sflag:s23], $0x1  }
0xa9: {  	[sflag:s23] =	ssyncset.done $0x0  }
0xaa: {  	s25 =	simm.s32 $0x1B8E;
	s24 =	sld [smem:$0x3FFE];
	[sflag:s23] =	ssyncadd.s32 $0xFFFFFFFF  }
0xab: {  	s26 =	simm.s32 $execute0_lowered;
	[smem:$0x3FD2] =	sst s25  }
0xac: {  	s6 =	sshll.u32 s26, $0x1;
	_ =	strace $0x8000004C;
	[dreg:$0x1] =	wrdreg $0xFFFFFFFF  }
0xad: {  	s28 =	simm.s32 $_size_execute0_lowered;
	s4 =	sadd.s32 s4, s6;
	[dreg:$0x0] =	wrdreg $0x0  }
0xae: {  	s6 =	sshll.u32 s28, $0x1;
	[dreg:$0x2] =	wrdreg s4  }
0xaf: {  	[dreg:$0x3] =	wrdreg s6  }
0xb0: {  	[dreg:$0x4] =	wrdreg $0xC0  }
0xb1: {  	_ =	task [dreg:s8], $0x5FFFF  }
0xb2: {  	[dreg:$0x1] =	wrdreg $0xFFFFFFFF  }
0xb3: {  	[dreg:$0x0] =	wrdreg $0x60  }
0xb4: {  	[dreg:$0x2] =	wrdreg s24  }
0xb5: {  	[dreg:$0x3] =	wrdreg s16  }
0xb6: {  	[dreg:$0x4] =	wrdreg s17  }
0xb7: {  	[dreg:$0x5] =	wrdreg $0x9  }
0xb8: {  	_ =	task.clear_ibuf [dreg:s8], $0x6FFFF;
	_ =	strace $0x9000004C  }
0xb9: {  	s29 =	simm.s32 $0x9;
	_ =	strace $0x8000004E  }
0xba: {  	_ =	swait.ge [sflag:s29], $0x1  }
0xbb: {  	[sflag:s29] =	ssyncadd.s32 $0xFFFFFFFF  }
0xbc: {  	_ =	strace $0x9000004E  }
0xbd: {  	_ =	sfence  }
0xbe: {  	s30 =	sld [smem:$0x0];
	_ =	sdelay $0x2  }
0xbf: {  	s31 =	sshll.u32 s1, $0xD;
	s1 =	sshrl.u32 s1, $0x2  }
0xc0: {  	s3 =	sand.u32 $0x4000, s31;
	s1 =	sadd.s32 s1, s30  }
0xc1: {  	s0 =	sor.u32 s3, s0;
	s1 =	sshll.u32 s1, $0x11  }
0xc2: {  	s0 =	sor.u32 s1, s0  }
0xc3: {  	s0 =	sadd.s32 $0x8F2B, s0  }
0xc4: {  	[sflag:s0] =	ssyncadd.remote.s32 $0x1  }
0xc5: {  	_ =	sfence.sel $0xFFFF  }
0xc6: {  	[dreg:$0x0] =	wrdreg $0xFFFFFFFF;
	(pc) =	sbr.abs _section_cstart, $3  }
0xc7: {  	[dreg:$0x1] =	wrdreg $0xFFFFFFFF  }
0xc8: {  	_ =	task.clear_ibuf [dreg:s8], $0x2FFFF;
	_ =	strace $0x9FFFFFFF  }
0xc9: {  	(tm) =	ssettm $0x7FFFFFFF  }
tec
execute0_lowered:
.L_overlay_start_1:
0x0: {  	(tag) =	ssettag $0x1  }
0x1: {  	s7 =	rddreg [dreg:$0x0]  }
0x2: {  	s1 =	rddreg [dreg:$0x1]  }
0x3: {  	s2 =	rddreg [dreg:$0x2]  }
0x4: {  	s0 =	rddreg [dreg:$0x3]  }
0x5: {  	s4 =	simm.s32 $0x0;
	s3 =	srdreg.scid;
	s13 =	simm.s32 $0x1  }
0x6: {  	s14 =	simm.s32 $0x2A80;
	s15 =	simm.s32 $0x2B00;
	s16 =	simm.s32 $0x2  }
0x7: {  	s17 =	simm.s32 $0x2B80;
	s18 =	simm.s32 $0x2C00;
	s19 =	simm.s32 $0x2C80  }
0x8: {  	s20 =	simm.s32 $0x2800;
	[smem:$0x7FF] =	sst s4;
	s8 =	sand.u32 $0x1, s3  }
0x9: {  	s21 =	simm.s32 $0x0;
	s3 =	stileid.u32;
	s9 =	smul.u32 $0xFFFFFFD8, s8  }
0xa: {  	s5 =	sadd.s32 $0xA00, s7;
	s6 =	sadd.s32 $0x18E200, s7;
	s10 =	smul.u32 $0xFFFFFFB0, s3  }
.Ltmp0:
0xb: {  	s7 =	sadd.s32 $0x189200, s7;
	s11 =	ssub.s32 $0x2, s8;
	(pc) =	sbr.rel .LBB2_1-.Ltmp0, $4  }
0xc: {  	_ =	strace $0x8000004D;
	s12 =	sshll.u32 s3, $0x1;
	s31 =	sshrl.u32 s11, $0x1  }
0xd: {  	v0 =	vimm.f32 $3.000000010e+38;
	v1 =	vimm.s32 $0xFFFFFFFF;
	v2 =	vlaneseq.u32;
	s8 =	sor.u32 s8, s12;
	s12 =	simm.s32 $0x400;
	s9 =	sadd.s32 s10, s9  }
0xe: {  	v3 =	vimm.s32 $0x0;
	v4 =	vor.u32 $0x80000020, v2;
	v7 =	vmul.u32 $0x280, v2;
	s10 =	ssub.s32 s11, s31;
	s8 =	smul.u32 $0x28, s8;
	s9 =	sadd.s32 $0x4E2, s9  }
0xf: {  	vm0 =	vcmask $0x300;
	v5 =	vor.u32 $0x80000010, v2;
	v6 =	vor.u32 $0x80000000, v2;
	s11 =	simm.s32 $0x80;
	s10 =	smax.u32 s10, $0x1;
	s9 =	smin.u32 s9, $0x28  }
.LBB2_11:
0x10: {  	s21 =	sadd.s32 $0x1, s21  }
0x11: {  	p0 =	sne.s32 s21, s10  }
.Ltmp1:
0x12: {  	_ = 	snop;
	(pc) =	sbr.rel @!p0 .LBB2_12-.Ltmp1, $1  }
0x13: {  	_ =	sdelay $0x3  }
.LBB2_1:
.Ltmp2:
0x14: {  	(pc) =	sbr.rel .LBB2_2-.Ltmp2, $2  }
0x15: {  	_ =	sdelay $0x2  }
0x16: {  	s22 =	simm.s32 $0x0  }
.LBB2_9:
0x17: {  	s29 =	smov.u32 @p0 s29  }
.LBB2_10:
0x18: {  	s23 =	sshll.u32 s23, $0xA  }
0x19: {  	v8 =	vmov s29;
	s23 =	sor.u32 s24, s23  }
0x1a: {  	v8 =	vnsel vm0, $0x0, v8;
	s23 =	sshrl.u32 s23, $0x3  }
0x1b: {  	[tilespmem:$0x2C80] =	vst v8;
	s29 =	sadd.s32 s1, s23  }
0x1c: {  	[hbm4b:s29+s4] =	stream.linear.scatter [tilespmem:s15], [sflag:$0x2], $0x80, $0x38;
	[tilespmem:$0x2D00] =	vst v63  }
0x1d: {  	_ =	swait.ge [sflag:s16], $0x80  }
0x1e: {  	[sflag:s16] =	ssyncset.done $0x0  }
0x1f: {  	s30 =	sadd.s32 s2, s23;
	[sflag:s16] =	ssyncadd.s32 $0xFFFFFF80  }
0x20: {  	[hbm4b:s30+s4] =	stream.linear.scatter [tilespmem:s17], [sflag:$0x2], $0x80, $0x38;
	[tilespmem:$0x2D00] =	vst v63  }
0x21: {  	_ =	swait.ge [sflag:s16], $0x80  }
0x22: {  	[sflag:s16] =	ssyncset.done $0x0  }
0x23: {  	s31 =	sadd.s32 s6, s23;
	[sflag:s16] =	ssyncadd.s32 $0xFFFFFF80  }
0x24: {  	[hbm4b:s31+s4] =	stream.linear.scatter [tilespmem:s18], [sflag:$0x2], $0x80, $0x38;
	[tilespmem:$0x2D00] =	vst v63  }
0x25: {  	s22 =	sadd.s32 $0x1, s22;
	_ =	swait.ge [sflag:s16], $0x80  }
0x26: {  	p0 =	sne.s32 s22, s9;
	[sflag:s16] =	ssyncset.done $0x0  }
.Ltmp3:
0x27: {  	s23 =	sadd.s32 s7, s23;
	[sflag:s16] =	ssyncadd.s32 $0xFFFFFF80;
	(pc) =	sbr.rel @!p0 .LBB2_11-.Ltmp3, $4  }
0x28: {  	[hbm4b:s23+s4] =	stream.linear.scatter [tilespmem:s19], [sflag:$0x2], $0x80, $0x38;
	[tilespmem:$0x2D00] =	vst v63  }
0x29: {  	_ =	swait.ge [sflag:s16], $0x80  }
0x2a: {  	[sflag:s16] =	ssyncset.done $0x0  }
0x2b: {  	[sflag:s16] =	ssyncadd.s32 $0xFFFFFF80  }
.LBB2_2:
0x2c: {  	s25 =	sadd.s32 s8, s22  }
0x2d: {  	s23 =	sshrl.u32 s25, $0x3  }
0x2e: {  	s24 =	sshll.u32 s22, $0x7;
	s26 =	smul.u32 $0x14000, s23  }
0x2f: {  	s24 =	sand.u32 $0x380, s24  }
0x30: {  	s26 =	sor.u32 s24, s26  }
0x31: {  	s26 =	sshrl.u32 s26, $0x3  }
0x32: {  	s28 =	simm.s32 $0x0;
	s26 =	sadd.s32 s5, s26  }
0x33: {  	[tilespmem:s28], [sflag:$0x1] =	stream.strided.gather [hbm4b:s26+s11], $0x2800, s12, s11, $0x38;
	[tilespmem:$0x2D00] =	vst v63  }
0x34: {  	_ =	swait.ge [sflag:s13], $0x2800  }
0x35: {  	[sflag:s13] =	ssyncset.done $0x0  }
0x36: {  	s31 =	sand.u32 $0x3F0, s28;
	[sflag:s13] =	ssyncadd.s32 $0xFFFFD800  }
0x37: {  	v8 =	vld [tilespmem:s31+$0x280]  }
0x38: {  	v9 =	vld [tilespmem:s28+$0x0]  }
0x39: {  	v10 =	vld [tilespmem:s31+$0x500]  }
0x3a: {  	v11 =	vld [tilespmem:s31+$0x780]  }
0x3b: {  	v12 =	vld [tilespmem:s31+$0xA00]  }
0x3c: {  	v13 =	vld [tilespmem:s31+$0xC80]  }
0x3d: {  	v8 =	vmin.f32 v9, v8;
	v9 =	vld [tilespmem:s31+$0xF00]  }
0x3e: {  	v8 =	vmin.f32 v8, v10;
	v10 =	vld [tilespmem:s31+$0x1180]  }
0x3f: {  	v8 =	vmin.f32 v8, v11;
	v11 =	vld [tilespmem:s31+$0x1400]  }
0x40: {  	v60 =	vld [tilespmem:s31+$0x1680];
	v8 =	vmin.f32 v8, v12  }
0x41: {  	v61 =	vld [tilespmem:s31+$0x1900];
	v8 =	vmin.f32 v8, v13  }
0x42: {  	v8 =	vmin.f32 v8, v9;
	v9 =	vld [tilespmem:s31+$0x1B80]  }
0x43: {  	v8 =	vmin.f32 v8, v10;
	v10 =	vld [tilespmem:s31+$0x1E00]  }
0x44: {  	v8 =	vmin.f32 v8, v11;
	v11 =	vld [tilespmem:s31+$0x2080]  }
0x45: {  	v62 =	vld [tilespmem:s31+$0x2300];
	v8 =	vmin.f32 v8, v60  }
0x46: {  	v63 =	vld [tilespmem:s31+$0x2580];
	v8 =	vmin.f32 v8, v61  }
0x47: {  	v8 =	vmin.f32 v8, v9  }
0x48: {  	v8 =	vmin.f32 v8, v10  }
0x49: {  	v8 =	vmin.f32 v8, v11  }
0x4a: {  	v8 =	vmin.f32 v8, v62  }
0x4b: {  	s29 =	simm.s32 $0x10;
	s26 =	simm.s32 $0x2800;
	v8 =	vmin.f32 v8, v63  }
0x4c: {  	s28 =	sand.u32 $0x3F0, s29;
	[tilespmem:s26+$0x0] =	vst v8  }
0x4d: {  	s30 =	simm.s32 $0x20;
	v8 =	vld [tilespmem:s28+$0x280]  }
.LBB2_3:
0x4e: {  	p0 =	sne.s32 s30, $0x270;
	v9 =	vld [tilespmem:s29+$0x0]  }
0x4f: {  	v10 =	vld [tilespmem:s28+$0x500]  }
0x50: {  	v11 =	vld [tilespmem:s28+$0x780]  }
0x51: {  	v12 =	vld [tilespmem:s28+$0xA00]  }
0x52: {  	v13 =	vld [tilespmem:s28+$0xC80]  }
0x53: {  	v8 =	vmin.f32 v9, v8;
	v9 =	vld [tilespmem:s28+$0xF00]  }
0x54: {  	v8 =	vmin.f32 v8, v10;
	v10 =	vld [tilespmem:s28+$0x1180]  }
0x55: {  	v8 =	vmin.f32 v8, v11;
	v11 =	vld [tilespmem:s28+$0x1400]  }
0x56: {  	v8 =	vmin.f32 v8, v12;
	v12 =	vld [tilespmem:s28+$0x1680]  }
0x57: {  	v8 =	vmin.f32 v8, v13;
	v13 =	vld [tilespmem:s28+$0x1900]  }
0x58: {  	v8 =	vmin.f32 v8, v9;
	v9 =	vld [tilespmem:s28+$0x1B80]  }
0x59: {  	v8 =	vmin.f32 v8, v10;
	v10 =	vld [tilespmem:s28+$0x1E00]  }
0x5a: {  	v8 =	vmin.f32 v8, v11;
	v11 =	vld [tilespmem:s28+$0x2080]  }
0x5b: {  	v8 =	vmin.f32 v8, v12;
	v12 =	vld [tilespmem:s28+$0x2300]  }
0x5c: {  	v8 =	vmin.f32 v8, v13;
	v13 =	vld [tilespmem:s28+$0x2580]  }
0x5d: {  	v8 =	vmin.f32 v8, v9  }
0x5e: {  	v8 =	vmin.f32 v8, v10  }
.Ltmp4:
0x5f: {  	v8 =	vmin.f32 v8, v11;
	(pc) =	sbr.rel @p0 .LBB2_3-.Ltmp4, $4  }
0x60: {  	v8 =	vmin.f32 v8, v12  }
0x61: {  	s26 =	sadd.s32 $0x10, s26;
	v8 =	vmin.f32 v8, v13  }
0x62: {  	s28 =	sand.u32 $0x3F0, s30;
	[tilespmem:s26+$0x0] =	vst v8  }
0x63: {  	s29 =	sadd.s32 $0x10, s29;
	s30 =	sadd.s32 $0x10, s30;
	v8 =	vld [tilespmem:s28+$0x280]  }
0x64: {  	v9 =	vld [tilespmem:s29+$0x0]  }
0x65: {  	v10 =	vld [tilespmem:s28+$0x500]  }
0x66: {  	v11 =	vld [tilespmem:s28+$0x780]  }
0x67: {  	v12 =	vld [tilespmem:s28+$0xA00]  }
0x68: {  	v13 =	vld [tilespmem:s28+$0xC80]  }
0x69: {  	v8 =	vmin.f32 v9, v8;
	v9 =	vld [tilespmem:s28+$0xF00]  }
0x6a: {  	v8 =	vmin.f32 v8, v10;
	v10 =	vld [tilespmem:s28+$0x1180]  }
0x6b: {  	v8 =	vmin.f32 v8, v11;
	v11 =	vld [tilespmem:s28+$0x1400]  }
0x6c: {  	v60 =	vld [tilespmem:s28+$0x1680];
	v8 =	vmin.f32 v8, v12  }
0x6d: {  	v61 =	vld [tilespmem:s28+$0x1900];
	v8 =	vmin.f32 v8, v13  }
0x6e: {  	v8 =	vmin.f32 v8, v9;
	v9 =	vld [tilespmem:s28+$0x1B80]  }
0x6f: {  	v8 =	vmin.f32 v8, v10;
	v10 =	vld [tilespmem:s28+$0x1E00]  }
0x70: {  	v8 =	vmin.f32 v8, v11;
	v11 =	vld [tilespmem:s28+$0x2080]  }
0x71: {  	v62 =	vld [tilespmem:s28+$0x2300];
	v8 =	vmin.f32 v8, v60  }
0x72: {  	v63 =	vld [tilespmem:s28+$0x2580];
	v8 =	vmin.f32 v8, v61  }
0x73: {  	v8 =	vmin.f32 v8, v9  }
0x74: {  	v8 =	vmin.f32 v8, v10  }
0x75: {  	v8 =	vmin.f32 v8, v11  }
0x76: {  	v8 =	vmin.f32 v8, v62  }
0x77: {  	s26 =	sadd.s32 $0x10, s26;
	v8 =	vmin.f32 v8, v63  }
0x78: {  	[tilespmem:s26+$0x0] =	vst v8  }
0x79: {  	[tilespmem:$0x2A80] =	vst v0  }
0x7a: {  	[tilespmem:$0x2A90] =	vst v0  }
0x7b: {  	s28 =	simm.s32 $0x2800;
	[tilespmem:$0x2AA0] =	vst v0  }
0x7c: {  	s29 =	simm.s32 $0x1;
	s26 =	simm.s32 $0x0;
	v8 =	vld [tilespmem:s28+$0x0]  }
.LBB2_5:
0x7d: {  	p0 =	sne.s32 s29, $0x27;
	_ =	sdelay $0x3  }
0x7e: {  	(xrf0) =	vmin.scan.msk.f32 $0xffff, v8;
	_ =	sdelay $0x3  }
0x7f: {  	v8 =	vmov s26;
	s26 =	smov.u32 s29;
	_ =	sdelay $0x1  }
.Ltmp5:
0x80: {  	v9, _, _ =	vpop (xrf0);
	(pc) =	sbr.rel @p0 .LBB2_5-.Ltmp5, $3  }
0x81: {  	v9 =	vbroadcast v9, $0xF;
	_ =	sdelay $0x1  }
0x82: {  	s28 =	sadd.s32 $0x10, s28;
	[tilespmem:v8+s14+$0x0] =	vst.idx.msk $0x1, v9  }
0x83: {  	s29 =	sadd.s32 $0x1, s29;
	v8 =	vld [tilespmem:s28+$0x0]  }
0x84: {  	_ =	sdelay $0x3  }
0x85: {  	(xrf0) =	vmin.scan.msk.f32 $0xffff, v8;
	_ =	sdelay $0x3  }
0x86: {  	v8 =	vmov s26;
	_ =	sdelay $0x1  }
0x87: {  	v9, _, _ =	vpop (xrf0)  }
0x88: {  	v9 =	vbroadcast v9, $0xF;
	_ =	sdelay $0x1  }
0x89: {  	[tilespmem:v8+s14+$0x0] =	vst.idx.msk $0x1, v9  }
0x8a: {  	v8 =	vld [tilespmem:$0x2A80]  }
0x8b: {  	v9 =	vld [tilespmem:$0x2A90]  }
0x8c: {  	v10 =	vld [tilespmem:$0x2AA0];
	_ =	sdelay $0x3  }
0x8d: {  	v11 =	vmin.f32 v8, v9  }
0x8e: {  	v11 =	vmin.f32 v11, v10  }
0x8f: {  	(xrf0) =	vmin.scan.msk.f32 $0xffff, v11;
	_ =	sdelay $0x4  }
0x90: {  	[tilespmem:$0x2B00] =	vst v1  }
0x91: {  	[tilespmem:$0x2B80] =	vst v1;
	v11, _, _ =	vpop (xrf0)  }
0x92: {  	[tilespmem:$0x2C00] =	vst v3;
	(v2sf) =	vpush v11, $0xF  }
0x93: {  	[tilespmem:$0x2B10] =	vst v1  }
0x94: {  	[tilespmem:$0x2B90] =	vst v1  }
0x95: {  	[tilespmem:$0x2C10] =	vst v3  }
0x96: {  	[tilespmem:$0x2B20] =	vst v1  }
0x97: {  	[tilespmem:$0x2BA0] =	vst v1  }
0x98: {  	[tilespmem:$0x2C20] =	vst v3  }
0x99: {  	[tilespmem:$0x2B30] =	vst v1  }
0x9a: {  	[tilespmem:$0x2BB0] =	vst v1  }
0x9b: {  	[tilespmem:$0x2C30] =	vst v3  }
0x9c: {  	[tilespmem:$0x2B40] =	vst v1  }
0x9d: {  	[tilespmem:$0x2BC0] =	vst v1  }
0x9e: {  	[tilespmem:$0x2C40] =	vst v3  }
0x9f: {  	[tilespmem:$0x2B50] =	vst v1  }
0xa0: {  	[tilespmem:$0x2BD0] =	vst v1  }
0xa1: {  	[tilespmem:$0x2C50] =	vst v3;
	s26 =	spop (v2sf)  }
0xa2: {  	[tilespmem:$0x2B60] =	vst v1;
	p0 =	sle.f32 s26, $9.999999770e-03  }
.Ltmp6:
0xa3: {  	[tilespmem:$0x2BE0] =	vst v1;
	(pc) =	sbr.rel @!p0 .LBB2_10-.Ltmp6, $4  }
0xa4: {  	[tilespmem:$0x2C60] =	vst v3  }
0xa5: {  	[tilespmem:$0x2B70] =	vst v1  }
0xa6: {  	[tilespmem:$0x2BF0] =	vst v1  }
0xa7: {  	s29 =	simm.s32 $0x0;
	[tilespmem:$0x2C70] =	vst v3  }
0xa8: {  	v11 =	vbroadcast v11, $0xF;
	_ =	sdelay $0x1  }
0xa9: {  	vm1 =	veq.f32 v10, v11  }
0xaa: {  	vm2 =	veq.f32 v9, v11;
	v9 =	vnsel vm1, $0x80002710, v4  }
0xab: {  	vm1 =	veq.f32 v8, v11;
	v8 =	vsel vm2, v5, v9  }
0xac: {  	v8 =	vsel vm1, v6, v8  }
0xad: {  	(xrf0) =	vmin.scan.msk.u32 $0xffff, v8;
	_ =	sdelay $0x5  }
0xae: {  	v8, _, _ =	vpop (xrf0)  }
0xaf: {  	(v2sf) =	vpush v8, $0xF;
	_ =	sdelay $0xe  }
0xb0: {  	s28 =	spop (v2sf)  }
0xb1: {  	s28 =	sshll.u32 s28, $0x4  }
0xb2: {  	v8 =	vld [tilespmem:s28+$0x2800];
	_ =	sdelay $0x4  }
0xb3: {  	vm1 =	veq.f32 v8, v11  }
0xb4: {  	v8 =	vnsel vm1, $0x80000010, v6  }
0xb5: {  	(xrf0) =	vmin.scan.msk.u32 $0xffff, v8;
	_ =	sdelay $0x5  }
0xb6: {  	v8, _, _ =	vpop (xrf0)  }
0xb7: {  	(v2sf) =	vpush v8, $0xF;
	_ =	sdelay $0xe  }
0xb8: {  	s29 =	spop (v2sf)  }
0xb9: {  	s28 =	sadd.s32 s29, s28  }
0xba: {  	v8 =	vmov s25;
	s29 =	simm.s32 $0x0;
	s28 =	sadd.s32 $0x80000000, s28  }
.LBB2_8:
0xbb: {  	v9 =	vadd.s32 s28, v7;
	_ =	sdelay $0x4  }
0xbc: {  	v10 =	vld.idx.msk [tilespmem:v9+s4+$0x0], $0xffff;
	_ =	sdelay $0x4  }
0xbd: {  	vm1 =	veq.f32 v10, s26  }
0xbe: {  	v11 =	vnsel vm1, $0x80000010, v6  }
0xbf: {  	(xrf0) =	vmin.scan.msk.u32 $0xffff, v11;
	_ =	sdelay $0x5  }
0xc0: {  	v11, _, _ =	vpop (xrf0)  }
0xc1: {  	(v2sf) =	vpush v11, $0xF;
	_ =	sdelay $0xe  }
0xc2: {  	s25 =	spop (v2sf)  }
0xc3: {  	s26 =	sxor.u32 $0x80000000, s25  }
0xc4: {  	s25 =	smov.u32 s29;
	s29 =	sand.u32 $0x70, s29;
	v11 =	vmov s26  }
0xc5: {  	vm1 =	veq.s32 v11, v2;
	v11 =	vld [tilespmem:s29+$0x2B00]  }
0xc6: {  	v12 =	vld [tilespmem:s29+$0x2B80]  }
0xc7: {  	s31 =	sand.u32 $0xF, s25;
	v10 =	vsel vm1, $0x7F61B1E6, v10  }
0xc8: {  	s30 =	sshll.u32 s28, $0x4;
	v13 =	vmov s31;
	(xrf0) =	vmin.scan.msk.f32 $0xffff, v10  }
0xc9: {  	s26 =	sadd.s32 s30, s26;
	vm2 =	veq.s32 v13, v2;
	v10 =	vld [tilespmem:s29+$0x2C00]  }
0xca: {  	s30 =	sand.u32 $0xF, s28;
	v11 =	vsel vm2, s26, v11  }
0xcb: {  	p0 =	slt.s32 s28, $0x1;
	s31 =	sshra.s32 s28, $0x1F;
	p1 =	sne.s32 s30, $0x0;
	[tilespmem:s29+$0x2B00] =	vst v11;
	v11 =	vsel vm2, v8, v12  }
0xcc: {  	v61 =	vmov s28;
	s31 =	sshrl.u32 s31, $0x1C;
	p0 =	por !p0, !p1  }
0xcd: {  	s30 =	simm.s32 $0x1;
	s28 =	sadd.s32 s31, s28;
	p0 =	por !p0, !p0  }
0xce: {  	s31 =	sshra.s32 s28, $0x4;
	s30 =	simm.s32 @!p0 $0x0;
	[tilespmem:s29+$0x2B80] =	vst v11;
	v10 =	vsel vm2, s26, v10;
	v11, _, _ =	vpop (xrf0)  }
0xcf: {  	s26 =	ssub.s32 s31, s30;
	[tilespmem:s29+$0x2C00] =	vst v10;
	v10 =	vbroadcast v11, $0xF  }
0xd0: {  	s28 =	sshll.u32 s26, $0x6;
	[tilespmem:v9+s4+$0x0] =	vst.idx.msk vm1, v0  }
0xd1: {  	s28 =	sshra.s32 s28, $0x2;
	[tilespmem:v61+s20+$0x0] =	vst.idx.msk $0x1, v10  }
0xd2: {  	v9 =	vld [tilespmem:s28+$0x2800];
	_ =	sdelay $0x4  }
0xd3: {  	(xrf0) =	vmin.scan.msk.f32 $0xffff, v9;
	_ =	sdelay $0x3  }
0xd4: {  	v9 =	vmov s26;
	_ =	sdelay $0x1  }
0xd5: {  	v10, _, _ =	vpop (xrf0)  }
0xd6: {  	v10 =	vbroadcast v10, $0xF;
	_ =	sdelay $0x1  }
0xd7: {  	[tilespmem:v9+s14+$0x0] =	vst.idx.msk $0x1, v10  }
0xd8: {  	v9 =	vld [tilespmem:$0x2A80]  }
0xd9: {  	v10 =	vld [tilespmem:$0x2A90]  }
0xda: {  	v11 =	vld [tilespmem:$0x2AA0];
	_ =	sdelay $0x3  }
0xdb: {  	v62 =	vmin.f32 v9, v10  }
0xdc: {  	v12 =	vmin.f32 v62, v11  }
0xdd: {  	(xrf0) =	vmin.scan.msk.f32 $0xffff, v12;
	_ =	sdelay $0x5  }
0xde: {  	v12, _, _ =	vpop (xrf0)  }
0xdf: {  	v63 =	vbroadcast v12, $0xF;
	_ =	sdelay $0x1  }
0xe0: {  	vm1 =	veq.f32 v11, v63  }
0xe1: {  	vm2 =	veq.f32 v10, v63;
	v10 =	vnsel vm1, $0x80002710, v4  }
0xe2: {  	vm1 =	veq.f32 v9, v63;
	v9 =	vsel vm2, v5, v10  }
0xe3: {  	v9 =	vsel vm1, v6, v9  }
0xe4: {  	(xrf0) =	vmin.scan.msk.u32 $0xffff, v9;
	_ =	sdelay $0x5  }
0xe5: {  	(v2sf) =	vpush v12, $0xF;
	v9, _, _ =	vpop (xrf0)  }
0xe6: {  	(v2sf) =	vpush v9, $0xF;
	_ =	sdelay $0xd  }
0xe7: {  	s26 =	spop (v2sf)  }
0xe8: {  	s28 =	spop (v2sf)  }
0xe9: {  	s28 =	sshll.u32 s28, $0x4  }
0xea: {  	v9 =	vld [tilespmem:s28+$0x2800];
	_ =	sdelay $0x4  }
0xeb: {  	vm1 =	veq.f32 v9, v63  }
0xec: {  	v9 =	vnsel vm1, $0x80000010, v6  }
0xed: {  	(xrf0) =	vmin.scan.msk.u32 $0xffff, v9;
	_ =	sdelay $0x5  }
0xee: {  	v9, _, _ =	vpop (xrf0)  }
0xef: {  	(v2sf) =	vpush v9, $0xF;
	_ =	sdelay $0x8  }
0xf0: {  	p0 =	sgt.u32 s25, $0x7E  }
0xf1: {  	p1 =	sle.f32 @!p0 s26, $9.999999770e-03;
	_ =	sdelay $0x1  }
0xf2: {  	p1 =	por p0, !p1  }
.Ltmp7:
0xf3: {  	_ = 	snop;
	(pc) =	sbr.rel @!p1 .LBB2_8-.Ltmp7, $4  }
0xf4: {  	_ = 	snop  }
0xf5: {  	s29 =	spop (v2sf)  }
0xf6: {  	s28 =	sadd.s32 s29, s28  }
0xf7: {  	s29 =	sadd.s32 $0x1, s25;
	s28 =	sadd.s32 $0x80000000, s28  }
.Ltmp8:
0xf8: {  	_ = 	snop;
	(pc) =	sbr.rel .LBB2_9-.Ltmp8, $1  }
0xf9: {  	_ =	sdelay $0x3  }
.LBB2_12:
0xfa: {  	_ =	sfence.sel $0x180000  }
0xfb: {  	[bflag:$0x0] =	sbarrier.arrive $0xFFFF  }
0xfc: {  	p0 =	sne.s32 s3, $0x0;
	_ =	strace $0x9000004D  }
0xfd: {  	s0 =	sadd.s32 @!p0 $0x100000, s0;
	[bflag:$0x2] =	sbarrier.arrive $0xFFFF  }
0xfe: {  	[sflag:s0] =	ssyncadd.tile.s32 @!p0 $0x1;
	_ =	shalt  }
.Lfunc_end2:
_tile_overlayer_lowered:
.L_overlay_start_2:
0xff: {  	(tag) =	ssettag $0x2  }
0x100: {  	s0 =	rddreg [dreg:$0x0];
	s2 =	stileid.u32  }
0x101: {  	s1 =	rddreg [dreg:$0x1];
	p0 =	sne.s32 s2, $0x0  }
0x102: {  	s3 =	rddreg [dreg:$0x2];
	[bflag:$0x3] =	sbarrier.arrive $0xFFFF;
	s2 =	simm.s32 @!p0 $0x1C02  }
0x103: {  	[timem:s3], [sflag:s2] =	dma.local @!p0 [hbm:s0], s1  }
0x104: {  	s0 =	simm.s32 @!p0 $0x2  }
0x105: {  	_ =	swait.ge @!p0 [sflag:s0], s1  }
0x106: {  	s1 =	ssub.s32 @!p0 $0x0, s1;
	[sflag:s0] =	ssyncset.done @!p0 $0x0  }
0x107: {  	[sflag:s0] =	ssyncadd.s32 @!p0 s1  }
0x108: {  	[bflag:$0x3] =	sbarrier.arrive $0xFFFF  }
0x109: {  	_ =	shalt  }

</sc_bundles>
